<compile_context>
chip_gen: v7x
topology: tpu7x:2x2x1
jax: 0.10.2.dev20260603
libtpu: 0.0.44.dev20260713+nightly
codegen_flags: <defaults>
</compile_context>

<pallas_src>
import functools

import jax
import jax.numpy as jnp
from jax import lax
from jax.experimental import pallas as pl
from jax.experimental.pallas import tpu as pltpu
from jax.experimental.pallas import tpu_sc as plsc

D = 64
NW = 32
CHUNK = 64
NBUF = 2
BM_WORDS = 32768


def _combine_body(fixed_ref, train_ref, out_ref):
    out_ref[...] = fixed_ref[...] + train_ref[...]


def _combine_tables(fixed, train):
    return pl.pallas_call(
        _combine_body,
        out_shape=jax.ShapeDtypeStruct(fixed.shape, fixed.dtype),
    )(fixed, train)


@functools.lru_cache(maxsize=None)
def _make_sc_lookup(n_tokens):
    npw = n_tokens // NW
    nchunk = npw // CHUNK
    assert nchunk % NBUF == 0
    ccap = npw // CHUNK
    mesh = plsc.VectorSubcoreMesh(core_axis_name="c", subcore_axis_name="s")

    @functools.partial(
        pl.kernel,
        out_type=jax.ShapeDtypeStruct((n_tokens, D), jnp.float32),
        mesh=mesh,
        scratch_types=[
            pltpu.VMEM((npw,), jnp.int32),
            pltpu.VMEM((npw,), jnp.float32),
            pltpu.VMEM((BM_WORDS,), jnp.int32),
            pltpu.VMEM((ccap, CHUNK), jnp.int32),
            pltpu.VMEM((ccap, CHUNK), jnp.int32),
            pltpu.VMEM((ccap, CHUNK), jnp.int32),
            pltpu.VMEM((NBUF, CHUNK, D), jnp.float32),
            pltpu.VMEM((NBUF, CHUNK, D), jnp.float32),
            pltpu.VMEM((CHUNK, D), jnp.float32),
            [pltpu.SemaphoreType.DMA] * NBUF,
            [pltpu.SemaphoreType.DMA] * NBUF,
        ],
        compiler_params=pltpu.CompilerParams(
            use_tc_tiling_on_sc=False, needs_layout_passes=False),
    )
    def sc_lookup(ids_hbm, vals_hbm, comb_hbm, reg_hbm, bm_hbm, v2c_hbm,
                  out_hbm,
                  ids_v, vals_v, bm_v, cid_v, crow_v, cmap_v,
                  reg_b, out_b, cust_b, sem_g, sem_w):
        wid = lax.axis_index("s") * 2 + lax.axis_index("c")
        base = wid * npw

        pltpu.sync_copy(bm_hbm, bm_v)
        pltpu.sync_copy(ids_hbm.at[pl.ds(base, npw)], ids_v)
        pltpu.sync_copy(vals_hbm.at[pl.ds(base, npw)], vals_v)

        iota16 = lax.iota(jnp.int32, 16)

        def mask_body(i, k):
            sl = pl.ds(i * 16, 16)
            tid = ids_v[sl]
            word = plsc.load_gather(bm_v, [tid >> 5])
            bit = (word >> (tid & 31)) & 1
            is_custom = bit > 0
            ids_v[sl] = jnp.where(is_custom, 0, tid)
            vals_v[sl] = jnp.where(is_custom, 0.0, vals_v[sl])
            pos = k + plsc.cumsum(bit) - 1
            row = pos >> 6
            col = pos & 63
            e_vec = i * 16 + iota16
            plsc.store_scatter(cid_v, [row, col], tid, mask=is_custom)
            plsc.store_scatter(crow_v, [row, col], base + e_vec, mask=is_custom)
            cnt = plsc.all_reduce_population_count(is_custom)
            return k + cnt[0]
        k_custom = lax.fori_loop(0, npw // 16, mask_body, jnp.int32(0))

        kpad = ((k_custom + CHUNK - 1) // CHUNK) * CHUNK

        @pl.when(k_custom > 0)
        def _():
            last = k_custom - 1
            lrow = last >> 6
            c16 = ((last & 63) >> 4) << 4
            vcid = cid_v[lrow, pl.ds(c16, 16)]
            vcrow = crow_v[lrow, pl.ds(c16, 16)]
            lane = last & 15
            sel = iota16 == lane
            neg16 = jnp.full((16,), -1, jnp.int32)
            cid_last = jnp.broadcast_to(
                lax.reduce_max(jnp.where(sel, vcid, neg16), (0,)), (16,))
            crow_last = jnp.broadcast_to(
                lax.reduce_max(jnp.where(sel, vcrow, neg16), (0,)), (16,))

            def pad_body(w, _):
                pos = k_custom + w * 16 + iota16
                msk = pos < kpad
                plsc.store_scatter(cid_v, [pos >> 6, pos & 63], cid_last,
                                   mask=msk)
                plsc.store_scatter(crow_v, [pos >> 6, pos & 63], crow_last,
                                   mask=msk)
                return 0
            lax.fori_loop(0, CHUNK // 16, pad_body, 0)

        def fire_gather(c, b):
            for q in range(CHUNK // 16):
                idx = ids_v[pl.ds(c * CHUNK + q * 16, 16)]
                pltpu.async_copy(reg_hbm.at[idx],
                                 reg_b.at[b].at[pl.ds(q * 16, 16)], sem_g[b])

        for b in range(NBUF):
            fire_gather(b, b)

        def pipe_body(i, _):
            for b in range(NBUF):
                c = i * NBUF + b
                co = c * CHUNK
                for q in range(CHUNK // 16):
                    pltpu.make_async_copy(
                        reg_hbm.at[ids_v[pl.ds(0, 16)]],
                        reg_b.at[b].at[pl.ds(q * 16, 16)], sem_g[b]).wait()

                @pl.when(c >= NBUF)
                def _():
                    pltpu.make_async_copy(
                        out_b.at[b], out_hbm.at[pl.ds(base, CHUNK)],
                        sem_w[b]).wait()

                def grp_body(g, _):
                    vv = vals_v[pl.ds(co + g * 16, 16)]
                    for j in range(16):
                        e = g * 16 + j
                        sp = jnp.broadcast_to(vv[j], (16,))
                        for d0 in range(0, D, 16):
                            dsl = pl.ds(d0, 16)
                            out_b[b, e, dsl] = reg_b[b, e, dsl] * sp
                    return 0
                lax.fori_loop(0, CHUNK // 16, grp_body, 0)

                pltpu.async_copy(
                    out_b.at[b], out_hbm.at[pl.ds(base + co, CHUNK)], sem_w[b])

                @pl.when(c + NBUF < nchunk)
                def _():
                    fire_gather(c + NBUF, b)
            return 0
        lax.fori_loop(0, nchunk // NBUF, pipe_body, 0)

        for b in range(NBUF):
            pltpu.make_async_copy(
                out_b.at[b], out_hbm.at[pl.ds(base, CHUNK)], sem_w[b]).wait()

        nbatch = (k_custom + CHUNK - 1) // CHUNK

        def cust_body(g, _):
            pltpu.sync_copy(v2c_hbm.at[cid_v.at[g]], cmap_v.at[g])
            pltpu.sync_copy(comb_hbm.at[cmap_v.at[g]], cust_b)
            pltpu.sync_copy(cust_b, out_hbm.at[crow_v.at[g]])
            return 0
        lax.fori_loop(0, nbatch, cust_body, 0)

    return sc_lookup


def kernel(feature_ids, feature_values, custom_fixed_table,
           custom_trainable_table, regular_table, vocab_to_custom):
    b, l = feature_ids.shape
    n = b * l
    ids = feature_ids.reshape(n)
    vals = feature_values.reshape(n)
    comb = _combine_tables(custom_fixed_table, custom_trainable_table)
    nw = (vocab_to_custom.shape[0] - 1) // 32
    bits = (vocab_to_custom[:nw * 32].reshape(nw, 32) > 0).astype(jnp.int32)
    bitmap = (bits << jnp.arange(32, dtype=jnp.int32)[None, :]).sum(
        axis=1, dtype=jnp.int32)
    bitmap = jnp.pad(bitmap, (0, BM_WORDS - nw))
    out = _make_sc_lookup(n)(ids, vals, comb, regular_table, bitmap,
                             vocab_to_custom)
    return out.reshape(b, l, D)

# --- scband reference (transcript-rebuilt; emitter-appended) ---
"""Pipeline reference for scband-custom-embeddings-9345848836758 (READ-ONLY COPY).

The authoritative reference and input builder live on the scoring server;
editing this copy changes nothing except your own understanding.
"""

import jax, jax.numpy as jnp
import numpy as np

VOCAB = 1000000
N_CUSTOM = 10000
D = 64
B, L = 4096, 26


def setup_inputs(seed: int = 0) -> dict:
    key = jax.random.key(seed)
    k1, k2, k3, k4 = jax.random.split(key, 4)
    feature_ids = jax.random.randint(k1, (B, L), 0, VOCAB, dtype=jnp.int32)
    feature_values = jax.random.uniform(k2, (B, L), dtype=jnp.float32)
    # custom_indices: unique, nonzero ids inside the regular vocabulary
    custom_indices = jnp.arange(1, N_CUSTOM + 1, dtype=jnp.int32) * 97  # max 970000 < VOCAB, all unique & nonzero
    # custom fixed (pretrained, frozen) table with padding row 0 prepended
    custom_weights = jax.random.normal(k3, (N_CUSTOM, D), dtype=jnp.float32)
    custom_fixed_table = jnp.concatenate([jnp.zeros((1, D), dtype=jnp.float32), custom_weights], axis=0)
    # custom trainable table, zero-initialized (nn.init.zeros_)
    custom_trainable_table = jnp.zeros((N_CUSTOM + 1, D), dtype=jnp.float32)
    # regular embedding table (padding row 0)
    regular_table = jax.random.normal(k4, (VOCAB + 1, D), dtype=jnp.float32) * 0.01
    # vocab_to_custom buffer: maps vocab id -> 1..N_CUSTOM (0 elsewhere)
    vocab_to_custom = jnp.zeros((VOCAB + 1,), dtype=jnp.int32).at[custom_indices].set(
        jnp.arange(1, N_CUSTOM + 1, dtype=jnp.int32))
    return {
        'feature_ids': feature_ids,
        'feature_values': feature_values,
        'custom_fixed_table': custom_fixed_table,
        'custom_trainable_table': custom_trainable_table,
        'regular_table': regular_table,
        'vocab_to_custom': vocab_to_custom,
    }


def reference(feature_ids, feature_values, custom_fixed_table, custom_trainable_table,
              regular_table, vocab_to_custom):
    # torch.isin(feature_ids, custom_indices) == (vocab_to_custom[feature_ids] > 0)
    # since vocab_to_custom is nonzero exactly at custom_indices
    custom_embeddings_mask = vocab_to_custom[feature_ids] > 0
    custom_features = jnp.where(custom_embeddings_mask, feature_ids, 0)
    reg_ids = jnp.where(~custom_embeddings_mask, feature_ids, 0)
    reg_vals = jnp.where(~custom_embeddings_mask, feature_values, 0.0)
    # map vocab ids -> custom table rows (0 = padding)
    custom_mapped = vocab_to_custom[custom_features]
    custom_emb = jnp.take(custom_fixed_table, custom_mapped, axis=0)
    custom_trainable_emb = jnp.take(custom_trainable_table, custom_mapped, axis=0)
    # combine_embeddings with aggregate='none': elementwise sum, no reduction
    custom_emb = custom_emb + custom_trainable_emb
    # regular embeddings: weighted lookup (feature_values zeroed at custom slots)
    regular_emb = jnp.take(regular_table, reg_ids, axis=0) * reg_vals[..., None]
    # linear_transform is Identity (custom dim == embedding_dim == 64)
    return custom_emb + regular_emb

if __name__ == "__main__":
    import jax
    _d = setup_inputs()
    print(jax.jit(kernel)(*tuple(_d.values())))

</pallas_src>

<mosaic_0001>
#map = affine_map<(d0, d1) -> (0)>
#map1 = affine_map<(d0, d1) -> (0, 0)>
module attributes {stable_mosaic.version = 14 : i64} {
  func.func @sc_lookup(%arg0: i32, %arg1: i32, %arg2: memref<106496xi32, #tpu.memory_space<hbm>>, %arg3: memref<106496xf32, #tpu.memory_space<hbm>>, %arg4: memref<10001x64xf32, #tpu.memory_space<hbm>>, %arg5: memref<1000001x64xf32, #tpu.memory_space<hbm>>, %arg6: memref<32768xi32, #tpu.memory_space<hbm>>, %arg7: memref<1000001xi32, #tpu.memory_space<hbm>>, %arg8: memref<106496x64xf32, #tpu.memory_space<hbm>>, %arg9: memref<3328xi32, #tpu.memory_space<vmem>>, %arg10: memref<3328xf32, #tpu.memory_space<vmem>>, %arg11: memref<32768xi32, #tpu.memory_space<vmem>>, %arg12: memref<52x64xi32, #tpu.memory_space<vmem>>, %arg13: memref<52x64xi32, #tpu.memory_space<vmem>>, %arg14: memref<52x64xi32, #tpu.memory_space<vmem>>, %arg15: memref<2x64x64xf32, #tpu.memory_space<vmem>>, %arg16: memref<2x64x64xf32, #tpu.memory_space<vmem>>, %arg17: memref<64x64xf32, #tpu.memory_space<vmem>>, %arg18: memref<!tpu.dma_semaphore, #tpu.memory_space<semaphore_mem>>, %arg19: memref<!tpu.dma_semaphore, #tpu.memory_space<semaphore_mem>>, %arg20: memref<!tpu.dma_semaphore, #tpu.memory_space<semaphore_mem>>, %arg21: memref<!tpu.dma_semaphore, #tpu.memory_space<semaphore_mem>>) attributes {dimension_semantics = [#tpu.dimension_semantics<core_parallel>, #tpu.dimension_semantics<subcore_parallel>], iteration_bounds = array<i64: 2, 16>, scalar_prefetch = 0 : i64, scratch_operands = 13 : i64, tpu.core_type = #tpu.core_type<sc_vector_subcore>, window_params = [{transform_indices = #map}, {transform_indices = #map}, {transform_indices = #map1}, {transform_indices = #map1}, {transform_indices = #map}, {transform_indices = #map}, {transform_indices = #map1}]} {
    %mul3A = arith.constant 2 : i32
    %mul3A_0 = arith.muli %arg1, %mul3A : i32
    %add3A = arith.addi %mul3A_0, %arg0 : i32
    %mul3A_1 = arith.constant 3328 : i32
    %mul3A_2 = arith.muli %add3A, %mul3A_1 : i32
    "tpu.region"() ({
      %run_scoped3A = tpu.sem_alloc : memref<!tpu.dma_semaphore, #tpu.memory_space<semaphore_mem>>
      tpu.enqueue_dma source(%arg6 : memref<32768xi32, #tpu.memory_space<hbm>>) target(%arg11 : memref<32768xi32, #tpu.memory_space<vmem>>) target_semaphore(%run_scoped3A : memref<!tpu.dma_semaphore, #tpu.memory_space<semaphore_mem>>)
      tpu.wait_dma2 semaphore(%run_scoped3A : memref<!tpu.dma_semaphore, #tpu.memory_space<semaphore_mem>>) src(%arg6 : memref<32768xi32, #tpu.memory_space<hbm>>) dst(%arg11 : memref<32768xi32, #tpu.memory_space<vmem>>)
      tpu.yield
    }) : () -> ()
    "tpu.region"() ({
      %run_scoped3A = tpu.sem_alloc : memref<!tpu.dma_semaphore, #tpu.memory_space<semaphore_mem>>
      %dma_start3A_206 = tpu.memref_slice %arg2[%mul3A_2] : memref<106496xi32, #tpu.memory_space<hbm>> -> memref<3328xi32, #tpu.memory_space<hbm>>
      %dma_start3A_207 = tpu.memref_slice %arg2[%mul3A_2] : memref<106496xi32, #tpu.memory_space<hbm>> -> memref<3328xi32, #tpu.memory_space<hbm>>
      tpu.enqueue_dma source(%dma_start3A_207 : memref<3328xi32, #tpu.memory_space<hbm>>) target(%arg9 : memref<3328xi32, #tpu.memory_space<vmem>>) target_semaphore(%run_scoped3A : memref<!tpu.dma_semaphore, #tpu.memory_space<semaphore_mem>>)
      %dma_wait3A_208 = tpu.memref_slice %arg2[%mul3A_2] : memref<106496xi32, #tpu.memory_space<hbm>> -> memref<3328xi32, #tpu.memory_space<hbm>>
      %dma_wait3A_209 = tpu.memref_slice %arg2[%mul3A_2] : memref<106496xi32, #tpu.memory_space<hbm>> -> memref<3328xi32, #tpu.memory_space<hbm>>
      tpu.wait_dma2 semaphore(%run_scoped3A : memref<!tpu.dma_semaphore, #tpu.memory_space<semaphore_mem>>) src(%dma_wait3A_209 : memref<3328xi32, #tpu.memory_space<hbm>>) dst(%arg9 : memref<3328xi32, #tpu.memory_space<vmem>>)
      tpu.yield
    }) : () -> ()
    "tpu.region"() ({
      %run_scoped3A = tpu.sem_alloc : memref<!tpu.dma_semaphore, #tpu.memory_space<semaphore_mem>>
      %dma_start3A_206 = tpu.memref_slice %arg3[%mul3A_2] : memref<106496xf32, #tpu.memory_space<hbm>> -> memref<3328xf32, #tpu.memory_space<hbm>>
      %dma_start3A_207 = tpu.memref_slice %arg3[%mul3A_2] : memref<106496xf32, #tpu.memory_space<hbm>> -> memref<3328xf32, #tpu.memory_space<hbm>>
      tpu.enqueue_dma source(%dma_start3A_207 : memref<3328xf32, #tpu.memory_space<hbm>>) target(%arg10 : memref<3328xf32, #tpu.memory_space<vmem>>) target_semaphore(%run_scoped3A : memref<!tpu.dma_semaphore, #tpu.memory_space<semaphore_mem>>)
      %dma_wait3A_208 = tpu.memref_slice %arg3[%mul3A_2] : memref<106496xf32, #tpu.memory_space<hbm>> -> memref<3328xf32, #tpu.memory_space<hbm>>
      %dma_wait3A_209 = tpu.memref_slice %arg3[%mul3A_2] : memref<106496xf32, #tpu.memory_space<hbm>> -> memref<3328xf32, #tpu.memory_space<hbm>>
      tpu.wait_dma2 semaphore(%run_scoped3A : memref<!tpu.dma_semaphore, #tpu.memory_space<semaphore_mem>>) src(%dma_wait3A_209 : memref<3328xf32, #tpu.memory_space<hbm>>) dst(%arg10 : memref<3328xf32, #tpu.memory_space<vmem>>)
      tpu.yield
    }) : () -> ()
    %iota3A = tpu.iota {dimensions = array<i32: 0>} : vector<16xi32>
    %scan3A = arith.constant 0 : i32
    %scan3A_3 = arith.constant 0 : i32
    %scan3A_4 = arith.constant 208 : i32
    %scan3A_5 = arith.addi %scan3A_3, %scan3A_4 : i32
    %scan3A_6 = arith.constant 1 : i32
    %scan3A_7 = scf.for %scan3A_206 = %scan3A_3 to %scan3A_5 step %scan3A_6 iter_args(%scan3A_207 = %scan3A) -> (i32)  : i32 {
      %mul3A_208 = arith.constant 16 : i32
      %mul3A_209 = arith.muli %scan3A_206, %mul3A_208 : i32
      %get3A_210 = arith.index_cast %mul3A_209 : i32 to index
      %get3A_211 = tpu.vector_load %arg9[%get3A_210] {strides = array<i32>} : memref<3328xi32, #tpu.memory_space<vmem>>, vector<16xi32>,
      %shift_right_arithmetic3A = arith.constant 5 : i32
      %shift_right_arithmetic3A_212 = vector.broadcast %shift_right_arithmetic3A : i32 to vector<16xi32>
      %shift_right_arithmetic3A_213 = arith.shrsi %get3A_211, %shift_right_arithmetic3A_212 : vector<16xi32>
      %gather3A = tpu.vector_load_idx %arg11[%shift_right_arithmetic3A_213] : memref<32768xi32, #tpu.memory_space<vmem>>[vector<16xi32>], vector<16xi32>,
      %and3A_214 = arith.constant 31 : i32
      %and3A_215 = vector.broadcast %and3A_214 : i32 to vector<16xi32>
      %and3A_216 = arith.andi %get3A_211, %and3A_215 : vector<16xi32>
      %shift_right_arithmetic3A_217 = arith.shrsi %gather3A, %and3A_216 : vector<16xi32>
      %and3A_218 = arith.constant 1 : i32
      %and3A_219 = vector.broadcast %and3A_218 : i32 to vector<16xi32>
      %and3A_220 = arith.andi %shift_right_arithmetic3A_217, %and3A_219 : vector<16xi32>
      %gt3A_221 = arith.constant 0 : i32
      %gt3A_222 = vector.broadcast %gt3A_221 : i32 to vector<16xi32>
      %gt3A_223 = arith.cmpi sgt, %and3A_220, %gt3A_222 : vector<16xi32>
      %jit3A_224 = arith.constant 0 : i32
      %broadcast_in_dim3A = vector.broadcast %jit3A_224 : i32 to vector<16xi32>
      %select_n3A_225 = arith.select %gt3A_223, %broadcast_in_dim3A, %get3A_211 : vector<16xi1>, vector<16xi32>
      %swap3A = arith.index_cast %mul3A_209 : i32 to index
      %swap3A_226 = tpu.vector_load %arg9[%swap3A] {strides = array<i32>} : memref<3328xi32, #tpu.memory_space<vmem>>, vector<16xi32>,
      tpu.vector_store %arg9[%swap3A], %select_n3A_225 {strides = array<i32>} : memref<3328xi32, #tpu.memory_space<vmem>>, vector<16xi32>,
      %get3A_227 = arith.index_cast %mul3A_209 : i32 to index
      %get3A_228 = tpu.vector_load %arg10[%get3A_227] {strides = array<i32>} : memref<3328xf32, #tpu.memory_space<vmem>>, vector<16xf32>,
      %jit3A_229 = arith.constant 0.000000e+00 : f32
      %broadcast_in_dim3A_230 = vector.broadcast %jit3A_229 : f32 to vector<16xf32>
      %select_n3A_231 = arith.select %gt3A_223, %broadcast_in_dim3A_230, %get3A_228 : vector<16xi1>, vector<16xf32>
      %swap3A_232 = arith.index_cast %mul3A_209 : i32 to index
      %swap3A_233 = tpu.vector_load %arg10[%swap3A_232] {strides = array<i32>} : memref<3328xf32, #tpu.memory_space<vmem>>, vector<16xf32>,
      tpu.vector_store %arg10[%swap3A_232], %select_n3A_231 {strides = array<i32>} : memref<3328xf32, #tpu.memory_space<vmem>>, vector<16xf32>,
      %broadcast_in_dim3A_234 = arith.constant true
      %broadcast_in_dim3A_235 = vector.broadcast %broadcast_in_dim3A_234 : i1 to vector<16xi1>
      %masked_cumsum3A = tpu.scan <sum>, %and3A_220 masked %broadcast_in_dim3A_235 : vector<16xi32>, vector<16xi1> -> vector<16xi32>
      %add3A_236 = vector.broadcast %scan3A_207 : i32 to vector<16xi32>
      %add3A_237 = arith.addi %add3A_236, %masked_cumsum3A : vector<16xi32>
      %sub3A_238 = arith.constant 1 : i32
      %sub3A_239 = vector.broadcast %sub3A_238 : i32 to vector<16xi32>
      %sub3A_240 = arith.subi %add3A_237, %sub3A_239 : vector<16xi32>
      %shift_right_arithmetic3A_241 = arith.constant 6 : i32
      %shift_right_arithmetic3A_242 = vector.broadcast %shift_right_arithmetic3A_241 : i32 to vector<16xi32>
      %shift_right_arithmetic3A_243 = arith.shrsi %sub3A_240, %shift_right_arithmetic3A_242 : vector<16xi32>
      %and3A_244 = arith.constant 63 : i32
      %and3A_245 = vector.broadcast %and3A_244 : i32 to vector<16xi32>
      %and3A_246 = arith.andi %sub3A_240, %and3A_245 : vector<16xi32>
      %mul3A_247 = arith.constant 16 : i32
      %mul3A_248 = arith.muli %scan3A_206, %mul3A_247 : i32
      %add3A_249 = vector.broadcast %mul3A_248 : i32 to vector<16xi32>
      %add3A_250 = arith.addi %add3A_249, %iota3A : vector<16xi32>
      tpu.vector_store_idx %arg12[%shift_right_arithmetic3A_243, %and3A_246], %get3A_211 masked %gt3A_223 : memref<52x64xi32, #tpu.memory_space<vmem>>[vector<16xi32>, vector<16xi32>], vector<16xi32>, vector<16xi1>
      %add3A_251 = vector.broadcast %mul3A_2 : i32 to vector<16xi32>
      %add3A_252 = arith.addi %add3A_251, %add3A_250 : vector<16xi32>
      tpu.vector_store_idx %arg13[%shift_right_arithmetic3A_243, %and3A_246], %add3A_252 masked %gt3A_223 : memref<52x64xi32, #tpu.memory_space<vmem>>[vector<16xi32>, vector<16xi32>], vector<16xi32>, vector<16xi1>
      %all_reduce_population_count3A = tpu.all_reduce %gt3A_223 {dim = 0 : i64, kind = #tpu.reduction_kind<sum>} : vector<16xi1> -> vector<16xi32>
      %slice3A = vector.extract_strided_slice %all_reduce_population_count3A {offsets = [0], sizes = [1], strides = [1]} : vector<16xi32> to vector<1xi32>
      %squeeze3A = vector.extract %slice3A[0] : i32 from vector<1xi32>
      %add3A_253 = arith.addi %scan3A_207, %squeeze3A : i32
      scf.yield %add3A_253 : i32
    }
    %scan3A_8 = arith.constant 208 : i32
    %add3A_9 = arith.constant 64 : i32
    %add3A_10 = arith.addi %scan3A_7, %add3A_9 : i32
    %sub3A = arith.constant 1 : i32
    %sub3A_11 = arith.subi %add3A_10, %sub3A : i32
    %jit3A = arith.constant 64 : i32
    %div3A = arith.divsi %sub3A_11, %jit3A : i32
    %sign3A = arith.constant 0 : i32
    %sign3A_12 = arith.cmpi sgt, %sub3A_11, %sign3A : i32
    %sign3A_13 = arith.extui %sign3A_12 : i1 to i32
    %sign3A_14 = arith.constant 0 : i32
    %sign3A_15 = arith.cmpi slt, %sub3A_11, %sign3A_14 : i32
    %sign3A_16 = arith.extui %sign3A_15 : i1 to i32
    %sign3A_17 = arith.subi %sign3A_13, %sign3A_16 : i32
    %sign3A_18 = arith.constant 0 : i32
    %sign3A_19 = arith.cmpi sgt, %jit3A, %sign3A_18 : i32
    %sign3A_20 = arith.extui %sign3A_19 : i1 to i32
    %sign3A_21 = arith.constant 0 : i32
    %sign3A_22 = arith.cmpi slt, %jit3A, %sign3A_21 : i32
    %sign3A_23 = arith.extui %sign3A_22 : i1 to i32
    %sign3A_24 = arith.subi %sign3A_20, %sign3A_23 : i32
    %ne3A = arith.cmpi ne, %sign3A_17, %sign3A_24 : i32
    %rem3A = arith.remsi %sub3A_11, %jit3A : i32
    %ne3A_25 = arith.constant 0 : i32
    %ne3A_26 = arith.cmpi ne, %rem3A, %ne3A_25 : i32
    %and3A = arith.andi %ne3A, %ne3A_26 : i1
    %sub3A_27 = arith.constant 1 : i32
    %sub3A_28 = arith.subi %div3A, %sub3A_27 : i32
    %select_n3A = arith.select %and3A, %sub3A_28, %div3A : i32
    %mul3A_29 = arith.constant 64 : i32
    %mul3A_30 = arith.muli %select_n3A, %mul3A_29 : i32
    %gt3A = arith.constant 0 : i32
    %gt3A_31 = arith.cmpi sgt, %scan3A_7, %gt3A : i32
    %convert_element_type3A = arith.extui %gt3A_31 : i1 to i32
    %cond3A = arith.constant 0 : i32
    %cond3A_32 = arith.cmpi ne, %convert_element_type3A, %cond3A : i32
    scf.if %cond3A_32 {
      %sub3A_206 = arith.constant 1 : i32
      %sub3A_207 = arith.subi %scan3A_7, %sub3A_206 : i32
      %shift_right_arithmetic3A = arith.constant 6 : i32
      %shift_right_arithmetic3A_208 = arith.shrsi %sub3A_207, %shift_right_arithmetic3A : i32
      %and3A_209 = arith.constant 63 : i32
      %and3A_210 = arith.andi %sub3A_207, %and3A_209 : i32
      %shift_right_arithmetic3A_211 = arith.constant 4 : i32
      %shift_right_arithmetic3A_212 = arith.shrsi %and3A_210, %shift_right_arithmetic3A_211 : i32
      %shift_left3A = arith.constant 4 : i32
      %shift_left3A_213 = arith.shli %shift_right_arithmetic3A_212, %shift_left3A : i32
      %get3A_214 = arith.index_cast %shift_right_arithmetic3A_208 : i32 to index
      %get3A_215 = arith.index_cast %shift_left3A_213 : i32 to index
      %get3A_216 = tpu.vector_load %arg12[%get3A_214, %get3A_215] {strides = array<i32>} : memref<52x64xi32, #tpu.memory_space<vmem>>, vector<16xi32>,
      %get3A_217 = arith.index_cast %shift_right_arithmetic3A_208 : i32 to index
      %get3A_218 = arith.index_cast %shift_left3A_213 : i32 to index
      %get3A_219 = tpu.vector_load %arg13[%get3A_217, %get3A_218] {strides = array<i32>} : memref<52x64xi32, #tpu.memory_space<vmem>>, vector<16xi32>,
      %and3A_220 = arith.constant 15 : i32
      %and3A_221 = arith.andi %sub3A_207, %and3A_220 : i32
      %eq3A = vector.broadcast %and3A_221 : i32 to vector<16xi32>
      %eq3A_222 = arith.cmpi eq, %iota3A, %eq3A : vector<16xi32>
      %broadcast_in_dim3A = arith.constant -1 : i32
      %broadcast_in_dim3A_223 = vector.broadcast %broadcast_in_dim3A : i32 to vector<16xi32>
      %select_n3A_224 = arith.select %eq3A_222, %get3A_216, %broadcast_in_dim3A_223 : vector<16xi1>, vector<16xi32>
      %reduce_max3A = arith.constant true
      %reduce_max3A_225 = vector.broadcast %reduce_max3A : i1 to vector<16xi1>
      %reduce_max3A_226 = arith.constant -2147483648 : i32
      %reduce_max3A_227 = vector.broadcast %reduce_max3A_226 : i32 to vector<16xi32>
      %reduce_max3A_228 = arith.xori %select_n3A_224, %reduce_max3A_227 : vector<16xi32>
      %reduce_max3A_229 = tpu.scan <max>, %reduce_max3A_228 masked %reduce_max3A_225 : vector<16xi32>, vector<16xi1> -> vector<16xi32>
      %reduce_max3A_230 = arith.xori %reduce_max3A_229, %reduce_max3A_227 : vector<16xi32>
      %reduce_max3A_231 = vector.extract %reduce_max3A_230[15] : i32 from vector<16xi32>
      %broadcast_in_dim3A_232 = vector.broadcast %reduce_max3A_231 : i32 to vector<16xi32>
      %select_n3A_233 = arith.select %eq3A_222, %get3A_219, %broadcast_in_dim3A_223 : vector<16xi1>, vector<16xi32>
      %reduce_max3A_234 = arith.constant true
      %reduce_max3A_235 = vector.broadcast %reduce_max3A_234 : i1 to vector<16xi1>
      %reduce_max3A_236 = arith.constant -2147483648 : i32
      %reduce_max3A_237 = vector.broadcast %reduce_max3A_236 : i32 to vector<16xi32>
      %reduce_max3A_238 = arith.xori %select_n3A_233, %reduce_max3A_237 : vector<16xi32>
      %reduce_max3A_239 = tpu.scan <max>, %reduce_max3A_238 masked %reduce_max3A_235 : vector<16xi32>, vector<16xi1> -> vector<16xi32>
      %reduce_max3A_240 = arith.xori %reduce_max3A_239, %reduce_max3A_237 : vector<16xi32>
      %reduce_max3A_241 = vector.extract %reduce_max3A_240[15] : i32 from vector<16xi32>
      %broadcast_in_dim3A_242 = vector.broadcast %reduce_max3A_241 : i32 to vector<16xi32>
      %scan3A_243 = arith.constant 0 : i32
      %scan3A_244 = arith.constant 0 : i32
      %scan3A_245 = arith.constant 4 : i32
      %scan3A_246 = arith.addi %scan3A_244, %scan3A_245 : i32
      %scan3A_247 = arith.constant 1 : i32
      %scan3A_248 = scf.for %scan3A_250 = %scan3A_244 to %scan3A_246 step %scan3A_247 iter_args(%scan3A_251 = %scan3A_243) -> (i32)  : i32 {
        %mul3A_252 = arith.constant 16 : i32
        %mul3A_253 = arith.muli %scan3A_250, %mul3A_252 : i32
        %add3A_254 = arith.addi %scan3A_7, %mul3A_253 : i32
        %add3A_255 = vector.broadcast %add3A_254 : i32 to vector<16xi32>
        %add3A_256 = arith.addi %add3A_255, %iota3A : vector<16xi32>
        %lt3A = vector.broadcast %mul3A_30 : i32 to vector<16xi32>
        %lt3A_257 = arith.cmpi slt, %add3A_256, %lt3A : vector<16xi32>
        %shift_right_arithmetic3A_258 = arith.constant 6 : i32
        %shift_right_arithmetic3A_259 = vector.broadcast %shift_right_arithmetic3A_258 : i32 to vector<16xi32>
        %shift_right_arithmetic3A_260 = arith.shrsi %add3A_256, %shift_right_arithmetic3A_259 : vector<16xi32>
        %and3A_261 = arith.constant 63 : i32
        %and3A_262 = vector.broadcast %and3A_261 : i32 to vector<16xi32>
        %and3A_263 = arith.andi %add3A_256, %and3A_262 : vector<16xi32>
        tpu.vector_store_idx %arg12[%shift_right_arithmetic3A_260, %and3A_263], %broadcast_in_dim3A_232 masked %lt3A_257 : memref<52x64xi32, #tpu.memory_space<vmem>>[vector<16xi32>, vector<16xi32>], vector<16xi32>, vector<16xi1>
        %shift_right_arithmetic3A_264 = arith.constant 6 : i32
        %shift_right_arithmetic3A_265 = vector.broadcast %shift_right_arithmetic3A_264 : i32 to vector<16xi32>
        %shift_right_arithmetic3A_266 = arith.shrsi %add3A_256, %shift_right_arithmetic3A_265 : vector<16xi32>
        %and3A_267 = arith.constant 63 : i32
        %and3A_268 = vector.broadcast %and3A_267 : i32 to vector<16xi32>
        %and3A_269 = arith.andi %add3A_256, %and3A_268 : vector<16xi32>
        tpu.vector_store_idx %arg13[%shift_right_arithmetic3A_266, %and3A_269], %broadcast_in_dim3A_242 masked %lt3A_257 : memref<52x64xi32, #tpu.memory_space<vmem>>[vector<16xi32>, vector<16xi32>], vector<16xi32>, vector<16xi1>
        %scan3A_270 = arith.constant 0 : i32
        scf.yield %scan3A_270 : i32
      }
      %scan3A_249 = arith.constant 4 : i32
    } else {
    }
    %get3A = arith.constant 0 : index
    %get3A_33 = tpu.vector_load %arg9[%get3A] {strides = array<i32>} : memref<3328xi32, #tpu.memory_space<vmem>>, vector<16xi32>,
    %dma_start3A = arith.constant 0 : i32
    %dma_start3A_34 = arith.constant 0 : i32
    %dma_start3A_35 = arith.constant 0 : i32
    %dma_start3A_36 = tpu.memref_slice %arg15[%dma_start3A, %dma_start3A_34, %dma_start3A_35] : memref<2x64x64xf32, #tpu.memory_space<vmem>> -> memref<1x64x64xf32, #tpu.memory_space<vmem>>
    %dma_start3A_37 = tpu.memref_squeeze %dma_start3A_36 : memref<1x64x64xf32, #tpu.memory_space<vmem>> -> memref<64x64xf32, #tpu.memory_space<vmem>>
    %dma_start3A_38 = arith.constant 0 : i32
    %dma_start3A_39 = arith.constant 0 : i32
    %dma_start3A_40 = tpu.memref_slice %dma_start3A_37[%dma_start3A_38, %dma_start3A_39] : memref<64x64xf32, #tpu.memory_space<vmem>> -> memref<16x64xf32, #tpu.memory_space<vmem>>
    %dma_start3A_41 = arith.constant 0 : i32
    %dma_start3A_42 = arith.constant 0 : i32
    %dma_start3A_43 = tpu.memref_slice %arg5[%dma_start3A_41, %dma_start3A_42] : memref<1000001x64xf32, #tpu.memory_space<hbm>> -> memref<1000001x64xf32, #tpu.memory_space<hbm>>
    tpu.enqueue_indirect_dma source(%dma_start3A_43 : memref<1000001x64xf32, #tpu.memory_space<hbm>>) target(%dma_start3A_40 : memref<16x64xf32, #tpu.memory_space<vmem>>) offsets(%get3A_33 : vector<16xi32>) semaphore(%arg18 : memref<!tpu.dma_semaphore, #tpu.memory_space<semaphore_mem>>)
    %get3A_44 = arith.constant 16 : index
    %get3A_45 = tpu.vector_load %arg9[%get3A_44] {strides = array<i32>} : memref<3328xi32, #tpu.memory_space<vmem>>, vector<16xi32>,
    %dma_start3A_46 = arith.constant 0 : i32
    %dma_start3A_47 = arith.constant 0 : i32
    %dma_start3A_48 = arith.constant 0 : i32
    %dma_start3A_49 = tpu.memref_slice %arg15[%dma_start3A_46, %dma_start3A_47, %dma_start3A_48] : memref<2x64x64xf32, #tpu.memory_space<vmem>> -> memref<1x64x64xf32, #tpu.memory_space<vmem>>
    %dma_start3A_50 = tpu.memref_squeeze %dma_start3A_49 : memref<1x64x64xf32, #tpu.memory_space<vmem>> -> memref<64x64xf32, #tpu.memory_space<vmem>>
    %dma_start3A_51 = arith.constant 16 : i32
    %dma_start3A_52 = arith.constant 0 : i32
    %dma_start3A_53 = tpu.memref_slice %dma_start3A_50[%dma_start3A_51, %dma_start3A_52] : memref<64x64xf32, #tpu.memory_space<vmem>> -> memref<16x64xf32, #tpu.memory_space<vmem>>
    %dma_start3A_54 = arith.constant 0 : i32
    %dma_start3A_55 = arith.constant 0 : i32
    %dma_start3A_56 = tpu.memref_slice %arg5[%dma_start3A_54, %dma_start3A_55] : memref<1000001x64xf32, #tpu.memory_space<hbm>> -> memref<1000001x64xf32, #tpu.memory_space<hbm>>
    tpu.enqueue_indirect_dma source(%dma_start3A_56 : memref<1000001x64xf32, #tpu.memory_space<hbm>>) target(%dma_start3A_53 : memref<16x64xf32, #tpu.memory_space<vmem>>) offsets(%get3A_45 : vector<16xi32>) semaphore(%arg18 : memref<!tpu.dma_semaphore, #tpu.memory_space<semaphore_mem>>)
    %get3A_57 = arith.constant 32 : index
    %get3A_58 = tpu.vector_load %arg9[%get3A_57] {strides = array<i32>} : memref<3328xi32, #tpu.memory_space<vmem>>, vector<16xi32>,
    %dma_start3A_59 = arith.constant 0 : i32
    %dma_start3A_60 = arith.constant 0 : i32
    %dma_start3A_61 = arith.constant 0 : i32
    %dma_start3A_62 = tpu.memref_slice %arg15[%dma_start3A_59, %dma_start3A_60, %dma_start3A_61] : memref<2x64x64xf32, #tpu.memory_space<vmem>> -> memref<1x64x64xf32, #tpu.memory_space<vmem>>
    %dma_start3A_63 = tpu.memref_squeeze %dma_start3A_62 : memref<1x64x64xf32, #tpu.memory_space<vmem>> -> memref<64x64xf32, #tpu.memory_space<vmem>>
    %dma_start3A_64 = arith.constant 32 : i32
    %dma_start3A_65 = arith.constant 0 : i32
    %dma_start3A_66 = tpu.memref_slice %dma_start3A_63[%dma_start3A_64, %dma_start3A_65] : memref<64x64xf32, #tpu.memory_space<vmem>> -> memref<16x64xf32, #tpu.memory_space<vmem>>
    %dma_start3A_67 = arith.constant 0 : i32
    %dma_start3A_68 = arith.constant 0 : i32
    %dma_start3A_69 = tpu.memref_slice %arg5[%dma_start3A_67, %dma_start3A_68] : memref<1000001x64xf32, #tpu.memory_space<hbm>> -> memref<1000001x64xf32, #tpu.memory_space<hbm>>
    tpu.enqueue_indirect_dma source(%dma_start3A_69 : memref<1000001x64xf32, #tpu.memory_space<hbm>>) target(%dma_start3A_66 : memref<16x64xf32, #tpu.memory_space<vmem>>) offsets(%get3A_58 : vector<16xi32>) semaphore(%arg18 : memref<!tpu.dma_semaphore, #tpu.memory_space<semaphore_mem>>)
    %get3A_70 = arith.constant 48 : index
    %get3A_71 = tpu.vector_load %arg9[%get3A_70] {strides = array<i32>} : memref<3328xi32, #tpu.memory_space<vmem>>, vector<16xi32>,
    %dma_start3A_72 = arith.constant 0 : i32
    %dma_start3A_73 = arith.constant 0 : i32
    %dma_start3A_74 = arith.constant 0 : i32
    %dma_start3A_75 = tpu.memref_slice %arg15[%dma_start3A_72, %dma_start3A_73, %dma_start3A_74] : memref<2x64x64xf32, #tpu.memory_space<vmem>> -> memref<1x64x64xf32, #tpu.memory_space<vmem>>
    %dma_start3A_76 = tpu.memref_squeeze %dma_start3A_75 : memref<1x64x64xf32, #tpu.memory_space<vmem>> -> memref<64x64xf32, #tpu.memory_space<vmem>>
    %dma_start3A_77 = arith.constant 48 : i32
    %dma_start3A_78 = arith.constant 0 : i32
    %dma_start3A_79 = tpu.memref_slice %dma_start3A_76[%dma_start3A_77, %dma_start3A_78] : memref<64x64xf32, #tpu.memory_space<vmem>> -> memref<16x64xf32, #tpu.memory_space<vmem>>
    %dma_start3A_80 = arith.constant 0 : i32
    %dma_start3A_81 = arith.constant 0 : i32
    %dma_start3A_82 = tpu.memref_slice %arg5[%dma_start3A_80, %dma_start3A_81] : memref<1000001x64xf32, #tpu.memory_space<hbm>> -> memref<1000001x64xf32, #tpu.memory_space<hbm>>
    tpu.enqueue_indirect_dma source(%dma_start3A_82 : memref<1000001x64xf32, #tpu.memory_space<hbm>>) target(%dma_start3A_79 : memref<16x64xf32, #tpu.memory_space<vmem>>) offsets(%get3A_71 : vector<16xi32>) semaphore(%arg18 : memref<!tpu.dma_semaphore, #tpu.memory_space<semaphore_mem>>)
    %get3A_83 = arith.constant 64 : index
    %get3A_84 = tpu.vector_load %arg9[%get3A_83] {strides = array<i32>} : memref<3328xi32, #tpu.memory_space<vmem>>, vector<16xi32>,
    %dma_start3A_85 = arith.constant 1 : i32
    %dma_start3A_86 = arith.constant 0 : i32
    %dma_start3A_87 = arith.constant 0 : i32
    %dma_start3A_88 = tpu.memref_slice %arg15[%dma_start3A_85, %dma_start3A_86, %dma_start3A_87] : memref<2x64x64xf32, #tpu.memory_space<vmem>> -> memref<1x64x64xf32, #tpu.memory_space<vmem>>
    %dma_start3A_89 = tpu.memref_squeeze %dma_start3A_88 : memref<1x64x64xf32, #tpu.memory_space<vmem>> -> memref<64x64xf32, #tpu.memory_space<vmem>>
    %dma_start3A_90 = arith.constant 0 : i32
    %dma_start3A_91 = arith.constant 0 : i32
    %dma_start3A_92 = tpu.memref_slice %dma_start3A_89[%dma_start3A_90, %dma_start3A_91] : memref<64x64xf32, #tpu.memory_space<vmem>> -> memref<16x64xf32, #tpu.memory_space<vmem>>
    %dma_start3A_93 = arith.constant 0 : i32
    %dma_start3A_94 = arith.constant 0 : i32
    %dma_start3A_95 = tpu.memref_slice %arg5[%dma_start3A_93, %dma_start3A_94] : memref<1000001x64xf32, #tpu.memory_space<hbm>> -> memref<1000001x64xf32, #tpu.memory_space<hbm>>
    tpu.enqueue_indirect_dma source(%dma_start3A_95 : memref<1000001x64xf32, #tpu.memory_space<hbm>>) target(%dma_start3A_92 : memref<16x64xf32, #tpu.memory_space<vmem>>) offsets(%get3A_84 : vector<16xi32>) semaphore(%arg19 : memref<!tpu.dma_semaphore, #tpu.memory_space<semaphore_mem>>)
    %get3A_96 = arith.constant 80 : index
    %get3A_97 = tpu.vector_load %arg9[%get3A_96] {strides = array<i32>} : memref<3328xi32, #tpu.memory_space<vmem>>, vector<16xi32>,
    %dma_start3A_98 = arith.constant 1 : i32
    %dma_start3A_99 = arith.constant 0 : i32
    %dma_start3A_100 = arith.constant 0 : i32
    %dma_start3A_101 = tpu.memref_slice %arg15[%dma_start3A_98, %dma_start3A_99, %dma_start3A_100] : memref<2x64x64xf32, #tpu.memory_space<vmem>> -> memref<1x64x64xf32, #tpu.memory_space<vmem>>
    %dma_start3A_102 = tpu.memref_squeeze %dma_start3A_101 : memref<1x64x64xf32, #tpu.memory_space<vmem>> -> memref<64x64xf32, #tpu.memory_space<vmem>>
    %dma_start3A_103 = arith.constant 16 : i32
    %dma_start3A_104 = arith.constant 0 : i32
    %dma_start3A_105 = tpu.memref_slice %dma_start3A_102[%dma_start3A_103, %dma_start3A_104] : memref<64x64xf32, #tpu.memory_space<vmem>> -> memref<16x64xf32, #tpu.memory_space<vmem>>
    %dma_start3A_106 = arith.constant 0 : i32
    %dma_start3A_107 = arith.constant 0 : i32
    %dma_start3A_108 = tpu.memref_slice %arg5[%dma_start3A_106, %dma_start3A_107] : memref<1000001x64xf32, #tpu.memory_space<hbm>> -> memref<1000001x64xf32, #tpu.memory_space<hbm>>
    tpu.enqueue_indirect_dma source(%dma_start3A_108 : memref<1000001x64xf32, #tpu.memory_space<hbm>>) target(%dma_start3A_105 : memref<16x64xf32, #tpu.memory_space<vmem>>) offsets(%get3A_97 : vector<16xi32>) semaphore(%arg19 : memref<!tpu.dma_semaphore, #tpu.memory_space<semaphore_mem>>)
    %get3A_109 = arith.constant 96 : index
    %get3A_110 = tpu.vector_load %arg9[%get3A_109] {strides = array<i32>} : memref<3328xi32, #tpu.memory_space<vmem>>, vector<16xi32>,
    %dma_start3A_111 = arith.constant 1 : i32
    %dma_start3A_112 = arith.constant 0 : i32
    %dma_start3A_113 = arith.constant 0 : i32
    %dma_start3A_114 = tpu.memref_slice %arg15[%dma_start3A_111, %dma_start3A_112, %dma_start3A_113] : memref<2x64x64xf32, #tpu.memory_space<vmem>> -> memref<1x64x64xf32, #tpu.memory_space<vmem>>
    %dma_start3A_115 = tpu.memref_squeeze %dma_start3A_114 : memref<1x64x64xf32, #tpu.memory_space<vmem>> -> memref<64x64xf32, #tpu.memory_space<vmem>>
    %dma_start3A_116 = arith.constant 32 : i32
    %dma_start3A_117 = arith.constant 0 : i32
    %dma_start3A_118 = tpu.memref_slice %dma_start3A_115[%dma_start3A_116, %dma_start3A_117] : memref<64x64xf32, #tpu.memory_space<vmem>> -> memref<16x64xf32, #tpu.memory_space<vmem>>
    %dma_start3A_119 = arith.constant 0 : i32
    %dma_start3A_120 = arith.constant 0 : i32
    %dma_start3A_121 = tpu.memref_slice %arg5[%dma_start3A_119, %dma_start3A_120] : memref<1000001x64xf32, #tpu.memory_space<hbm>> -> memref<1000001x64xf32, #tpu.memory_space<hbm>>
    tpu.enqueue_indirect_dma source(%dma_start3A_121 : memref<1000001x64xf32, #tpu.memory_space<hbm>>) target(%dma_start3A_118 : memref<16x64xf32, #tpu.memory_space<vmem>>) offsets(%get3A_110 : vector<16xi32>) semaphore(%arg19 : memref<!tpu.dma_semaphore, #tpu.memory_space<semaphore_mem>>)
    %get3A_122 = arith.constant 112 : index
    %get3A_123 = tpu.vector_load %arg9[%get3A_122] {strides = array<i32>} : memref<3328xi32, #tpu.memory_space<vmem>>, vector<16xi32>,
    %dma_start3A_124 = arith.constant 1 : i32
    %dma_start3A_125 = arith.constant 0 : i32
    %dma_start3A_126 = arith.constant 0 : i32
    %dma_start3A_127 = tpu.memref_slice %arg15[%dma_start3A_124, %dma_start3A_125, %dma_start3A_126] : memref<2x64x64xf32, #tpu.memory_space<vmem>> -> memref<1x64x64xf32, #tpu.memory_space<vmem>>
    %dma_start3A_128 = tpu.memref_squeeze %dma_start3A_127 : memref<1x64x64xf32, #tpu.memory_space<vmem>> -> memref<64x64xf32, #tpu.memory_space<vmem>>
    %dma_start3A_129 = arith.constant 48 : i32
    %dma_start3A_130 = arith.constant 0 : i32
    %dma_start3A_131 = tpu.memref_slice %dma_start3A_128[%dma_start3A_129, %dma_start3A_130] : memref<64x64xf32, #tpu.memory_space<vmem>> -> memref<16x64xf32, #tpu.memory_space<vmem>>
    %dma_start3A_132 = arith.constant 0 : i32
    %dma_start3A_133 = arith.constant 0 : i32
    %dma_start3A_134 = tpu.memref_slice %arg5[%dma_start3A_132, %dma_start3A_133] : memref<1000001x64xf32, #tpu.memory_space<hbm>> -> memref<1000001x64xf32, #tpu.memory_space<hbm>>
    tpu.enqueue_indirect_dma source(%dma_start3A_134 : memref<1000001x64xf32, #tpu.memory_space<hbm>>) target(%dma_start3A_131 : memref<16x64xf32, #tpu.memory_space<vmem>>) offsets(%get3A_123 : vector<16xi32>) semaphore(%arg19 : memref<!tpu.dma_semaphore, #tpu.memory_space<semaphore_mem>>)
    %scan3A_135 = arith.constant 0 : i32
    %scan3A_136 = arith.constant 0 : i32
    %scan3A_137 = arith.constant 26 : i32
    %scan3A_138 = arith.addi %scan3A_136, %scan3A_137 : i32
    %scan3A_139 = arith.constant 1 : i32
    %scan3A_140 = scf.for %scan3A_206 = %scan3A_136 to %scan3A_138 step %scan3A_139 iter_args(%scan3A_207 = %scan3A_135) -> (i32)  : i32 {
      %mul3A_208 = arith.constant 2 : i32
      %mul3A_209 = arith.muli %scan3A_206, %mul3A_208 : i32
      %add3A_210 = arith.constant 0 : i32
      %add3A_211 = arith.addi %mul3A_209, %add3A_210 : i32
      %mul3A_212 = arith.constant 64 : i32
      %mul3A_213 = arith.muli %add3A_211, %mul3A_212 : i32
      %get3A_214 = arith.constant 0 : index
      %get3A_215 = tpu.vector_load %arg9[%get3A_214] {strides = array<i32>} : memref<3328xi32, #tpu.memory_space<vmem>>, vector<16xi32>,
      %dma_wait3A_216 = arith.constant 0 : i32
      %dma_wait3A_217 = arith.constant 0 : i32
      %dma_wait3A_218 = arith.constant 0 : i32
      %dma_wait3A_219 = tpu.memref_slice %arg15[%dma_wait3A_216, %dma_wait3A_217, %dma_wait3A_218] : memref<2x64x64xf32, #tpu.memory_space<vmem>> -> memref<1x64x64xf32, #tpu.memory_space<vmem>>
      %dma_wait3A_220 = tpu.memref_squeeze %dma_wait3A_219 : memref<1x64x64xf32, #tpu.memory_space<vmem>> -> memref<64x64xf32, #tpu.memory_space<vmem>>
      %dma_wait3A_221 = arith.constant 0 : i32
      %dma_wait3A_222 = arith.constant 0 : i32
      %dma_wait3A_223 = tpu.memref_slice %dma_wait3A_220[%dma_wait3A_221, %dma_wait3A_222] : memref<64x64xf32, #tpu.memory_space<vmem>> -> memref<16x64xf32, #tpu.memory_space<vmem>>
      %dma_wait3A_224 = arith.constant 0 : i32
      %dma_wait3A_225 = arith.constant 0 : i32
      %dma_wait3A_226 = tpu.memref_slice %arg5[%dma_wait3A_224, %dma_wait3A_225] : memref<1000001x64xf32, #tpu.memory_space<hbm>> -> memref<1000001x64xf32, #tpu.memory_space<hbm>>
      tpu.wait_indirect_dma semaphore(%arg18 : memref<!tpu.dma_semaphore, #tpu.memory_space<semaphore_mem>>) src(%dma_wait3A_226 : memref<1000001x64xf32, #tpu.memory_space<hbm>>) dst(%dma_wait3A_223 : memref<16x64xf32, #tpu.memory_space<vmem>>)
      %get3A_227 = arith.constant 0 : index
      %get3A_228 = tpu.vector_load %arg9[%get3A_227] {strides = array<i32>} : memref<3328xi32, #tpu.memory_space<vmem>>, vector<16xi32>,
      %dma_wait3A_229 = arith.constant 0 : i32
      %dma_wait3A_230 = arith.constant 0 : i32
      %dma_wait3A_231 = arith.constant 0 : i32
      %dma_wait3A_232 = tpu.memref_slice %arg15[%dma_wait3A_229, %dma_wait3A_230, %dma_wait3A_231] : memref<2x64x64xf32, #tpu.memory_space<vmem>> -> memref<1x64x64xf32, #tpu.memory_space<vmem>>
      %dma_wait3A_233 = tpu.memref_squeeze %dma_wait3A_232 : memref<1x64x64xf32, #tpu.memory_space<vmem>> -> memref<64x64xf32, #tpu.memory_space<vmem>>
      %dma_wait3A_234 = arith.constant 16 : i32
      %dma_wait3A_235 = arith.constant 0 : i32
      %dma_wait3A_236 = tpu.memref_slice %dma_wait3A_233[%dma_wait3A_234, %dma_wait3A_235] : memref<64x64xf32, #tpu.memory_space<vmem>> -> memref<16x64xf32, #tpu.memory_space<vmem>>
      %dma_wait3A_237 = arith.constant 0 : i32
      %dma_wait3A_238 = arith.constant 0 : i32
      %dma_wait3A_239 = tpu.memref_slice %arg5[%dma_wait3A_237, %dma_wait3A_238] : memref<1000001x64xf32, #tpu.memory_space<hbm>> -> memref<1000001x64xf32, #tpu.memory_space<hbm>>
      tpu.wait_indirect_dma semaphore(%arg18 : memref<!tpu.dma_semaphore, #tpu.memory_space<semaphore_mem>>) src(%dma_wait3A_239 : memref<1000001x64xf32, #tpu.memory_space<hbm>>) dst(%dma_wait3A_236 : memref<16x64xf32, #tpu.memory_space<vmem>>)
      %get3A_240 = arith.constant 0 : index
      %get3A_241 = tpu.vector_load %arg9[%get3A_240] {strides = array<i32>} : memref<3328xi32, #tpu.memory_space<vmem>>, vector<16xi32>,
      %dma_wait3A_242 = arith.constant 0 : i32
      %dma_wait3A_243 = arith.constant 0 : i32
      %dma_wait3A_244 = arith.constant 0 : i32
      %dma_wait3A_245 = tpu.memref_slice %arg15[%dma_wait3A_242, %dma_wait3A_243, %dma_wait3A_244] : memref<2x64x64xf32, #tpu.memory_space<vmem>> -> memref<1x64x64xf32, #tpu.memory_space<vmem>>
      %dma_wait3A_246 = tpu.memref_squeeze %dma_wait3A_245 : memref<1x64x64xf32, #tpu.memory_space<vmem>> -> memref<64x64xf32, #tpu.memory_space<vmem>>
      %dma_wait3A_247 = arith.constant 32 : i32
      %dma_wait3A_248 = arith.constant 0 : i32
      %dma_wait3A_249 = tpu.memref_slice %dma_wait3A_246[%dma_wait3A_247, %dma_wait3A_248] : memref<64x64xf32, #tpu.memory_space<vmem>> -> memref<16x64xf32, #tpu.memory_space<vmem>>
      %dma_wait3A_250 = arith.constant 0 : i32
      %dma_wait3A_251 = arith.constant 0 : i32
      %dma_wait3A_252 = tpu.memref_slice %arg5[%dma_wait3A_250, %dma_wait3A_251] : memref<1000001x64xf32, #tpu.memory_space<hbm>> -> memref<1000001x64xf32, #tpu.memory_space<hbm>>
      tpu.wait_indirect_dma semaphore(%arg18 : memref<!tpu.dma_semaphore, #tpu.memory_space<semaphore_mem>>) src(%dma_wait3A_252 : memref<1000001x64xf32, #tpu.memory_space<hbm>>) dst(%dma_wait3A_249 : memref<16x64xf32, #tpu.memory_space<vmem>>)
      %get3A_253 = arith.constant 0 : index
      %get3A_254 = tpu.vector_load %arg9[%get3A_253] {strides = array<i32>} : memref<3328xi32, #tpu.memory_space<vmem>>, vector<16xi32>,
      %dma_wait3A_255 = arith.constant 0 : i32
      %dma_wait3A_256 = arith.constant 0 : i32
      %dma_wait3A_257 = arith.constant 0 : i32
      %dma_wait3A_258 = tpu.memref_slice %arg15[%dma_wait3A_255, %dma_wait3A_256, %dma_wait3A_257] : memref<2x64x64xf32, #tpu.memory_space<vmem>> -> memref<1x64x64xf32, #tpu.memory_space<vmem>>
      %dma_wait3A_259 = tpu.memref_squeeze %dma_wait3A_258 : memref<1x64x64xf32, #tpu.memory_space<vmem>> -> memref<64x64xf32, #tpu.memory_space<vmem>>
      %dma_wait3A_260 = arith.constant 48 : i32
      %dma_wait3A_261 = arith.constant 0 : i32
      %dma_wait3A_262 = tpu.memref_slice %dma_wait3A_259[%dma_wait3A_260, %dma_wait3A_261] : memref<64x64xf32, #tpu.memory_space<vmem>> -> memref<16x64xf32, #tpu.memory_space<vmem>>
      %dma_wait3A_263 = arith.constant 0 : i32
      %dma_wait3A_264 = arith.constant 0 : i32
      %dma_wait3A_265 = tpu.memref_slice %arg5[%dma_wait3A_263, %dma_wait3A_264] : memref<1000001x64xf32, #tpu.memory_space<hbm>> -> memref<1000001x64xf32, #tpu.memory_space<hbm>>
      tpu.wait_indirect_dma semaphore(%arg18 : memref<!tpu.dma_semaphore, #tpu.memory_space<semaphore_mem>>) src(%dma_wait3A_265 : memref<1000001x64xf32, #tpu.memory_space<hbm>>) dst(%dma_wait3A_262 : memref<16x64xf32, #tpu.memory_space<vmem>>)
      %ge3A = arith.constant 2 : i32
      %ge3A_266 = arith.cmpi sge, %add3A_211, %ge3A : i32
      %convert_element_type3A_267 = arith.extui %ge3A_266 : i1 to i32
      %cond3A_268 = arith.constant 0 : i32
      %cond3A_269 = arith.cmpi ne, %convert_element_type3A_267, %cond3A_268 : i32
      scf.if %cond3A_269 {
        %dma_wait3A_389 = arith.constant 0 : i32
        %dma_wait3A_390 = arith.constant 0 : i32
        %dma_wait3A_391 = arith.constant 0 : i32
        %dma_wait3A_392 = tpu.memref_slice %arg16[%dma_wait3A_389, %dma_wait3A_390, %dma_wait3A_391] : memref<2x64x64xf32, #tpu.memory_space<vmem>> -> memref<1x64x64xf32, #tpu.memory_space<vmem>>
        %dma_wait3A_393 = tpu.memref_squeeze %dma_wait3A_392 : memref<1x64x64xf32, #tpu.memory_space<vmem>> -> memref<64x64xf32, #tpu.memory_space<vmem>>
        %dma_wait3A_394 = arith.constant 0 : i32
        %dma_wait3A_395 = tpu.memref_slice %arg8[%mul3A_2, %dma_wait3A_394] : memref<106496x64xf32, #tpu.memory_space<hbm>> -> memref<64x64xf32, #tpu.memory_space<hbm>>
        %dma_wait3A_396 = arith.constant 0 : i32
        %dma_wait3A_397 = tpu.memref_slice %arg8[%mul3A_2, %dma_wait3A_396] : memref<106496x64xf32, #tpu.memory_space<hbm>> -> memref<64x64xf32, #tpu.memory_space<hbm>>
        %dma_wait3A_398 = arith.constant 0 : i32
        %dma_wait3A_399 = arith.constant 0 : i32
        %dma_wait3A_400 = tpu.memref_slice %arg16[%dma_wait3A_389, %dma_wait3A_398, %dma_wait3A_399] : memref<2x64x64xf32, #tpu.memory_space<vmem>> -> memref<1x64x64xf32, #tpu.memory_space<vmem>>
        %dma_wait3A_401 = tpu.memref_squeeze %dma_wait3A_400 : memref<1x64x64xf32, #tpu.memory_space<vmem>> -> memref<64x64xf32, #tpu.memory_space<vmem>>
        tpu.wait_dma2 semaphore(%arg20 : memref<!tpu.dma_semaphore, #tpu.memory_space<semaphore_mem>>) src(%dma_wait3A_401 : memref<64x64xf32, #tpu.memory_space<vmem>>) dst(%dma_wait3A_397 : memref<64x64xf32, #tpu.memory_space<hbm>>)
      } else {
      }
      %scan3A_270 = arith.constant 0 : i32
      %scan3A_271 = arith.constant 0 : i32
      %scan3A_272 = arith.constant 4 : i32
      %scan3A_273 = arith.addi %scan3A_271, %scan3A_272 : i32
      %scan3A_274 = arith.constant 1 : i32
      %scan3A_275 = scf.for %scan3A_389 = %scan3A_271 to %scan3A_273 step %scan3A_274 iter_args(%scan3A_390 = %scan3A_270) -> (i32)  : i32 {
        %mul3A_391 = arith.constant 16 : i32
        %mul3A_392 = arith.muli %scan3A_389, %mul3A_391 : i32
        %add3A_393 = arith.addi %mul3A_213, %mul3A_392 : i32
        %get3A_394 = arith.index_cast %add3A_393 : i32 to index
        %get3A_395 = tpu.vector_load %arg10[%get3A_394] {strides = array<i32>} : memref<3328xf32, #tpu.memory_space<vmem>>, vector<16xf32>,
        %mul3A_396 = arith.constant 16 : i32
        %mul3A_397 = arith.muli %scan3A_389, %mul3A_396 : i32
        %add3A_398 = arith.constant 0 : i32
        %add3A_399 = arith.addi %mul3A_397, %add3A_398 : i32
        %slice3A = vector.extract_strided_slice %get3A_395 {offsets = [0], sizes = [1], strides = [1]} : vector<16xf32> to vector<1xf32>
        %squeeze3A = vector.extract %slice3A[0] : f32 from vector<1xf32>
        %broadcast_in_dim3A = vector.broadcast %squeeze3A : f32 to vector<16xf32>
        %get3A_400 = arith.constant 0 : i32
        %get3A_401 = arith.index_cast %get3A_400 : i32 to index
        %get3A_402 = arith.index_cast %add3A_399 : i32 to index
        %get3A_403 = arith.constant 0 : index
        %get3A_404 = tpu.vector_load %arg15[%get3A_401, %get3A_402, %get3A_403] {strides = array<i32>} : memref<2x64x64xf32, #tpu.memory_space<vmem>>, vector<16xf32>,
        %mul3A_405 = arith.mulf %get3A_404, %broadcast_in_dim3A : vector<16xf32>
        %swap3A = arith.constant 0 : i32
        %swap3A_406 = arith.index_cast %swap3A : i32 to index
        %swap3A_407 = arith.index_cast %add3A_399 : i32 to index
        %swap3A_408 = arith.constant 0 : index
        %swap3A_409 = tpu.vector_load %arg16[%swap3A_406, %swap3A_407, %swap3A_408] {strides = array<i32>} : memref<2x64x64xf32, #tpu.memory_space<vmem>>, vector<16xf32>,
        tpu.vector_store %arg16[%swap3A_406, %swap3A_407, %swap3A_408], %mul3A_405 {strides = array<i32>} : memref<2x64x64xf32, #tpu.memory_space<vmem>>, vector<16xf32>,
        %get3A_410 = arith.constant 0 : i32
        %get3A_411 = arith.index_cast %get3A_410 : i32 to index
        %get3A_412 = arith.index_cast %add3A_399 : i32 to index
        %get3A_413 = arith.constant 16 : index
        %get3A_414 = tpu.vector_load %arg15[%get3A_411, %get3A_412, %get3A_413] {strides = array<i32>} : memref<2x64x64xf32, #tpu.memory_space<vmem>>, vector<16xf32>,
        %mul3A_415 = arith.mulf %get3A_414, %broadcast_in_dim3A : vector<16xf32>
        %swap3A_416 = arith.constant 0 : i32
        %swap3A_417 = arith.index_cast %swap3A_416 : i32 to index
        %swap3A_418 = arith.index_cast %add3A_399 : i32 to index
        %swap3A_419 = arith.constant 16 : index
        %swap3A_420 = tpu.vector_load %arg16[%swap3A_417, %swap3A_418, %swap3A_419] {strides = array<i32>} : memref<2x64x64xf32, #tpu.memory_space<vmem>>, vector<16xf32>,
        tpu.vector_store %arg16[%swap3A_417, %swap3A_418, %swap3A_419], %mul3A_415 {strides = array<i32>} : memref<2x64x64xf32, #tpu.memory_space<vmem>>, vector<16xf32>,
        %get3A_421 = arith.constant 0 : i32
        %get3A_422 = arith.index_cast %get3A_421 : i32 to index
        %get3A_423 = arith.index_cast %add3A_399 : i32 to index
        %get3A_424 = arith.constant 32 : index
        %get3A_425 = tpu.vector_load %arg15[%get3A_422, %get3A_423, %get3A_424] {strides = array<i32>} : memref<2x64x64xf32, #tpu.memory_space<vmem>>, vector<16xf32>,
        %mul3A_426 = arith.mulf %get3A_425, %broadcast_in_dim3A : vector<16xf32>
        %swap3A_427 = arith.constant 0 : i32
        %swap3A_428 = arith.index_cast %swap3A_427 : i32 to index
        %swap3A_429 = arith.index_cast %add3A_399 : i32 to index
        %swap3A_430 = arith.constant 32 : index
        %swap3A_431 = tpu.vector_load %arg16[%swap3A_428, %swap3A_429, %swap3A_430] {strides = array<i32>} : memref<2x64x64xf32, #tpu.memory_space<vmem>>, vector<16xf32>,
        tpu.vector_store %arg16[%swap3A_428, %swap3A_429, %swap3A_430], %mul3A_426 {strides = array<i32>} : memref<2x64x64xf32, #tpu.memory_space<vmem>>, vector<16xf32>,
        %get3A_432 = arith.constant 0 : i32
        %get3A_433 = arith.index_cast %get3A_432 : i32 to index
        %get3A_434 = arith.index_cast %add3A_399 : i32 to index
        %get3A_435 = arith.constant 48 : index
        %get3A_436 = tpu.vector_load %arg15[%get3A_433, %get3A_434, %get3A_435] {strides = array<i32>} : memref<2x64x64xf32, #tpu.memory_space<vmem>>, vector<16xf32>,
        %mul3A_437 = arith.mulf %get3A_436, %broadcast_in_dim3A : vector<16xf32>
        %swap3A_438 = arith.constant 0 : i32
        %swap3A_439 = arith.index_cast %swap3A_438 : i32 to index
        %swap3A_440 = arith.index_cast %add3A_399 : i32 to index
        %swap3A_441 = arith.constant 48 : index
        %swap3A_442 = tpu.vector_load %arg16[%swap3A_439, %swap3A_440, %swap3A_441] {strides = array<i32>} : memref<2x64x64xf32, #tpu.memory_space<vmem>>, vector<16xf32>,
        tpu.vector_store %arg16[%swap3A_439, %swap3A_440, %swap3A_441], %mul3A_437 {strides = array<i32>} : memref<2x64x64xf32, #tpu.memory_space<vmem>>, vector<16xf32>,
        %mul3A_443 = arith.constant 16 : i32
        %mul3A_444 = arith.muli %scan3A_389, %mul3A_443 : i32
        %add3A_445 = arith.constant 1 : i32
        %add3A_446 = arith.addi %mul3A_444, %add3A_445 : i32
        %slice3A_447 = vector.extract_strided_slice %get3A_395 {offsets = [1], sizes = [1], strides = [1]} : vector<16xf32> to vector<1xf32>
        %squeeze3A_448 = vector.extract %slice3A_447[0] : f32 from vector<1xf32>
        %broadcast_in_dim3A_449 = vector.broadcast %squeeze3A_448 : f32 to vector<16xf32>
        %get3A_450 = arith.constant 0 : i32
        %get3A_451 = arith.index_cast %get3A_450 : i32 to index
        %get3A_452 = arith.index_cast %add3A_446 : i32 to index
        %get3A_453 = arith.constant 0 : index
        %get3A_454 = tpu.vector_load %arg15[%get3A_451, %get3A_452, %get3A_453] {strides = array<i32>} : memref<2x64x64xf32, #tpu.memory_space<vmem>>, vector<16xf32>,
        %mul3A_455 = arith.mulf %get3A_454, %broadcast_in_dim3A_449 : vector<16xf32>
        %swap3A_456 = arith.constant 0 : i32
        %swap3A_457 = arith.index_cast %swap3A_456 : i32 to index
        %swap3A_458 = arith.index_cast %add3A_446 : i32 to index
        %swap3A_459 = arith.constant 0 : index
        %swap3A_460 = tpu.vector_load %arg16[%swap3A_457, %swap3A_458, %swap3A_459] {strides = array<i32>} : memref<2x64x64xf32, #tpu.memory_space<vmem>>, vector<16xf32>,
        tpu.vector_store %arg16[%swap3A_457, %swap3A_458, %swap3A_459], %mul3A_455 {strides = array<i32>} : memref<2x64x64xf32, #tpu.memory_space<vmem>>, vector<16xf32>,
        %get3A_461 = arith.constant 0 : i32
        %get3A_462 = arith.index_cast %get3A_461 : i32 to index
        %get3A_463 = arith.index_cast %add3A_446 : i32 to index
        %get3A_464 = arith.constant 16 : index
        %get3A_465 = tpu.vector_load %arg15[%get3A_462, %get3A_463, %get3A_464] {strides = array<i32>} : memref<2x64x64xf32, #tpu.memory_space<vmem>>, vector<16xf32>,
        %mul3A_466 = arith.mulf %get3A_465, %broadcast_in_dim3A_449 : vector<16xf32>
        %swap3A_467 = arith.constant 0 : i32
        %swap3A_468 = arith.index_cast %swap3A_467 : i32 to index
        %swap3A_469 = arith.index_cast %add3A_446 : i32 to index
        %swap3A_470 = arith.constant 16 : index
        %swap3A_471 = tpu.vector_load %arg16[%swap3A_468, %swap3A_469, %swap3A_470] {strides = array<i32>} : memref<2x64x64xf32, #tpu.memory_space<vmem>>, vector<16xf32>,
        tpu.vector_store %arg16[%swap3A_468, %swap3A_469, %swap3A_470], %mul3A_466 {strides = array<i32>} : memref<2x64x64xf32, #tpu.memory_space<vmem>>, vector<16xf32>,
        %get3A_472 = arith.constant 0 : i32
        %get3A_473 = arith.index_cast %get3A_472 : i32 to index
        %get3A_474 = arith.index_cast %add3A_446 : i32 to index
        %get3A_475 = arith.constant 32 : index
        %get3A_476 = tpu.vector_load %arg15[%get3A_473, %get3A_474, %get3A_475] {strides = array<i32>} : memref<2x64x64xf32, #tpu.memory_space<vmem>>, vector<16xf32>,
        %mul3A_477 = arith.mulf %get3A_476, %broadcast_in_dim3A_449 : vector<16xf32>
        %swap3A_478 = arith.constant 0 : i32
        %swap3A_479 = arith.index_cast %swap3A_478 : i32 to index
        %swap3A_480 = arith.index_cast %add3A_446 : i32 to index
        %swap3A_481 = arith.constant 32 : index
        %swap3A_482 = tpu.vector_load %arg16[%swap3A_479, %swap3A_480, %swap3A_481] {strides = array<i32>} : memref<2x64x64xf32, #tpu.memory_space<vmem>>, vector<16xf32>,
        tpu.vector_store %arg16[%swap3A_479, %swap3A_480, %swap3A_481], %mul3A_477 {strides = array<i32>} : memref<2x64x64xf32, #tpu.memory_space<vmem>>, vector<16xf32>,
        %get3A_483 = arith.constant 0 : i32
        %get3A_484 = arith.index_cast %get3A_483 : i32 to index
        %get3A_485 = arith.index_cast %add3A_446 : i32 to index
        %get3A_486 = arith.constant 48 : index
        %get3A_487 = tpu.vector_load %arg15[%get3A_484, %get3A_485, %get3A_486] {strides = array<i32>} : memref<2x64x64xf32, #tpu.memory_space<vmem>>, vector<16xf32>,
        %mul3A_488 = arith.mulf %get3A_487, %broadcast_in_dim3A_449 : vector<16xf32>
        %swap3A_489 = arith.constant 0 : i32
        %swap3A_490 = arith.index_cast %swap3A_489 : i32 to index
        %swap3A_491 = arith.index_cast %add3A_446 : i32 to index
        %swap3A_492 = arith.constant 48 : index
        %swap3A_493 = tpu.vector_load %arg16[%swap3A_490, %swap3A_491, %swap3A_492] {strides = array<i32>} : memref<2x64x64xf32, #tpu.memory_space<vmem>>, vector<16xf32>,
        tpu.vector_store %arg16[%swap3A_490, %swap3A_491, %swap3A_492], %mul3A_488 {strides = array<i32>} : memref<2x64x64xf32, #tpu.memory_space<vmem>>, vector<16xf32>,
        %mul3A_494 = arith.constant 16 : i32
        %mul3A_495 = arith.muli %scan3A_389, %mul3A_494 : i32
        %add3A_496 = arith.constant 2 : i32
        %add3A_497 = arith.addi %mul3A_495, %add3A_496 : i32
        %slice3A_498 = vector.extract_strided_slice %get3A_395 {offsets = [2], sizes = [1], strides = [1]} : vector<16xf32> to vector<1xf32>
        %squeeze3A_499 = vector.extract %slice3A_498[0] : f32 from vector<1xf32>
        %broadcast_in_dim3A_500 = vector.broadcast %squeeze3A_499 : f32 to vector<16xf32>
        %get3A_501 = arith.constant 0 : i32
        %get3A_502 = arith.index_cast %get3A_501 : i32 to index
        %get3A_503 = arith.index_cast %add3A_497 : i32 to index
        %get3A_504 = arith.constant 0 : index
        %get3A_505 = tpu.vector_load %arg15[%get3A_502, %get3A_503, %get3A_504] {strides = array<i32>} : memref<2x64x64xf32, #tpu.memory_space<vmem>>, vector<16xf32>,
        %mul3A_506 = arith.mulf %get3A_505, %broadcast_in_dim3A_500 : vector<16xf32>
        %swap3A_507 = arith.constant 0 : i32
        %swap3A_508 = arith.index_cast %swap3A_507 : i32 to index
        %swap3A_509 = arith.index_cast %add3A_497 : i32 to index
        %swap3A_510 = arith.constant 0 : index
        %swap3A_511 = tpu.vector_load %arg16[%swap3A_508, %swap3A_509, %swap3A_510] {strides = array<i32>} : memref<2x64x64xf32, #tpu.memory_space<vmem>>, vector<16xf32>,
        tpu.vector_store %arg16[%swap3A_508, %swap3A_509, %swap3A_510], %mul3A_506 {strides = array<i32>} : memref<2x64x64xf32, #tpu.memory_space<vmem>>, vector<16xf32>,
        %get3A_512 = arith.constant 0 : i32
        %get3A_513 = arith.index_cast %get3A_512 : i32 to index
        %get3A_514 = arith.index_cast %add3A_497 : i32 to index
        %get3A_515 = arith.constant 16 : index
        %get3A_516 = tpu.vector_load %arg15[%get3A_513, %get3A_514, %get3A_515] {strides = array<i32>} : memref<2x64x64xf32, #tpu.memory_space<vmem>>, vector<16xf32>,
        %mul3A_517 = arith.mulf %get3A_516, %broadcast_in_dim3A_500 : vector<16xf32>
        %swap3A_518 = arith.constant 0 : i32
        %swap3A_519 = arith.index_cast %swap3A_518 : i32 to index
        %swap3A_520 = arith.index_cast %add3A_497 : i32 to index
        %swap3A_521 = arith.constant 16 : index
        %swap3A_522 = tpu.vector_load %arg16[%swap3A_519, %swap3A_520, %swap3A_521] {strides = array<i32>} : memref<2x64x64xf32, #tpu.memory_space<vmem>>, vector<16xf32>,
        tpu.vector_store %arg16[%swap3A_519, %swap3A_520, %swap3A_521], %mul3A_517 {strides = array<i32>} : memref<2x64x64xf32, #tpu.memory_space<vmem>>, vector<16xf32>,
        %get3A_523 = arith.constant 0 : i32
        %get3A_524 = arith.index_cast %get3A_523 : i32 to index
        %get3A_525 = arith.index_cast %add3A_497 : i32 to index
        %get3A_526 = arith.constant 32 : index
        %get3A_527 = tpu.vector_load %arg15[%get3A_524, %get3A_525, %get3A_526] {strides = array<i32>} : memref<2x64x64xf32, #tpu.memory_space<vmem>>, vector<16xf32>,
        %mul3A_528 = arith.mulf %get3A_527, %broadcast_in_dim3A_500 : vector<16xf32>
        %swap3A_529 = arith.constant 0 : i32
        %swap3A_530 = arith.index_cast %swap3A_529 : i32 to index
        %swap3A_531 = arith.index_cast %add3A_497 : i32 to index
        %swap3A_532 = arith.constant 32 : index
        %swap3A_533 = tpu.vector_load %arg16[%swap3A_530, %swap3A_531, %swap3A_532] {strides = array<i32>} : memref<2x64x64xf32, #tpu.memory_space<vmem>>, vector<16xf32>,
        tpu.vector_store %arg16[%swap3A_530, %swap3A_531, %swap3A_532], %mul3A_528 {strides = array<i32>} : memref<2x64x64xf32, #tpu.memory_space<vmem>>, vector<16xf32>,
        %get3A_534 = arith.constant 0 : i32
        %get3A_535 = arith.index_cast %get3A_534 : i32 to index
        %get3A_536 = arith.index_cast %add3A_497 : i32 to index
        %get3A_537 = arith.constant 48 : index
        %get3A_538 = tpu.vector_load %arg15[%get3A_535, %get3A_536, %get3A_537] {strides = array<i32>} : memref<2x64x64xf32, #tpu.memory_space<vmem>>, vector<16xf32>,
        %mul3A_539 = arith.mulf %get3A_538, %broadcast_in_dim3A_500 : vector<16xf32>
        %swap3A_540 = arith.constant 0 : i32
        %swap3A_541 = arith.index_cast %swap3A_540 : i32 to index
        %swap3A_542 = arith.index_cast %add3A_497 : i32 to index
        %swap3A_543 = arith.constant 48 : index
        %swap3A_544 = tpu.vector_load %arg16[%swap3A_541, %swap3A_542, %swap3A_543] {strides = array<i32>} : memref<2x64x64xf32, #tpu.memory_space<vmem>>, vector<16xf32>,
        tpu.vector_store %arg16[%swap3A_541, %swap3A_542, %swap3A_543], %mul3A_539 {strides = array<i32>} : memref<2x64x64xf32, #tpu.memory_space<vmem>>, vector<16xf32>,
        %mul3A_545 = arith.constant 16 : i32
        %mul3A_546 = arith.muli %scan3A_389, %mul3A_545 : i32
        %add3A_547 = arith.constant 3 : i32
        %add3A_548 = arith.addi %mul3A_546, %add3A_547 : i32
        %slice3A_549 = vector.extract_strided_slice %get3A_395 {offsets = [3], sizes = [1], strides = [1]} : vector<16xf32> to vector<1xf32>
        %squeeze3A_550 = vector.extract %slice3A_549[0] : f32 from vector<1xf32>
        %broadcast_in_dim3A_551 = vector.broadcast %squeeze3A_550 : f32 to vector<16xf32>
        %get3A_552 = arith.constant 0 : i32
        %get3A_553 = arith.index_cast %get3A_552 : i32 to index
        %get3A_554 = arith.index_cast %add3A_548 : i32 to index
        %get3A_555 = arith.constant 0 : index
        %get3A_556 = tpu.vector_load %arg15[%get3A_553, %get3A_554, %get3A_555] {strides = array<i32>} : memref<2x64x64xf32, #tpu.memory_space<vmem>>, vector<16xf32>,
        %mul3A_557 = arith.mulf %get3A_556, %broadcast_in_dim3A_551 : vector<16xf32>
        %swap3A_558 = arith.constant 0 : i32
        %swap3A_559 = arith.index_cast %swap3A_558 : i32 to index
        %swap3A_560 = arith.index_cast %add3A_548 : i32 to index
        %swap3A_561 = arith.constant 0 : index
        %swap3A_562 = tpu.vector_load %arg16[%swap3A_559, %swap3A_560, %swap3A_561] {strides = array<i32>} : memref<2x64x64xf32, #tpu.memory_space<vmem>>, vector<16xf32>,
        tpu.vector_store %arg16[%swap3A_559, %swap3A_560, %swap3A_561], %mul3A_557 {strides = array<i32>} : memref<2x64x64xf32, #tpu.memory_space<vmem>>, vector<16xf32>,
        %get3A_563 = arith.constant 0 : i32
        %get3A_564 = arith.index_cast %get3A_563 : i32 to index
        %get3A_565 = arith.index_cast %add3A_548 : i32 to index
        %get3A_566 = arith.constant 16 : index
        %get3A_567 = tpu.vector_load %arg15[%get3A_564, %get3A_565, %get3A_566] {strides = array<i32>} : memref<2x64x64xf32, #tpu.memory_space<vmem>>, vector<16xf32>,
        %mul3A_568 = arith.mulf %get3A_567, %broadcast_in_dim3A_551 : vector<16xf32>
        %swap3A_569 = arith.constant 0 : i32
        %swap3A_570 = arith.index_cast %swap3A_569 : i32 to index
        %swap3A_571 = arith.index_cast %add3A_548 : i32 to index
        %swap3A_572 = arith.constant 16 : index
        %swap3A_573 = tpu.vector_load %arg16[%swap3A_570, %swap3A_571, %swap3A_572] {strides = array<i32>} : memref<2x64x64xf32, #tpu.memory_space<vmem>>, vector<16xf32>,
        tpu.vector_store %arg16[%swap3A_570, %swap3A_571, %swap3A_572], %mul3A_568 {strides = array<i32>} : memref<2x64x64xf32, #tpu.memory_space<vmem>>, vector<16xf32>,
        %get3A_574 = arith.constant 0 : i32
        %get3A_575 = arith.index_cast %get3A_574 : i32 to index
        %get3A_576 = arith.index_cast %add3A_548 : i32 to index
        %get3A_577 = arith.constant 32 : index
        %get3A_578 = tpu.vector_load %arg15[%get3A_575, %get3A_576, %get3A_577] {strides = array<i32>} : memref<2x64x64xf32, #tpu.memory_space<vmem>>, vector<16xf32>,
        %mul3A_579 = arith.mulf %get3A_578, %broadcast_in_dim3A_551 : vector<16xf32>
        %swap3A_580 = arith.constant 0 : i32
        %swap3A_581 = arith.index_cast %swap3A_580 : i32 to index
        %swap3A_582 = arith.index_cast %add3A_548 : i32 to index
        %swap3A_583 = arith.constant 32 : index
        %swap3A_584 = tpu.vector_load %arg16[%swap3A_581, %swap3A_582, %swap3A_583] {strides = array<i32>} : memref<2x64x64xf32, #tpu.memory_space<vmem>>, vector<16xf32>,
        tpu.vector_store %arg16[%swap3A_581, %swap3A_582, %swap3A_583], %mul3A_579 {strides = array<i32>} : memref<2x64x64xf32, #tpu.memory_space<vmem>>, vector<16xf32>,
        %get3A_585 = arith.constant 0 : i32
        %get3A_586 = arith.index_cast %get3A_585 : i32 to index
        %get3A_587 = arith.index_cast %add3A_548 : i32 to index
        %get3A_588 = arith.constant 48 : index
        %get3A_589 = tpu.vector_load %arg15[%get3A_586, %get3A_587, %get3A_588] {strides = array<i32>} : memref<2x64x64xf32, #tpu.memory_space<vmem>>, vector<16xf32>,
        %mul3A_590 = arith.mulf %get3A_589, %broadcast_in_dim3A_551 : vector<16xf32>
        %swap3A_591 = arith.constant 0 : i32
        %swap3A_592 = arith.index_cast %swap3A_591 : i32 to index
        %swap3A_593 = arith.index_cast %add3A_548 : i32 to index
        %swap3A_594 = arith.constant 48 : index
        %swap3A_595 = tpu.vector_load %arg16[%swap3A_592, %swap3A_593, %swap3A_594] {strides = array<i32>} : memref<2x64x64xf32, #tpu.memory_space<vmem>>, vector<16xf32>,
        tpu.vector_store %arg16[%swap3A_592, %swap3A_593, %swap3A_594], %mul3A_590 {strides = array<i32>} : memref<2x64x64xf32, #tpu.memory_space<vmem>>, vector<16xf32>,
        %mul3A_596 = arith.constant 16 : i32
        %mul3A_597 = arith.muli %scan3A_389, %mul3A_596 : i32
        %add3A_598 = arith.constant 4 : i32
        %add3A_599 = arith.addi %mul3A_597, %add3A_598 : i32
        %slice3A_600 = vector.extract_strided_slice %get3A_395 {offsets = [4], sizes = [1], strides = [1]} : vector<16xf32> to vector<1xf32>
        %squeeze3A_601 = vector.extract %slice3A_600[0] : f32 from vector<1xf32>
        %broadcast_in_dim3A_602 = vector.broadcast %squeeze3A_601 : f32 to vector<16xf32>
        %get3A_603 = arith.constant 0 : i32
        %get3A_604 = arith.index_cast %get3A_603 : i32 to index
        %get3A_605 = arith.index_cast %add3A_599 : i32 to index
        %get3A_606 = arith.constant 0 : index
        %get3A_607 = tpu.vector_load %arg15[%get3A_604, %get3A_605, %get3A_606] {strides = array<i32>} : memref<2x64x64xf32, #tpu.memory_space<vmem>>, vector<16xf32>,
        %mul3A_608 = arith.mulf %get3A_607, %broadcast_in_dim3A_602 : vector<16xf32>
        %swap3A_609 = arith.constant 0 : i32
        %swap3A_610 = arith.index_cast %swap3A_609 : i32 to index
        %swap3A_611 = arith.index_cast %add3A_599 : i32 to index
        %swap3A_612 = arith.constant 0 : index
        %swap3A_613 = tpu.vector_load %arg16[%swap3A_610, %swap3A_611, %swap3A_612] {strides = array<i32>} : memref<2x64x64xf32, #tpu.memory_space<vmem>>, vector<16xf32>,
        tpu.vector_store %arg16[%swap3A_610, %swap3A_611, %swap3A_612], %mul3A_608 {strides = array<i32>} : memref<2x64x64xf32, #tpu.memory_space<vmem>>, vector<16xf32>,
        %get3A_614 = arith.constant 0 : i32
        %get3A_615 = arith.index_cast %get3A_614 : i32 to index
        %get3A_616 = arith.index_cast %add3A_599 : i32 to index
        %get3A_617 = arith.constant 16 : index
        %get3A_618 = tpu.vector_load %arg15[%get3A_615, %get3A_616, %get3A_617] {strides = array<i32>} : memref<2x64x64xf32, #tpu.memory_space<vmem>>, vector<16xf32>,
        %mul3A_619 = arith.mulf %get3A_618, %broadcast_in_dim3A_602 : vector<16xf32>
        %swap3A_620 = arith.constant 0 : i32
        %swap3A_621 = arith.index_cast %swap3A_620 : i32 to index
        %swap3A_622 = arith.index_cast %add3A_599 : i32 to index
        %swap3A_623 = arith.constant 16 : index
        %swap3A_624 = tpu.vector_load %arg16[%swap3A_621, %swap3A_622, %swap3A_623] {strides = array<i32>} : memref<2x64x64xf32, #tpu.memory_space<vmem>>, vector<16xf32>,
        tpu.vector_store %arg16[%swap3A_621, %swap3A_622, %swap3A_623], %mul3A_619 {strides = array<i32>} : memref<2x64x64xf32, #tpu.memory_space<vmem>>, vector<16xf32>,
        %get3A_625 = arith.constant 0 : i32
        %get3A_626 = arith.index_cast %get3A_625 : i32 to index
        %get3A_627 = arith.index_cast %add3A_599 : i32 to index
        %get3A_628 = arith.constant 32 : index
        %get3A_629 = tpu.vector_load %arg15[%get3A_626, %get3A_627, %get3A_628] {strides = array<i32>} : memref<2x64x64xf32, #tpu.memory_space<vmem>>, vector<16xf32>,
        %mul3A_630 = arith.mulf %get3A_629, %broadcast_in_dim3A_602 : vector<16xf32>
        %swap3A_631 = arith.constant 0 : i32
        %swap3A_632 = arith.index_cast %swap3A_631 : i32 to index
        %swap3A_633 = arith.index_cast %add3A_599 : i32 to index
        %swap3A_634 = arith.constant 32 : index
        %swap3A_635 = tpu.vector_load %arg16[%swap3A_632, %swap3A_633, %swap3A_634] {strides = array<i32>} : memref<2x64x64xf32, #tpu.memory_space<vmem>>, vector<16xf32>,
        tpu.vector_store %arg16[%swap3A_632, %swap3A_633, %swap3A_634], %mul3A_630 {strides = array<i32>} : memref<2x64x64xf32, #tpu.memory_space<vmem>>, vector<16xf32>,
        %get3A_636 = arith.constant 0 : i32
        %get3A_637 = arith.index_cast %get3A_636 : i32 to index
        %get3A_638 = arith.index_cast %add3A_599 : i32 to index
        %get3A_639 = arith.constant 48 : index
        %get3A_640 = tpu.vector_load %arg15[%get3A_637, %get3A_638, %get3A_639] {strides = array<i32>} : memref<2x64x64xf32, #tpu.memory_space<vmem>>, vector<16xf32>,
        %mul3A_641 = arith.mulf %get3A_640, %broadcast_in_dim3A_602 : vector<16xf32>
        %swap3A_642 = arith.constant 0 : i32
        %swap3A_643 = arith.index_cast %swap3A_642 : i32 to index
        %swap3A_644 = arith.index_cast %add3A_599 : i32 to index
        %swap3A_645 = arith.constant 48 : index
        %swap3A_646 = tpu.vector_load %arg16[%swap3A_643, %swap3A_644, %swap3A_645] {strides = array<i32>} : memref<2x64x64xf32, #tpu.memory_space<vmem>>, vector<16xf32>,
        tpu.vector_store %arg16[%swap3A_643, %swap3A_644, %swap3A_645], %mul3A_641 {strides = array<i32>} : memref<2x64x64xf32, #tpu.memory_space<vmem>>, vector<16xf32>,
        %mul3A_647 = arith.constant 16 : i32
        %mul3A_648 = arith.muli %scan3A_389, %mul3A_647 : i32
        %add3A_649 = arith.constant 5 : i32
        %add3A_650 = arith.addi %mul3A_648, %add3A_649 : i32
        %slice3A_651 = vector.extract_strided_slice %get3A_395 {offsets = [5], sizes = [1], strides = [1]} : vector<16xf32> to vector<1xf32>
        %squeeze3A_652 = vector.extract %slice3A_651[0] : f32 from vector<1xf32>
        %broadcast_in_dim3A_653 = vector.broadcast %squeeze3A_652 : f32 to vector<16xf32>
        %get3A_654 = arith.constant 0 : i32
        %get3A_655 = arith.index_cast %get3A_654 : i32 to index
        %get3A_656 = arith.index_cast %add3A_650 : i32 to index
        %get3A_657 = arith.constant 0 : index
        %get3A_658 = tpu.vector_load %arg15[%get3A_655, %get3A_656, %get3A_657] {strides = array<i32>} : memref<2x64x64xf32, #tpu.memory_space<vmem>>, vector<16xf32>,
        %mul3A_659 = arith.mulf %get3A_658, %broadcast_in_dim3A_653 : vector<16xf32>
        %swap3A_660 = arith.constant 0 : i32
        %swap3A_661 = arith.index_cast %swap3A_660 : i32 to index
        %swap3A_662 = arith.index_cast %add3A_650 : i32 to index
        %swap3A_663 = arith.constant 0 : index
        %swap3A_664 = tpu.vector_load %arg16[%swap3A_661, %swap3A_662, %swap3A_663] {strides = array<i32>} : memref<2x64x64xf32, #tpu.memory_space<vmem>>, vector<16xf32>,
        tpu.vector_store %arg16[%swap3A_661, %swap3A_662, %swap3A_663], %mul3A_659 {strides = array<i32>} : memref<2x64x64xf32, #tpu.memory_space<vmem>>, vector<16xf32>,
        %get3A_665 = arith.constant 0 : i32
        %get3A_666 = arith.index_cast %get3A_665 : i32 to index
        %get3A_667 = arith.index_cast %add3A_650 : i32 to index
        %get3A_668 = arith.constant 16 : index
        %get3A_669 = tpu.vector_load %arg15[%get3A_666, %get3A_667, %get3A_668] {strides = array<i32>} : memref<2x64x64xf32, #tpu.memory_space<vmem>>, vector<16xf32>,
        %mul3A_670 = arith.mulf %get3A_669, %broadcast_in_dim3A_653 : vector<16xf32>
        %swap3A_671 = arith.constant 0 : i32
        %swap3A_672 = arith.index_cast %swap3A_671 : i32 to index
        %swap3A_673 = arith.index_cast %add3A_650 : i32 to index
        %swap3A_674 = arith.constant 16 : index
        %swap3A_675 = tpu.vector_load %arg16[%swap3A_672, %swap3A_673, %swap3A_674] {strides = array<i32>} : memref<2x64x64xf32, #tpu.memory_space<vmem>>, vector<16xf32>,
        tpu.vector_store %arg16[%swap3A_672, %swap3A_673, %swap3A_674], %mul3A_670 {strides = array<i32>} : memref<2x64x64xf32, #tpu.memory_space<vmem>>, vector<16xf32>,
        %get3A_676 = arith.constant 0 : i32
        %get3A_677 = arith.index_cast %get3A_676 : i32 to index
        %get3A_678 = arith.index_cast %add3A_650 : i32 to index
        %get3A_679 = arith.constant 32 : index
        %get3A_680 = tpu.vector_load %arg15[%get3A_677, %get3A_678, %get3A_679] {strides = array<i32>} : memref<2x64x64xf32, #tpu.memory_space<vmem>>, vector<16xf32>,
        %mul3A_681 = arith.mulf %get3A_680, %broadcast_in_dim3A_653 : vector<16xf32>
        %swap3A_682 = arith.constant 0 : i32
        %swap3A_683 = arith.index_cast %swap3A_682 : i32 to index
        %swap3A_684 = arith.index_cast %add3A_650 : i32 to index
        %swap3A_685 = arith.constant 32 : index
        %swap3A_686 = tpu.vector_load %arg16[%swap3A_683, %swap3A_684, %swap3A_685] {strides = array<i32>} : memref<2x64x64xf32, #tpu.memory_space<vmem>>, vector<16xf32>,
        tpu.vector_store %arg16[%swap3A_683, %swap3A_684, %swap3A_685], %mul3A_681 {strides = array<i32>} : memref<2x64x64xf32, #tpu.memory_space<vmem>>, vector<16xf32>,
        %get3A_687 = arith.constant 0 : i32
        %get3A_688 = arith.index_cast %get3A_687 : i32 to index
        %get3A_689 = arith.index_cast %add3A_650 : i32 to index
        %get3A_690 = arith.constant 48 : index
        %get3A_691 = tpu.vector_load %arg15[%get3A_688, %get3A_689, %get3A_690] {strides = array<i32>} : memref<2x64x64xf32, #tpu.memory_space<vmem>>, vector<16xf32>,
        %mul3A_692 = arith.mulf %get3A_691, %broadcast_in_dim3A_653 : vector<16xf32>
        %swap3A_693 = arith.constant 0 : i32
        %swap3A_694 = arith.index_cast %swap3A_693 : i32 to index
        %swap3A_695 = arith.index_cast %add3A_650 : i32 to index
        %swap3A_696 = arith.constant 48 : index
        %swap3A_697 = tpu.vector_load %arg16[%swap3A_694, %swap3A_695, %swap3A_696] {strides = array<i32>} : memref<2x64x64xf32, #tpu.memory_space<vmem>>, vector<16xf32>,
        tpu.vector_store %arg16[%swap3A_694, %swap3A_695, %swap3A_696], %mul3A_692 {strides = array<i32>} : memref<2x64x64xf32, #tpu.memory_space<vmem>>, vector<16xf32>,
        %mul3A_698 = arith.constant 16 : i32
        %mul3A_699 = arith.muli %scan3A_389, %mul3A_698 : i32
        %add3A_700 = arith.constant 6 : i32
        %add3A_701 = arith.addi %mul3A_699, %add3A_700 : i32
        %slice3A_702 = vector.extract_strided_slice %get3A_395 {offsets = [6], sizes = [1], strides = [1]} : vector<16xf32> to vector<1xf32>
        %squeeze3A_703 = vector.extract %slice3A_702[0] : f32 from vector<1xf32>
        %broadcast_in_dim3A_704 = vector.broadcast %squeeze3A_703 : f32 to vector<16xf32>
        %get3A_705 = arith.constant 0 : i32
        %get3A_706 = arith.index_cast %get3A_705 : i32 to index
        %get3A_707 = arith.index_cast %add3A_701 : i32 to index
        %get3A_708 = arith.constant 0 : index
        %get3A_709 = tpu.vector_load %arg15[%get3A_706, %get3A_707, %get3A_708] {strides = array<i32>} : memref<2x64x64xf32, #tpu.memory_space<vmem>>, vector<16xf32>,
        %mul3A_710 = arith.mulf %get3A_709, %broadcast_in_dim3A_704 : vector<16xf32>
        %swap3A_711 = arith.constant 0 : i32
        %swap3A_712 = arith.index_cast %swap3A_711 : i32 to index
        %swap3A_713 = arith.index_cast %add3A_701 : i32 to index
        %swap3A_714 = arith.constant 0 : index
        %swap3A_715 = tpu.vector_load %arg16[%swap3A_712, %swap3A_713, %swap3A_714] {strides = array<i32>} : memref<2x64x64xf32, #tpu.memory_space<vmem>>, vector<16xf32>,
        tpu.vector_store %arg16[%swap3A_712, %swap3A_713, %swap3A_714], %mul3A_710 {strides = array<i32>} : memref<2x64x64xf32, #tpu.memory_space<vmem>>, vector<16xf32>,
        %get3A_716 = arith.constant 0 : i32
        %get3A_717 = arith.index_cast %get3A_716 : i32 to index
        %get3A_718 = arith.index_cast %add3A_701 : i32 to index
        %get3A_719 = arith.constant 16 : index
        %get3A_720 = tpu.vector_load %arg15[%get3A_717, %get3A_718, %get3A_719] {strides = array<i32>} : memref<2x64x64xf32, #tpu.memory_space<vmem>>, vector<16xf32>,
        %mul3A_721 = arith.mulf %get3A_720, %broadcast_in_dim3A_704 : vector<16xf32>
        %swap3A_722 = arith.constant 0 : i32
        %swap3A_723 = arith.index_cast %swap3A_722 : i32 to index
        %swap3A_724 = arith.index_cast %add3A_701 : i32 to index
        %swap3A_725 = arith.constant 16 : index
        %swap3A_726 = tpu.vector_load %arg16[%swap3A_723, %swap3A_724, %swap3A_725] {strides = array<i32>} : memref<2x64x64xf32, #tpu.memory_space<vmem>>, vector<16xf32>,
        tpu.vector_store %arg16[%swap3A_723, %swap3A_724, %swap3A_725], %mul3A_721 {strides = array<i32>} : memref<2x64x64xf32, #tpu.memory_space<vmem>>, vector<16xf32>,
        %get3A_727 = arith.constant 0 : i32
        %get3A_728 = arith.index_cast %get3A_727 : i32 to index
        %get3A_729 = arith.index_cast %add3A_701 : i32 to index
        %get3A_730 = arith.constant 32 : index
        %get3A_731 = tpu.vector_load %arg15[%get3A_728, %get3A_729, %get3A_730] {strides = array<i32>} : memref<2x64x64xf32, #tpu.memory_space<vmem>>, vector<16xf32>,
        %mul3A_732 = arith.mulf %get3A_731, %broadcast_in_dim3A_704 : vector<16xf32>
        %swap3A_733 = arith.constant 0 : i32
        %swap3A_734 = arith.index_cast %swap3A_733 : i32 to index
        %swap3A_735 = arith.index_cast %add3A_701 : i32 to index
        %swap3A_736 = arith.constant 32 : index
        %swap3A_737 = tpu.vector_load %arg16[%swap3A_734, %swap3A_735, %swap3A_736] {strides = array<i32>} : memref<2x64x64xf32, #tpu.memory_space<vmem>>, vector<16xf32>,
        tpu.vector_store %arg16[%swap3A_734, %swap3A_735, %swap3A_736], %mul3A_732 {strides = array<i32>} : memref<2x64x64xf32, #tpu.memory_space<vmem>>, vector<16xf32>,
        %get3A_738 = arith.constant 0 : i32
        %get3A_739 = arith.index_cast %get3A_738 : i32 to index
        %get3A_740 = arith.index_cast %add3A_701 : i32 to index
        %get3A_741 = arith.constant 48 : index
        %get3A_742 = tpu.vector_load %arg15[%get3A_739, %get3A_740, %get3A_741] {strides = array<i32>} : memref<2x64x64xf32, #tpu.memory_space<vmem>>, vector<16xf32>,
        %mul3A_743 = arith.mulf %get3A_742, %broadcast_in_dim3A_704 : vector<16xf32>
        %swap3A_744 = arith.constant 0 : i32
        %swap3A_745 = arith.index_cast %swap3A_744 : i32 to index
        %swap3A_746 = arith.index_cast %add3A_701 : i32 to index
        %swap3A_747 = arith.constant 48 : index
        %swap3A_748 = tpu.vector_load %arg16[%swap3A_745, %swap3A_746, %swap3A_747] {strides = array<i32>} : memref<2x64x64xf32, #tpu.memory_space<vmem>>, vector<16xf32>,
        tpu.vector_store %arg16[%swap3A_745, %swap3A_746, %swap3A_747], %mul3A_743 {strides = array<i32>} : memref<2x64x64xf32, #tpu.memory_space<vmem>>, vector<16xf32>,
        %mul3A_749 = arith.constant 16 : i32
        %mul3A_750 = arith.muli %scan3A_389, %mul3A_749 : i32
        %add3A_751 = arith.constant 7 : i32
        %add3A_752 = arith.addi %mul3A_750, %add3A_751 : i32
        %slice3A_753 = vector.extract_strided_slice %get3A_395 {offsets = [7], sizes = [1], strides = [1]} : vector<16xf32> to vector<1xf32>
        %squeeze3A_754 = vector.extract %slice3A_753[0] : f32 from vector<1xf32>
        %broadcast_in_dim3A_755 = vector.broadcast %squeeze3A_754 : f32 to vector<16xf32>
        %get3A_756 = arith.constant 0 : i32
        %get3A_757 = arith.index_cast %get3A_756 : i32 to index
        %get3A_758 = arith.index_cast %add3A_752 : i32 to index
        %get3A_759 = arith.constant 0 : index
        %get3A_760 = tpu.vector_load %arg15[%get3A_757, %get3A_758, %get3A_759] {strides = array<i32>} : memref<2x64x64xf32, #tpu.memory_space<vmem>>, vector<16xf32>,
        %mul3A_761 = arith.mulf %get3A_760, %broadcast_in_dim3A_755 : vector<16xf32>
        %swap3A_762 = arith.constant 0 : i32
        %swap3A_763 = arith.index_cast %swap3A_762 : i32 to index
        %swap3A_764 = arith.index_cast %add3A_752 : i32 to index
        %swap3A_765 = arith.constant 0 : index
        %swap3A_766 = tpu.vector_load %arg16[%swap3A_763, %swap3A_764, %swap3A_765] {strides = array<i32>} : memref<2x64x64xf32, #tpu.memory_space<vmem>>, vector<16xf32>,
        tpu.vector_store %arg16[%swap3A_763, %swap3A_764, %swap3A_765], %mul3A_761 {strides = array<i32>} : memref<2x64x64xf32, #tpu.memory_space<vmem>>, vector<16xf32>,
        %get3A_767 = arith.constant 0 : i32
        %get3A_768 = arith.index_cast %get3A_767 : i32 to index
        %get3A_769 = arith.index_cast %add3A_752 : i32 to index
        %get3A_770 = arith.constant 16 : index
        %get3A_771 = tpu.vector_load %arg15[%get3A_768, %get3A_769, %get3A_770] {strides = array<i32>} : memref<2x64x64xf32, #tpu.memory_space<vmem>>, vector<16xf32>,
        %mul3A_772 = arith.mulf %get3A_771, %broadcast_in_dim3A_755 : vector<16xf32>
        %swap3A_773 = arith.constant 0 : i32
        %swap3A_774 = arith.index_cast %swap3A_773 : i32 to index
        %swap3A_775 = arith.index_cast %add3A_752 : i32 to index
        %swap3A_776 = arith.constant 16 : index
        %swap3A_777 = tpu.vector_load %arg16[%swap3A_774, %swap3A_775, %swap3A_776] {strides = array<i32>} : memref<2x64x64xf32, #tpu.memory_space<vmem>>, vector<16xf32>,
        tpu.vector_store %arg16[%swap3A_774, %swap3A_775, %swap3A_776], %mul3A_772 {strides = array<i32>} : memref<2x64x64xf32, #tpu.memory_space<vmem>>, vector<16xf32>,
        %get3A_778 = arith.constant 0 : i32
        %get3A_779 = arith.index_cast %get3A_778 : i32 to index
        %get3A_780 = arith.index_cast %add3A_752 : i32 to index
        %get3A_781 = arith.constant 32 : index
        %get3A_782 = tpu.vector_load %arg15[%get3A_779, %get3A_780, %get3A_781] {strides = array<i32>} : memref<2x64x64xf32, #tpu.memory_space<vmem>>, vector<16xf32>,
        %mul3A_783 = arith.mulf %get3A_782, %broadcast_in_dim3A_755 : vector<16xf32>
        %swap3A_784 = arith.constant 0 : i32
        %swap3A_785 = arith.index_cast %swap3A_784 : i32 to index
        %swap3A_786 = arith.index_cast %add3A_752 : i32 to index
        %swap3A_787 = arith.constant 32 : index
        %swap3A_788 = tpu.vector_load %arg16[%swap3A_785, %swap3A_786, %swap3A_787] {strides = array<i32>} : memref<2x64x64xf32, #tpu.memory_space<vmem>>, vector<16xf32>,
        tpu.vector_store %arg16[%swap3A_785, %swap3A_786, %swap3A_787], %mul3A_783 {strides = array<i32>} : memref<2x64x64xf32, #tpu.memory_space<vmem>>, vector<16xf32>,
        %get3A_789 = arith.constant 0 : i32
        %get3A_790 = arith.index_cast %get3A_789 : i32 to index
        %get3A_791 = arith.index_cast %add3A_752 : i32 to index
        %get3A_792 = arith.constant 48 : index
        %get3A_793 = tpu.vector_load %arg15[%get3A_790, %get3A_791, %get3A_792] {strides = array<i32>} : memref<2x64x64xf32, #tpu.memory_space<vmem>>, vector<16xf32>,
        %mul3A_794 = arith.mulf %get3A_793, %broadcast_in_dim3A_755 : vector<16xf32>
        %swap3A_795 = arith.constant 0 : i32
        %swap3A_796 = arith.index_cast %swap3A_795 : i32 to index
        %swap3A_797 = arith.index_cast %add3A_752 : i32 to index
        %swap3A_798 = arith.constant 48 : index
        %swap3A_799 = tpu.vector_load %arg16[%swap3A_796, %swap3A_797, %swap3A_798] {strides = array<i32>} : memref<2x64x64xf32, #tpu.memory_space<vmem>>, vector<16xf32>,
        tpu.vector_store %arg16[%swap3A_796, %swap3A_797, %swap3A_798], %mul3A_794 {strides = array<i32>} : memref<2x64x64xf32, #tpu.memory_space<vmem>>, vector<16xf32>,
        %mul3A_800 = arith.constant 16 : i32
        %mul3A_801 = arith.muli %scan3A_389, %mul3A_800 : i32
        %add3A_802 = arith.constant 8 : i32
        %add3A_803 = arith.addi %mul3A_801, %add3A_802 : i32
        %slice3A_804 = vector.extract_strided_slice %get3A_395 {offsets = [8], sizes = [1], strides = [1]} : vector<16xf32> to vector<1xf32>
        %squeeze3A_805 = vector.extract %slice3A_804[0] : f32 from vector<1xf32>
        %broadcast_in_dim3A_806 = vector.broadcast %squeeze3A_805 : f32 to vector<16xf32>
        %get3A_807 = arith.constant 0 : i32
        %get3A_808 = arith.index_cast %get3A_807 : i32 to index
        %get3A_809 = arith.index_cast %add3A_803 : i32 to index
        %get3A_810 = arith.constant 0 : index
        %get3A_811 = tpu.vector_load %arg15[%get3A_808, %get3A_809, %get3A_810] {strides = array<i32>} : memref<2x64x64xf32, #tpu.memory_space<vmem>>, vector<16xf32>,
        %mul3A_812 = arith.mulf %get3A_811, %broadcast_in_dim3A_806 : vector<16xf32>
        %swap3A_813 = arith.constant 0 : i32
        %swap3A_814 = arith.index_cast %swap3A_813 : i32 to index
        %swap3A_815 = arith.index_cast %add3A_803 : i32 to index
        %swap3A_816 = arith.constant 0 : index
        %swap3A_817 = tpu.vector_load %arg16[%swap3A_814, %swap3A_815, %swap3A_816] {strides = array<i32>} : memref<2x64x64xf32, #tpu.memory_space<vmem>>, vector<16xf32>,
        tpu.vector_store %arg16[%swap3A_814, %swap3A_815, %swap3A_816], %mul3A_812 {strides = array<i32>} : memref<2x64x64xf32, #tpu.memory_space<vmem>>, vector<16xf32>,
        %get3A_818 = arith.constant 0 : i32
        %get3A_819 = arith.index_cast %get3A_818 : i32 to index
        %get3A_820 = arith.index_cast %add3A_803 : i32 to index
        %get3A_821 = arith.constant 16 : index
        %get3A_822 = tpu.vector_load %arg15[%get3A_819, %get3A_820, %get3A_821] {strides = array<i32>} : memref<2x64x64xf32, #tpu.memory_space<vmem>>, vector<16xf32>,
        %mul3A_823 = arith.mulf %get3A_822, %broadcast_in_dim3A_806 : vector<16xf32>
        %swap3A_824 = arith.constant 0 : i32
        %swap3A_825 = arith.index_cast %swap3A_824 : i32 to index
        %swap3A_826 = arith.index_cast %add3A_803 : i32 to index
        %swap3A_827 = arith.constant 16 : index
        %swap3A_828 = tpu.vector_load %arg16[%swap3A_825, %swap3A_826, %swap3A_827] {strides = array<i32>} : memref<2x64x64xf32, #tpu.memory_space<vmem>>, vector<16xf32>,
        tpu.vector_store %arg16[%swap3A_825, %swap3A_826, %swap3A_827], %mul3A_823 {strides = array<i32>} : memref<2x64x64xf32, #tpu.memory_space<vmem>>, vector<16xf32>,
        %get3A_829 = arith.constant 0 : i32
        %get3A_830 = arith.index_cast %get3A_829 : i32 to index
        %get3A_831 = arith.index_cast %add3A_803 : i32 to index
        %get3A_832 = arith.constant 32 : index
        %get3A_833 = tpu.vector_load %arg15[%get3A_830, %get3A_831, %get3A_832] {strides = array<i32>} : memref<2x64x64xf32, #tpu.memory_space<vmem>>, vector<16xf32>,
        %mul3A_834 = arith.mulf %get3A_833, %broadcast_in_dim3A_806 : vector<16xf32>
        %swap3A_835 = arith.constant 0 : i32
        %swap3A_836 = arith.index_cast %swap3A_835 : i32 to index
        %swap3A_837 = arith.index_cast %add3A_803 : i32 to index
        %swap3A_838 = arith.constant 32 : index
        %swap3A_839 = tpu.vector_load %arg16[%swap3A_836, %swap3A_837, %swap3A_838] {strides = array<i32>} : memref<2x64x64xf32, #tpu.memory_space<vmem>>, vector<16xf32>,
        tpu.vector_store %arg16[%swap3A_836, %swap3A_837, %swap3A_838], %mul3A_834 {strides = array<i32>} : memref<2x64x64xf32, #tpu.memory_space<vmem>>, vector<16xf32>,
        %get3A_840 = arith.constant 0 : i32
        %get3A_841 = arith.index_cast %get3A_840 : i32 to index
        %get3A_842 = arith.index_cast %add3A_803 : i32 to index
        %get3A_843 = arith.constant 48 : index
        %get3A_844 = tpu.vector_load %arg15[%get3A_841, %get3A_842, %get3A_843] {strides = array<i32>} : memref<2x64x64xf32, #tpu.memory_space<vmem>>, vector<16xf32>,
        %mul3A_845 = arith.mulf %get3A_844, %broadcast_in_dim3A_806 : vector<16xf32>
        %swap3A_846 = arith.constant 0 : i32
        %swap3A_847 = arith.index_cast %swap3A_846 : i32 to index
        %swap3A_848 = arith.index_cast %add3A_803 : i32 to index
        %swap3A_849 = arith.constant 48 : index
        %swap3A_850 = tpu.vector_load %arg16[%swap3A_847, %swap3A_848, %swap3A_849] {strides = array<i32>} : memref<2x64x64xf32, #tpu.memory_space<vmem>>, vector<16xf32>,
        tpu.vector_store %arg16[%swap3A_847, %swap3A_848, %swap3A_849], %mul3A_845 {strides = array<i32>} : memref<2x64x64xf32, #tpu.memory_space<vmem>>, vector<16xf32>,
        %mul3A_851 = arith.constant 16 : i32
        %mul3A_852 = arith.muli %scan3A_389, %mul3A_851 : i32
        %add3A_853 = arith.constant 9 : i32
        %add3A_854 = arith.addi %mul3A_852, %add3A_853 : i32
        %slice3A_855 = vector.extract_strided_slice %get3A_395 {offsets = [9], sizes = [1], strides = [1]} : vector<16xf32> to vector<1xf32>
        %squeeze3A_856 = vector.extract %slice3A_855[0] : f32 from vector<1xf32>
        %broadcast_in_dim3A_857 = vector.broadcast %squeeze3A_856 : f32 to vector<16xf32>
        %get3A_858 = arith.constant 0 : i32
        %get3A_859 = arith.index_cast %get3A_858 : i32 to index
        %get3A_860 = arith.index_cast %add3A_854 : i32 to index
        %get3A_861 = arith.constant 0 : index
        %get3A_862 = tpu.vector_load %arg15[%get3A_859, %get3A_860, %get3A_861] {strides = array<i32>} : memref<2x64x64xf32, #tpu.memory_space<vmem>>, vector<16xf32>,
        %mul3A_863 = arith.mulf %get3A_862, %broadcast_in_dim3A_857 : vector<16xf32>
        %swap3A_864 = arith.constant 0 : i32
        %swap3A_865 = arith.index_cast %swap3A_864 : i32 to index
        %swap3A_866 = arith.index_cast %add3A_854 : i32 to index
        %swap3A_867 = arith.constant 0 : index
        %swap3A_868 = tpu.vector_load %arg16[%swap3A_865, %swap3A_866, %swap3A_867] {strides = array<i32>} : memref<2x64x64xf32, #tpu.memory_space<vmem>>, vector<16xf32>,
        tpu.vector_store %arg16[%swap3A_865, %swap3A_866, %swap3A_867], %mul3A_863 {strides = array<i32>} : memref<2x64x64xf32, #tpu.memory_space<vmem>>, vector<16xf32>,
        %get3A_869 = arith.constant 0 : i32
        %get3A_870 = arith.index_cast %get3A_869 : i32 to index
        %get3A_871 = arith.index_cast %add3A_854 : i32 to index
        %get3A_872 = arith.constant 16 : index
        %get3A_873 = tpu.vector_load %arg15[%get3A_870, %get3A_871, %get3A_872] {strides = array<i32>} : memref<2x64x64xf32, #tpu.memory_space<vmem>>, vector<16xf32>,
        %mul3A_874 = arith.mulf %get3A_873, %broadcast_in_dim3A_857 : vector<16xf32>
        %swap3A_875 = arith.constant 0 : i32
        %swap3A_876 = arith.index_cast %swap3A_875 : i32 to index
        %swap3A_877 = arith.index_cast %add3A_854 : i32 to index
        %swap3A_878 = arith.constant 16 : index
        %swap3A_879 = tpu.vector_load %arg16[%swap3A_876, %swap3A_877, %swap3A_878] {strides = array<i32>} : memref<2x64x64xf32, #tpu.memory_space<vmem>>, vector<16xf32>,
        tpu.vector_store %arg16[%swap3A_876, %swap3A_877, %swap3A_878], %mul3A_874 {strides = array<i32>} : memref<2x64x64xf32, #tpu.memory_space<vmem>>, vector<16xf32>,
        %get3A_880 = arith.constant 0 : i32
        %get3A_881 = arith.index_cast %get3A_880 : i32 to index
        %get3A_882 = arith.index_cast %add3A_854 : i32 to index
        %get3A_883 = arith.constant 32 : index
        %get3A_884 = tpu.vector_load %arg15[%get3A_881, %get3A_882, %get3A_883] {strides = array<i32>} : memref<2x64x64xf32, #tpu.memory_space<vmem>>, vector<16xf32>,
        %mul3A_885 = arith.mulf %get3A_884, %broadcast_in_dim3A_857 : vector<16xf32>
        %swap3A_886 = arith.constant 0 : i32
        %swap3A_887 = arith.index_cast %swap3A_886 : i32 to index
        %swap3A_888 = arith.index_cast %add3A_854 : i32 to index
        %swap3A_889 = arith.constant 32 : index
        %swap3A_890 = tpu.vector_load %arg16[%swap3A_887, %swap3A_888, %swap3A_889] {strides = array<i32>} : memref<2x64x64xf32, #tpu.memory_space<vmem>>, vector<16xf32>,
        tpu.vector_store %arg16[%swap3A_887, %swap3A_888, %swap3A_889], %mul3A_885 {strides = array<i32>} : memref<2x64x64xf32, #tpu.memory_space<vmem>>, vector<16xf32>,
        %get3A_891 = arith.constant 0 : i32
        %get3A_892 = arith.index_cast %get3A_891 : i32 to index
        %get3A_893 = arith.index_cast %add3A_854 : i32 to index
        %get3A_894 = arith.constant 48 : index
        %get3A_895 = tpu.vector_load %arg15[%get3A_892, %get3A_893, %get3A_894] {strides = array<i32>} : memref<2x64x64xf32, #tpu.memory_space<vmem>>, vector<16xf32>,
        %mul3A_896 = arith.mulf %get3A_895, %broadcast_in_dim3A_857 : vector<16xf32>
        %swap3A_897 = arith.constant 0 : i32
        %swap3A_898 = arith.index_cast %swap3A_897 : i32 to index
        %swap3A_899 = arith.index_cast %add3A_854 : i32 to index
        %swap3A_900 = arith.constant 48 : index
        %swap3A_901 = tpu.vector_load %arg16[%swap3A_898, %swap3A_899, %swap3A_900] {strides = array<i32>} : memref<2x64x64xf32, #tpu.memory_space<vmem>>, vector<16xf32>,
        tpu.vector_store %arg16[%swap3A_898, %swap3A_899, %swap3A_900], %mul3A_896 {strides = array<i32>} : memref<2x64x64xf32, #tpu.memory_space<vmem>>, vector<16xf32>,
        %mul3A_902 = arith.constant 16 : i32
        %mul3A_903 = arith.muli %scan3A_389, %mul3A_902 : i32
        %add3A_904 = arith.constant 10 : i32
        %add3A_905 = arith.addi %mul3A_903, %add3A_904 : i32
        %slice3A_906 = vector.extract_strided_slice %get3A_395 {offsets = [10], sizes = [1], strides = [1]} : vector<16xf32> to vector<1xf32>
        %squeeze3A_907 = vector.extract %slice3A_906[0] : f32 from vector<1xf32>
        %broadcast_in_dim3A_908 = vector.broadcast %squeeze3A_907 : f32 to vector<16xf32>
        %get3A_909 = arith.constant 0 : i32
        %get3A_910 = arith.index_cast %get3A_909 : i32 to index
        %get3A_911 = arith.index_cast %add3A_905 : i32 to index
        %get3A_912 = arith.constant 0 : index
        %get3A_913 = tpu.vector_load %arg15[%get3A_910, %get3A_911, %get3A_912] {strides = array<i32>} : memref<2x64x64xf32, #tpu.memory_space<vmem>>, vector<16xf32>,
        %mul3A_914 = arith.mulf %get3A_913, %broadcast_in_dim3A_908 : vector<16xf32>
        %swap3A_915 = arith.constant 0 : i32
        %swap3A_916 = arith.index_cast %swap3A_915 : i32 to index
        %swap3A_917 = arith.index_cast %add3A_905 : i32 to index
        %swap3A_918 = arith.constant 0 : index
        %swap3A_919 = tpu.vector_load %arg16[%swap3A_916, %swap3A_917, %swap3A_918] {strides = array<i32>} : memref<2x64x64xf32, #tpu.memory_space<vmem>>, vector<16xf32>,
        tpu.vector_store %arg16[%swap3A_916, %swap3A_917, %swap3A_918], %mul3A_914 {strides = array<i32>} : memref<2x64x64xf32, #tpu.memory_space<vmem>>, vector<16xf32>,
        %get3A_920 = arith.constant 0 : i32
        %get3A_921 = arith.index_cast %get3A_920 : i32 to index
        %get3A_922 = arith.index_cast %add3A_905 : i32 to index
        %get3A_923 = arith.constant 16 : index
        %get3A_924 = tpu.vector_load %arg15[%get3A_921, %get3A_922, %get3A_923] {strides = array<i32>} : memref<2x64x64xf32, #tpu.memory_space<vmem>>, vector<16xf32>,
        %mul3A_925 = arith.mulf %get3A_924, %broadcast_in_dim3A_908 : vector<16xf32>
        %swap3A_926 = arith.constant 0 : i32
        %swap3A_927 = arith.index_cast %swap3A_926 : i32 to index
        %swap3A_928 = arith.index_cast %add3A_905 : i32 to index
        %swap3A_929 = arith.constant 16 : index
        %swap3A_930 = tpu.vector_load %arg16[%swap3A_927, %swap3A_928, %swap3A_929] {strides = array<i32>} : memref<2x64x64xf32, #tpu.memory_space<vmem>>, vector<16xf32>,
        tpu.vector_store %arg16[%swap3A_927, %swap3A_928, %swap3A_929], %mul3A_925 {strides = array<i32>} : memref<2x64x64xf32, #tpu.memory_space<vmem>>, vector<16xf32>,
        %get3A_931 = arith.constant 0 : i32
        %get3A_932 = arith.index_cast %get3A_931 : i32 to index
        %get3A_933 = arith.index_cast %add3A_905 : i32 to index
        %get3A_934 = arith.constant 32 : index
        %get3A_935 = tpu.vector_load %arg15[%get3A_932, %get3A_933, %get3A_934] {strides = array<i32>} : memref<2x64x64xf32, #tpu.memory_space<vmem>>, vector<16xf32>,
        %mul3A_936 = arith.mulf %get3A_935, %broadcast_in_dim3A_908 : vector<16xf32>
        %swap3A_937 = arith.constant 0 : i32
        %swap3A_938 = arith.index_cast %swap3A_937 : i32 to index
        %swap3A_939 = arith.index_cast %add3A_905 : i32 to index
        %swap3A_940 = arith.constant 32 : index
        %swap3A_941 = tpu.vector_load %arg16[%swap3A_938, %swap3A_939, %swap3A_940] {strides = array<i32>} : memref<2x64x64xf32, #tpu.memory_space<vmem>>, vector<16xf32>,
        tpu.vector_store %arg16[%swap3A_938, %swap3A_939, %swap3A_940], %mul3A_936 {strides = array<i32>} : memref<2x64x64xf32, #tpu.memory_space<vmem>>, vector<16xf32>,
        %get3A_942 = arith.constant 0 : i32
        %get3A_943 = arith.index_cast %get3A_942 : i32 to index
        %get3A_944 = arith.index_cast %add3A_905 : i32 to index
        %get3A_945 = arith.constant 48 : index
        %get3A_946 = tpu.vector_load %arg15[%get3A_943, %get3A_944, %get3A_945] {strides = array<i32>} : memref<2x64x64xf32, #tpu.memory_space<vmem>>, vector<16xf32>,
        %mul3A_947 = arith.mulf %get3A_946, %broadcast_in_dim3A_908 : vector<16xf32>
        %swap3A_948 = arith.constant 0 : i32
        %swap3A_949 = arith.index_cast %swap3A_948 : i32 to index
        %swap3A_950 = arith.index_cast %add3A_905 : i32 to index
        %swap3A_951 = arith.constant 48 : index
        %swap3A_952 = tpu.vector_load %arg16[%swap3A_949, %swap3A_950, %swap3A_951] {strides = array<i32>} : memref<2x64x64xf32, #tpu.memory_space<vmem>>, vector<16xf32>,
        tpu.vector_store %arg16[%swap3A_949, %swap3A_950, %swap3A_951], %mul3A_947 {strides = array<i32>} : memref<2x64x64xf32, #tpu.memory_space<vmem>>, vector<16xf32>,
        %mul3A_953 = arith.constant 16 : i32
        %mul3A_954 = arith.muli %scan3A_389, %mul3A_953 : i32
        %add3A_955 = arith.constant 11 : i32
        %add3A_956 = arith.addi %mul3A_954, %add3A_955 : i32
        %slice3A_957 = vector.extract_strided_slice %get3A_395 {offsets = [11], sizes = [1], strides = [1]} : vector<16xf32> to vector<1xf32>
        %squeeze3A_958 = vector.extract %slice3A_957[0] : f32 from vector<1xf32>
        %broadcast_in_dim3A_959 = vector.broadcast %squeeze3A_958 : f32 to vector<16xf32>
        %get3A_960 = arith.constant 0 : i32
        %get3A_961 = arith.index_cast %get3A_960 : i32 to index
        %get3A_962 = arith.index_cast %add3A_956 : i32 to index
        %get3A_963 = arith.constant 0 : index
        %get3A_964 = tpu.vector_load %arg15[%get3A_961, %get3A_962, %get3A_963] {strides = array<i32>} : memref<2x64x64xf32, #tpu.memory_space<vmem>>, vector<16xf32>,
        %mul3A_965 = arith.mulf %get3A_964, %broadcast_in_dim3A_959 : vector<16xf32>
        %swap3A_966 = arith.constant 0 : i32
        %swap3A_967 = arith.index_cast %swap3A_966 : i32 to index
        %swap3A_968 = arith.index_cast %add3A_956 : i32 to index
        %swap3A_969 = arith.constant 0 : index
        %swap3A_970 = tpu.vector_load %arg16[%swap3A_967, %swap3A_968, %swap3A_969] {strides = array<i32>} : memref<2x64x64xf32, #tpu.memory_space<vmem>>, vector<16xf32>,
        tpu.vector_store %arg16[%swap3A_967, %swap3A_968, %swap3A_969], %mul3A_965 {strides = array<i32>} : memref<2x64x64xf32, #tpu.memory_space<vmem>>, vector<16xf32>,
        %get3A_971 = arith.constant 0 : i32
        %get3A_972 = arith.index_cast %get3A_971 : i32 to index
        %get3A_973 = arith.index_cast %add3A_956 : i32 to index
        %get3A_974 = arith.constant 16 : index
        %get3A_975 = tpu.vector_load %arg15[%get3A_972, %get3A_973, %get3A_974] {strides = array<i32>} : memref<2x64x64xf32, #tpu.memory_space<vmem>>, vector<16xf32>,
        %mul3A_976 = arith.mulf %get3A_975, %broadcast_in_dim3A_959 : vector<16xf32>
        %swap3A_977 = arith.constant 0 : i32
        %swap3A_978 = arith.index_cast %swap3A_977 : i32 to index
        %swap3A_979 = arith.index_cast %add3A_956 : i32 to index
        %swap3A_980 = arith.constant 16 : index
        %swap3A_981 = tpu.vector_load %arg16[%swap3A_978, %swap3A_979, %swap3A_980] {strides = array<i32>} : memref<2x64x64xf32, #tpu.memory_space<vmem>>, vector<16xf32>,
        tpu.vector_store %arg16[%swap3A_978, %swap3A_979, %swap3A_980], %mul3A_976 {strides = array<i32>} : memref<2x64x64xf32, #tpu.memory_space<vmem>>, vector<16xf32>,
        %get3A_982 = arith.constant 0 : i32
        %get3A_983 = arith.index_cast %get3A_982 : i32 to index
        %get3A_984 = arith.index_cast %add3A_956 : i32 to index
        %get3A_985 = arith.constant 32 : index
        %get3A_986 = tpu.vector_load %arg15[%get3A_983, %get3A_984, %get3A_985] {strides = array<i32>} : memref<2x64x64xf32, #tpu.memory_space<vmem>>, vector<16xf32>,
        %mul3A_987 = arith.mulf %get3A_986, %broadcast_in_dim3A_959 : vector<16xf32>
        %swap3A_988 = arith.constant 0 : i32
        %swap3A_989 = arith.index_cast %swap3A_988 : i32 to index
        %swap3A_990 = arith.index_cast %add3A_956 : i32 to index
        %swap3A_991 = arith.constant 32 : index
        %swap3A_992 = tpu.vector_load %arg16[%swap3A_989, %swap3A_990, %swap3A_991] {strides = array<i32>} : memref<2x64x64xf32, #tpu.memory_space<vmem>>, vector<16xf32>,
        tpu.vector_store %arg16[%swap3A_989, %swap3A_990, %swap3A_991], %mul3A_987 {strides = array<i32>} : memref<2x64x64xf32, #tpu.memory_space<vmem>>, vector<16xf32>,
        %get3A_993 = arith.constant 0 : i32
        %get3A_994 = arith.index_cast %get3A_993 : i32 to index
        %get3A_995 = arith.index_cast %add3A_956 : i32 to index
        %get3A_996 = arith.constant 48 : index
        %get3A_997 = tpu.vector_load %arg15[%get3A_994, %get3A_995, %get3A_996] {strides = array<i32>} : memref<2x64x64xf32, #tpu.memory_space<vmem>>, vector<16xf32>,
        %mul3A_998 = arith.mulf %get3A_997, %broadcast_in_dim3A_959 : vector<16xf32>
        %swap3A_999 = arith.constant 0 : i32
        %swap3A_1000 = arith.index_cast %swap3A_999 : i32 to index
        %swap3A_1001 = arith.index_cast %add3A_956 : i32 to index
        %swap3A_1002 = arith.constant 48 : index
        %swap3A_1003 = tpu.vector_load %arg16[%swap3A_1000, %swap3A_1001, %swap3A_1002] {strides = array<i32>} : memref<2x64x64xf32, #tpu.memory_space<vmem>>, vector<16xf32>,
        tpu.vector_store %arg16[%swap3A_1000, %swap3A_1001, %swap3A_1002], %mul3A_998 {strides = array<i32>} : memref<2x64x64xf32, #tpu.memory_space<vmem>>, vector<16xf32>,
        %mul3A_1004 = arith.constant 16 : i32
        %mul3A_1005 = arith.muli %scan3A_389, %mul3A_1004 : i32
        %add3A_1006 = arith.constant 12 : i32
        %add3A_1007 = arith.addi %mul3A_1005, %add3A_1006 : i32
        %slice3A_1008 = vector.extract_strided_slice %get3A_395 {offsets = [12], sizes = [1], strides = [1]} : vector<16xf32> to vector<1xf32>
        %squeeze3A_1009 = vector.extract %slice3A_1008[0] : f32 from vector<1xf32>
        %broadcast_in_dim3A_1010 = vector.broadcast %squeeze3A_1009 : f32 to vector<16xf32>
        %get3A_1011 = arith.constant 0 : i32
        %get3A_1012 = arith.index_cast %get3A_1011 : i32 to index
        %get3A_1013 = arith.index_cast %add3A_1007 : i32 to index
        %get3A_1014 = arith.constant 0 : index
        %get3A_1015 = tpu.vector_load %arg15[%get3A_1012, %get3A_1013, %get3A_1014] {strides = array<i32>} : memref<2x64x64xf32, #tpu.memory_space<vmem>>, vector<16xf32>,
        %mul3A_1016 = arith.mulf %get3A_1015, %broadcast_in_dim3A_1010 : vector<16xf32>
        %swap3A_1017 = arith.constant 0 : i32
        %swap3A_1018 = arith.index_cast %swap3A_1017 : i32 to index
        %swap3A_1019 = arith.index_cast %add3A_1007 : i32 to index
        %swap3A_1020 = arith.constant 0 : index
        %swap3A_1021 = tpu.vector_load %arg16[%swap3A_1018, %swap3A_1019, %swap3A_1020] {strides = array<i32>} : memref<2x64x64xf32, #tpu.memory_space<vmem>>, vector<16xf32>,
        tpu.vector_store %arg16[%swap3A_1018, %swap3A_1019, %swap3A_1020], %mul3A_1016 {strides = array<i32>} : memref<2x64x64xf32, #tpu.memory_space<vmem>>, vector<16xf32>,
        %get3A_1022 = arith.constant 0 : i32
        %get3A_1023 = arith.index_cast %get3A_1022 : i32 to index
        %get3A_1024 = arith.index_cast %add3A_1007 : i32 to index
        %get3A_1025 = arith.constant 16 : index
        %get3A_1026 = tpu.vector_load %arg15[%get3A_1023, %get3A_1024, %get3A_1025] {strides = array<i32>} : memref<2x64x64xf32, #tpu.memory_space<vmem>>, vector<16xf32>,
        %mul3A_1027 = arith.mulf %get3A_1026, %broadcast_in_dim3A_1010 : vector<16xf32>
        %swap3A_1028 = arith.constant 0 : i32
        %swap3A_1029 = arith.index_cast %swap3A_1028 : i32 to index
        %swap3A_1030 = arith.index_cast %add3A_1007 : i32 to index
        %swap3A_1031 = arith.constant 16 : index
        %swap3A_1032 = tpu.vector_load %arg16[%swap3A_1029, %swap3A_1030, %swap3A_1031] {strides = array<i32>} : memref<2x64x64xf32, #tpu.memory_space<vmem>>, vector<16xf32>,
        tpu.vector_store %arg16[%swap3A_1029, %swap3A_1030, %swap3A_1031], %mul3A_1027 {strides = array<i32>} : memref<2x64x64xf32, #tpu.memory_space<vmem>>, vector<16xf32>,
        %get3A_1033 = arith.constant 0 : i32
        %get3A_1034 = arith.index_cast %get3A_1033 : i32 to index
        %get3A_1035 = arith.index_cast %add3A_1007 : i32 to index
        %get3A_1036 = arith.constant 32 : index
        %get3A_1037 = tpu.vector_load %arg15[%get3A_1034, %get3A_1035, %get3A_1036] {strides = array<i32>} : memref<2x64x64xf32, #tpu.memory_space<vmem>>, vector<16xf32>,
        %mul3A_1038 = arith.mulf %get3A_1037, %broadcast_in_dim3A_1010 : vector<16xf32>
        %swap3A_1039 = arith.constant 0 : i32
        %swap3A_1040 = arith.index_cast %swap3A_1039 : i32 to index
        %swap3A_1041 = arith.index_cast %add3A_1007 : i32 to index
        %swap3A_1042 = arith.constant 32 : index
        %swap3A_1043 = tpu.vector_load %arg16[%swap3A_1040, %swap3A_1041, %swap3A_1042] {strides = array<i32>} : memref<2x64x64xf32, #tpu.memory_space<vmem>>, vector<16xf32>,
        tpu.vector_store %arg16[%swap3A_1040, %swap3A_1041, %swap3A_1042], %mul3A_1038 {strides = array<i32>} : memref<2x64x64xf32, #tpu.memory_space<vmem>>, vector<16xf32>,
        %get3A_1044 = arith.constant 0 : i32
        %get3A_1045 = arith.index_cast %get3A_1044 : i32 to index
        %get3A_1046 = arith.index_cast %add3A_1007 : i32 to index
        %get3A_1047 = arith.constant 48 : index
        %get3A_1048 = tpu.vector_load %arg15[%get3A_1045, %get3A_1046, %get3A_1047] {strides = array<i32>} : memref<2x64x64xf32, #tpu.memory_space<vmem>>, vector<16xf32>,
        %mul3A_1049 = arith.mulf %get3A_1048, %broadcast_in_dim3A_1010 : vector<16xf32>
        %swap3A_1050 = arith.constant 0 : i32
        %swap3A_1051 = arith.index_cast %swap3A_1050 : i32 to index
        %swap3A_1052 = arith.index_cast %add3A_1007 : i32 to index
        %swap3A_1053 = arith.constant 48 : index
        %swap3A_1054 = tpu.vector_load %arg16[%swap3A_1051, %swap3A_1052, %swap3A_1053] {strides = array<i32>} : memref<2x64x64xf32, #tpu.memory_space<vmem>>, vector<16xf32>,
        tpu.vector_store %arg16[%swap3A_1051, %swap3A_1052, %swap3A_1053], %mul3A_1049 {strides = array<i32>} : memref<2x64x64xf32, #tpu.memory_space<vmem>>, vector<16xf32>,
        %mul3A_1055 = arith.constant 16 : i32
        %mul3A_1056 = arith.muli %scan3A_389, %mul3A_1055 : i32
        %add3A_1057 = arith.constant 13 : i32
        %add3A_1058 = arith.addi %mul3A_1056, %add3A_1057 : i32
        %slice3A_1059 = vector.extract_strided_slice %get3A_395 {offsets = [13], sizes = [1], strides = [1]} : vector<16xf32> to vector<1xf32>
        %squeeze3A_1060 = vector.extract %slice3A_1059[0] : f32 from vector<1xf32>
        %broadcast_in_dim3A_1061 = vector.broadcast %squeeze3A_1060 : f32 to vector<16xf32>
        %get3A_1062 = arith.constant 0 : i32
        %get3A_1063 = arith.index_cast %get3A_1062 : i32 to index
        %get3A_1064 = arith.index_cast %add3A_1058 : i32 to index
        %get3A_1065 = arith.constant 0 : index
        %get3A_1066 = tpu.vector_load %arg15[%get3A_1063, %get3A_1064, %get3A_1065] {strides = array<i32>} : memref<2x64x64xf32, #tpu.memory_space<vmem>>, vector<16xf32>,
        %mul3A_1067 = arith.mulf %get3A_1066, %broadcast_in_dim3A_1061 : vector<16xf32>
        %swap3A_1068 = arith.constant 0 : i32
        %swap3A_1069 = arith.index_cast %swap3A_1068 : i32 to index
        %swap3A_1070 = arith.index_cast %add3A_1058 : i32 to index
        %swap3A_1071 = arith.constant 0 : index
        %swap3A_1072 = tpu.vector_load %arg16[%swap3A_1069, %swap3A_1070, %swap3A_1071] {strides = array<i32>} : memref<2x64x64xf32, #tpu.memory_space<vmem>>, vector<16xf32>,
        tpu.vector_store %arg16[%swap3A_1069, %swap3A_1070, %swap3A_1071], %mul3A_1067 {strides = array<i32>} : memref<2x64x64xf32, #tpu.memory_space<vmem>>, vector<16xf32>,
        %get3A_1073 = arith.constant 0 : i32
        %get3A_1074 = arith.index_cast %get3A_1073 : i32 to index
        %get3A_1075 = arith.index_cast %add3A_1058 : i32 to index
        %get3A_1076 = arith.constant 16 : index
        %get3A_1077 = tpu.vector_load %arg15[%get3A_1074, %get3A_1075, %get3A_1076] {strides = array<i32>} : memref<2x64x64xf32, #tpu.memory_space<vmem>>, vector<16xf32>,
        %mul3A_1078 = arith.mulf %get3A_1077, %broadcast_in_dim3A_1061 : vector<16xf32>
        %swap3A_1079 = arith.constant 0 : i32
        %swap3A_1080 = arith.index_cast %swap3A_1079 : i32 to index
        %swap3A_1081 = arith.index_cast %add3A_1058 : i32 to index
        %swap3A_1082 = arith.constant 16 : index
        %swap3A_1083 = tpu.vector_load %arg16[%swap3A_1080, %swap3A_1081, %swap3A_1082] {strides = array<i32>} : memref<2x64x64xf32, #tpu.memory_space<vmem>>, vector<16xf32>,
        tpu.vector_store %arg16[%swap3A_1080, %swap3A_1081, %swap3A_1082], %mul3A_1078 {strides = array<i32>} : memref<2x64x64xf32, #tpu.memory_space<vmem>>, vector<16xf32>,
        %get3A_1084 = arith.constant 0 : i32
        %get3A_1085 = arith.index_cast %get3A_1084 : i32 to index
        %get3A_1086 = arith.index_cast %add3A_1058 : i32 to index
        %get3A_1087 = arith.constant 32 : index
        %get3A_1088 = tpu.vector_load %arg15[%get3A_1085, %get3A_1086, %get3A_1087] {strides = array<i32>} : memref<2x64x64xf32, #tpu.memory_space<vmem>>, vector<16xf32>,
        %mul3A_1089 = arith.mulf %get3A_1088, %broadcast_in_dim3A_1061 : vector<16xf32>
        %swap3A_1090 = arith.constant 0 : i32
        %swap3A_1091 = arith.index_cast %swap3A_1090 : i32 to index
        %swap3A_1092 = arith.index_cast %add3A_1058 : i32 to index
        %swap3A_1093 = arith.constant 32 : index
        %swap3A_1094 = tpu.vector_load %arg16[%swap3A_1091, %swap3A_1092, %swap3A_1093] {strides = array<i32>} : memref<2x64x64xf32, #tpu.memory_space<vmem>>, vector<16xf32>,
        tpu.vector_store %arg16[%swap3A_1091, %swap3A_1092, %swap3A_1093], %mul3A_1089 {strides = array<i32>} : memref<2x64x64xf32, #tpu.memory_space<vmem>>, vector<16xf32>,
        %get3A_1095 = arith.constant 0 : i32
        %get3A_1096 = arith.index_cast %get3A_1095 : i32 to index
        %get3A_1097 = arith.index_cast %add3A_1058 : i32 to index
        %get3A_1098 = arith.constant 48 : index
        %get3A_1099 = tpu.vector_load %arg15[%get3A_1096, %get3A_1097, %get3A_1098] {strides = array<i32>} : memref<2x64x64xf32, #tpu.memory_space<vmem>>, vector<16xf32>,
        %mul3A_1100 = arith.mulf %get3A_1099, %broadcast_in_dim3A_1061 : vector<16xf32>
        %swap3A_1101 = arith.constant 0 : i32
        %swap3A_1102 = arith.index_cast %swap3A_1101 : i32 to index
        %swap3A_1103 = arith.index_cast %add3A_1058 : i32 to index
        %swap3A_1104 = arith.constant 48 : index
        %swap3A_1105 = tpu.vector_load %arg16[%swap3A_1102, %swap3A_1103, %swap3A_1104] {strides = array<i32>} : memref<2x64x64xf32, #tpu.memory_space<vmem>>, vector<16xf32>,
        tpu.vector_store %arg16[%swap3A_1102, %swap3A_1103, %swap3A_1104], %mul3A_1100 {strides = array<i32>} : memref<2x64x64xf32, #tpu.memory_space<vmem>>, vector<16xf32>,
        %mul3A_1106 = arith.constant 16 : i32
        %mul3A_1107 = arith.muli %scan3A_389, %mul3A_1106 : i32
        %add3A_1108 = arith.constant 14 : i32
        %add3A_1109 = arith.addi %mul3A_1107, %add3A_1108 : i32
        %slice3A_1110 = vector.extract_strided_slice %get3A_395 {offsets = [14], sizes = [1], strides = [1]} : vector<16xf32> to vector<1xf32>
        %squeeze3A_1111 = vector.extract %slice3A_1110[0] : f32 from vector<1xf32>
        %broadcast_in_dim3A_1112 = vector.broadcast %squeeze3A_1111 : f32 to vector<16xf32>
        %get3A_1113 = arith.constant 0 : i32
        %get3A_1114 = arith.index_cast %get3A_1113 : i32 to index
        %get3A_1115 = arith.index_cast %add3A_1109 : i32 to index
        %get3A_1116 = arith.constant 0 : index
        %get3A_1117 = tpu.vector_load %arg15[%get3A_1114, %get3A_1115, %get3A_1116] {strides = array<i32>} : memref<2x64x64xf32, #tpu.memory_space<vmem>>, vector<16xf32>,
        %mul3A_1118 = arith.mulf %get3A_1117, %broadcast_in_dim3A_1112 : vector<16xf32>
        %swap3A_1119 = arith.constant 0 : i32
        %swap3A_1120 = arith.index_cast %swap3A_1119 : i32 to index
        %swap3A_1121 = arith.index_cast %add3A_1109 : i32 to index
        %swap3A_1122 = arith.constant 0 : index
        %swap3A_1123 = tpu.vector_load %arg16[%swap3A_1120, %swap3A_1121, %swap3A_1122] {strides = array<i32>} : memref<2x64x64xf32, #tpu.memory_space<vmem>>, vector<16xf32>,
        tpu.vector_store %arg16[%swap3A_1120, %swap3A_1121, %swap3A_1122], %mul3A_1118 {strides = array<i32>} : memref<2x64x64xf32, #tpu.memory_space<vmem>>, vector<16xf32>,
        %get3A_1124 = arith.constant 0 : i32
        %get3A_1125 = arith.index_cast %get3A_1124 : i32 to index
        %get3A_1126 = arith.index_cast %add3A_1109 : i32 to index
        %get3A_1127 = arith.constant 16 : index
        %get3A_1128 = tpu.vector_load %arg15[%get3A_1125, %get3A_1126, %get3A_1127] {strides = array<i32>} : memref<2x64x64xf32, #tpu.memory_space<vmem>>, vector<16xf32>,
        %mul3A_1129 = arith.mulf %get3A_1128, %broadcast_in_dim3A_1112 : vector<16xf32>
        %swap3A_1130 = arith.constant 0 : i32
        %swap3A_1131 = arith.index_cast %swap3A_1130 : i32 to index
        %swap3A_1132 = arith.index_cast %add3A_1109 : i32 to index
        %swap3A_1133 = arith.constant 16 : index
        %swap3A_1134 = tpu.vector_load %arg16[%swap3A_1131, %swap3A_1132, %swap3A_1133] {strides = array<i32>} : memref<2x64x64xf32, #tpu.memory_space<vmem>>, vector<16xf32>,
        tpu.vector_store %arg16[%swap3A_1131, %swap3A_1132, %swap3A_1133], %mul3A_1129 {strides = array<i32>} : memref<2x64x64xf32, #tpu.memory_space<vmem>>, vector<16xf32>,
        %get3A_1135 = arith.constant 0 : i32
        %get3A_1136 = arith.index_cast %get3A_1135 : i32 to index
        %get3A_1137 = arith.index_cast %add3A_1109 : i32 to index
        %get3A_1138 = arith.constant 32 : index
        %get3A_1139 = tpu.vector_load %arg15[%get3A_1136, %get3A_1137, %get3A_1138] {strides = array<i32>} : memref<2x64x64xf32, #tpu.memory_space<vmem>>, vector<16xf32>,
        %mul3A_1140 = arith.mulf %get3A_1139, %broadcast_in_dim3A_1112 : vector<16xf32>
        %swap3A_1141 = arith.constant 0 : i32
        %swap3A_1142 = arith.index_cast %swap3A_1141 : i32 to index
        %swap3A_1143 = arith.index_cast %add3A_1109 : i32 to index
        %swap3A_1144 = arith.constant 32 : index
        %swap3A_1145 = tpu.vector_load %arg16[%swap3A_1142, %swap3A_1143, %swap3A_1144] {strides = array<i32>} : memref<2x64x64xf32, #tpu.memory_space<vmem>>, vector<16xf32>,
        tpu.vector_store %arg16[%swap3A_1142, %swap3A_1143, %swap3A_1144], %mul3A_1140 {strides = array<i32>} : memref<2x64x64xf32, #tpu.memory_space<vmem>>, vector<16xf32>,
        %get3A_1146 = arith.constant 0 : i32
        %get3A_1147 = arith.index_cast %get3A_1146 : i32 to index
        %get3A_1148 = arith.index_cast %add3A_1109 : i32 to index
        %get3A_1149 = arith.constant 48 : index
        %get3A_1150 = tpu.vector_load %arg15[%get3A_1147, %get3A_1148, %get3A_1149] {strides = array<i32>} : memref<2x64x64xf32, #tpu.memory_space<vmem>>, vector<16xf32>,
        %mul3A_1151 = arith.mulf %get3A_1150, %broadcast_in_dim3A_1112 : vector<16xf32>
        %swap3A_1152 = arith.constant 0 : i32
        %swap3A_1153 = arith.index_cast %swap3A_1152 : i32 to index
        %swap3A_1154 = arith.index_cast %add3A_1109 : i32 to index
        %swap3A_1155 = arith.constant 48 : index
        %swap3A_1156 = tpu.vector_load %arg16[%swap3A_1153, %swap3A_1154, %swap3A_1155] {strides = array<i32>} : memref<2x64x64xf32, #tpu.memory_space<vmem>>, vector<16xf32>,
        tpu.vector_store %arg16[%swap3A_1153, %swap3A_1154, %swap3A_1155], %mul3A_1151 {strides = array<i32>} : memref<2x64x64xf32, #tpu.memory_space<vmem>>, vector<16xf32>,
        %mul3A_1157 = arith.constant 16 : i32
        %mul3A_1158 = arith.muli %scan3A_389, %mul3A_1157 : i32
        %add3A_1159 = arith.constant 15 : i32
        %add3A_1160 = arith.addi %mul3A_1158, %add3A_1159 : i32
        %slice3A_1161 = vector.extract_strided_slice %get3A_395 {offsets = [15], sizes = [1], strides = [1]} : vector<16xf32> to vector<1xf32>
        %squeeze3A_1162 = vector.extract %slice3A_1161[0] : f32 from vector<1xf32>
        %broadcast_in_dim3A_1163 = vector.broadcast %squeeze3A_1162 : f32 to vector<16xf32>
        %get3A_1164 = arith.constant 0 : i32
        %get3A_1165 = arith.index_cast %get3A_1164 : i32 to index
        %get3A_1166 = arith.index_cast %add3A_1160 : i32 to index
        %get3A_1167 = arith.constant 0 : index
        %get3A_1168 = tpu.vector_load %arg15[%get3A_1165, %get3A_1166, %get3A_1167] {strides = array<i32>} : memref<2x64x64xf32, #tpu.memory_space<vmem>>, vector<16xf32>,
        %mul3A_1169 = arith.mulf %get3A_1168, %broadcast_in_dim3A_1163 : vector<16xf32>
        %swap3A_1170 = arith.constant 0 : i32
        %swap3A_1171 = arith.index_cast %swap3A_1170 : i32 to index
        %swap3A_1172 = arith.index_cast %add3A_1160 : i32 to index
        %swap3A_1173 = arith.constant 0 : index
        %swap3A_1174 = tpu.vector_load %arg16[%swap3A_1171, %swap3A_1172, %swap3A_1173] {strides = array<i32>} : memref<2x64x64xf32, #tpu.memory_space<vmem>>, vector<16xf32>,
        tpu.vector_store %arg16[%swap3A_1171, %swap3A_1172, %swap3A_1173], %mul3A_1169 {strides = array<i32>} : memref<2x64x64xf32, #tpu.memory_space<vmem>>, vector<16xf32>,
        %get3A_1175 = arith.constant 0 : i32
        %get3A_1176 = arith.index_cast %get3A_1175 : i32 to index
        %get3A_1177 = arith.index_cast %add3A_1160 : i32 to index
        %get3A_1178 = arith.constant 16 : index
        %get3A_1179 = tpu.vector_load %arg15[%get3A_1176, %get3A_1177, %get3A_1178] {strides = array<i32>} : memref<2x64x64xf32, #tpu.memory_space<vmem>>, vector<16xf32>,
        %mul3A_1180 = arith.mulf %get3A_1179, %broadcast_in_dim3A_1163 : vector<16xf32>
        %swap3A_1181 = arith.constant 0 : i32
        %swap3A_1182 = arith.index_cast %swap3A_1181 : i32 to index
        %swap3A_1183 = arith.index_cast %add3A_1160 : i32 to index
        %swap3A_1184 = arith.constant 16 : index
        %swap3A_1185 = tpu.vector_load %arg16[%swap3A_1182, %swap3A_1183, %swap3A_1184] {strides = array<i32>} : memref<2x64x64xf32, #tpu.memory_space<vmem>>, vector<16xf32>,
        tpu.vector_store %arg16[%swap3A_1182, %swap3A_1183, %swap3A_1184], %mul3A_1180 {strides = array<i32>} : memref<2x64x64xf32, #tpu.memory_space<vmem>>, vector<16xf32>,
        %get3A_1186 = arith.constant 0 : i32
        %get3A_1187 = arith.index_cast %get3A_1186 : i32 to index
        %get3A_1188 = arith.index_cast %add3A_1160 : i32 to index
        %get3A_1189 = arith.constant 32 : index
        %get3A_1190 = tpu.vector_load %arg15[%get3A_1187, %get3A_1188, %get3A_1189] {strides = array<i32>} : memref<2x64x64xf32, #tpu.memory_space<vmem>>, vector<16xf32>,
        %mul3A_1191 = arith.mulf %get3A_1190, %broadcast_in_dim3A_1163 : vector<16xf32>
        %swap3A_1192 = arith.constant 0 : i32
        %swap3A_1193 = arith.index_cast %swap3A_1192 : i32 to index
        %swap3A_1194 = arith.index_cast %add3A_1160 : i32 to index
        %swap3A_1195 = arith.constant 32 : index
        %swap3A_1196 = tpu.vector_load %arg16[%swap3A_1193, %swap3A_1194, %swap3A_1195] {strides = array<i32>} : memref<2x64x64xf32, #tpu.memory_space<vmem>>, vector<16xf32>,
        tpu.vector_store %arg16[%swap3A_1193, %swap3A_1194, %swap3A_1195], %mul3A_1191 {strides = array<i32>} : memref<2x64x64xf32, #tpu.memory_space<vmem>>, vector<16xf32>,
        %get3A_1197 = arith.constant 0 : i32
        %get3A_1198 = arith.index_cast %get3A_1197 : i32 to index
        %get3A_1199 = arith.index_cast %add3A_1160 : i32 to index
        %get3A_1200 = arith.constant 48 : index
        %get3A_1201 = tpu.vector_load %arg15[%get3A_1198, %get3A_1199, %get3A_1200] {strides = array<i32>} : memref<2x64x64xf32, #tpu.memory_space<vmem>>, vector<16xf32>,
        %mul3A_1202 = arith.mulf %get3A_1201, %broadcast_in_dim3A_1163 : vector<16xf32>
        %swap3A_1203 = arith.constant 0 : i32
        %swap3A_1204 = arith.index_cast %swap3A_1203 : i32 to index
        %swap3A_1205 = arith.index_cast %add3A_1160 : i32 to index
        %swap3A_1206 = arith.constant 48 : index
        %swap3A_1207 = tpu.vector_load %arg16[%swap3A_1204, %swap3A_1205, %swap3A_1206] {strides = array<i32>} : memref<2x64x64xf32, #tpu.memory_space<vmem>>, vector<16xf32>,
        tpu.vector_store %arg16[%swap3A_1204, %swap3A_1205, %swap3A_1206], %mul3A_1202 {strides = array<i32>} : memref<2x64x64xf32, #tpu.memory_space<vmem>>, vector<16xf32>,
        %scan3A_1208 = arith.constant 0 : i32
        scf.yield %scan3A_1208 : i32
      }
      %scan3A_276 = arith.constant 4 : i32
      %add3A_277 = arith.addi %mul3A_2, %mul3A_213 : i32
      %dma_start3A_278 = arith.constant 0 : i32
      %dma_start3A_279 = arith.constant 0 : i32
      %dma_start3A_280 = arith.constant 0 : i32
      %dma_start3A_281 = tpu.memref_slice %arg16[%dma_start3A_278, %dma_start3A_279, %dma_start3A_280] : memref<2x64x64xf32, #tpu.memory_space<vmem>> -> memref<1x64x64xf32, #tpu.memory_space<vmem>>
      %dma_start3A_282 = tpu.memref_squeeze %dma_start3A_281 : memref<1x64x64xf32, #tpu.memory_space<vmem>> -> memref<64x64xf32, #tpu.memory_space<vmem>>
      %dma_start3A_283 = arith.constant 0 : i32
      %dma_start3A_284 = tpu.memref_slice %arg8[%add3A_277, %dma_start3A_283] : memref<106496x64xf32, #tpu.memory_space<hbm>> -> memref<64x64xf32, #tpu.memory_space<hbm>>
      %dma_start3A_285 = arith.constant 0 : i32
      %dma_start3A_286 = tpu.memref_slice %arg8[%add3A_277, %dma_start3A_285] : memref<106496x64xf32, #tpu.memory_space<hbm>> -> memref<64x64xf32, #tpu.memory_space<hbm>>
      %dma_start3A_287 = arith.constant 0 : i32
      %dma_start3A_288 = arith.constant 0 : i32
      %dma_start3A_289 = tpu.memref_slice %arg16[%dma_start3A_278, %dma_start3A_287, %dma_start3A_288] : memref<2x64x64xf32, #tpu.memory_space<vmem>> -> memref<1x64x64xf32, #tpu.memory_space<vmem>>
      %dma_start3A_290 = tpu.memref_squeeze %dma_start3A_289 : memref<1x64x64xf32, #tpu.memory_space<vmem>> -> memref<64x64xf32, #tpu.memory_space<vmem>>
      tpu.enqueue_dma source(%dma_start3A_290 : memref<64x64xf32, #tpu.memory_space<vmem>>) target(%dma_start3A_286 : memref<64x64xf32, #tpu.memory_space<hbm>>) target_semaphore(%arg20 : memref<!tpu.dma_semaphore, #tpu.memory_space<semaphore_mem>>)
      %add3A_291 = arith.constant 2 : i32
      %add3A_292 = arith.addi %add3A_211, %add3A_291 : i32
      %lt3A = arith.constant 52 : i32
      %lt3A_293 = arith.cmpi slt, %add3A_292, %lt3A : i32
      %convert_element_type3A_294 = arith.extui %lt3A_293 : i1 to i32
      %cond3A_295 = arith.constant 0 : i32
      %cond3A_296 = arith.cmpi ne, %convert_element_type3A_294, %cond3A_295 : i32
      scf.if %cond3A_296 {
        %add3A_389 = arith.constant 2 : i32
        %add3A_390 = arith.addi %add3A_211, %add3A_389 : i32
        %mul3A_391 = arith.constant 64 : i32
        %mul3A_392 = arith.muli %add3A_390, %mul3A_391 : i32
        %add3A_393 = arith.constant 0 : i32
        %add3A_394 = arith.addi %mul3A_392, %add3A_393 : i32
        %get3A_395 = arith.index_cast %add3A_394 : i32 to index
        %get3A_396 = tpu.vector_load %arg9[%get3A_395] {strides = array<i32>} : memref<3328xi32, #tpu.memory_space<vmem>>, vector<16xi32>,
        %dma_start3A_397 = arith.constant 0 : i32
        %dma_start3A_398 = arith.constant 0 : i32
        %dma_start3A_399 = arith.constant 0 : i32
        %dma_start3A_400 = tpu.memref_slice %arg15[%dma_start3A_397, %dma_start3A_398, %dma_start3A_399] : memref<2x64x64xf32, #tpu.memory_space<vmem>> -> memref<1x64x64xf32, #tpu.memory_space<vmem>>
        %dma_start3A_401 = tpu.memref_squeeze %dma_start3A_400 : memref<1x64x64xf32, #tpu.memory_space<vmem>> -> memref<64x64xf32, #tpu.memory_space<vmem>>
        %dma_start3A_402 = arith.constant 0 : i32
        %dma_start3A_403 = arith.constant 0 : i32
        %dma_start3A_404 = tpu.memref_slice %dma_start3A_401[%dma_start3A_402, %dma_start3A_403] : memref<64x64xf32, #tpu.memory_space<vmem>> -> memref<16x64xf32, #tpu.memory_space<vmem>>
        %dma_start3A_405 = arith.constant 0 : i32
        %dma_start3A_406 = arith.constant 0 : i32
        %dma_start3A_407 = tpu.memref_slice %arg5[%dma_start3A_405, %dma_start3A_406] : memref<1000001x64xf32, #tpu.memory_space<hbm>> -> memref<1000001x64xf32, #tpu.memory_space<hbm>>
        tpu.enqueue_indirect_dma source(%dma_start3A_407 : memref<1000001x64xf32, #tpu.memory_space<hbm>>) target(%dma_start3A_404 : memref<16x64xf32, #tpu.memory_space<vmem>>) offsets(%get3A_396 : vector<16xi32>) semaphore(%arg18 : memref<!tpu.dma_semaphore, #tpu.memory_space<semaphore_mem>>)
        %mul3A_408 = arith.constant 64 : i32
        %mul3A_409 = arith.muli %add3A_390, %mul3A_408 : i32
        %add3A_410 = arith.constant 16 : i32
        %add3A_411 = arith.addi %mul3A_409, %add3A_410 : i32
        %get3A_412 = arith.index_cast %add3A_411 : i32 to index
        %get3A_413 = tpu.vector_load %arg9[%get3A_412] {strides = array<i32>} : memref<3328xi32, #tpu.memory_space<vmem>>, vector<16xi32>,
        %dma_start3A_414 = arith.constant 0 : i32
        %dma_start3A_415 = arith.constant 0 : i32
        %dma_start3A_416 = arith.constant 0 : i32
        %dma_start3A_417 = tpu.memref_slice %arg15[%dma_start3A_414, %dma_start3A_415, %dma_start3A_416] : memref<2x64x64xf32, #tpu.memory_space<vmem>> -> memref<1x64x64xf32, #tpu.memory_space<vmem>>
        %dma_start3A_418 = tpu.memref_squeeze %dma_start3A_417 : memref<1x64x64xf32, #tpu.memory_space<vmem>> -> memref<64x64xf32, #tpu.memory_space<vmem>>
        %dma_start3A_419 = arith.constant 16 : i32
        %dma_start3A_420 = arith.constant 0 : i32
        %dma_start3A_421 = tpu.memref_slice %dma_start3A_418[%dma_start3A_419, %dma_start3A_420] : memref<64x64xf32, #tpu.memory_space<vmem>> -> memref<16x64xf32, #tpu.memory_space<vmem>>
        %dma_start3A_422 = arith.constant 0 : i32
        %dma_start3A_423 = arith.constant 0 : i32
        %dma_start3A_424 = tpu.memref_slice %arg5[%dma_start3A_422, %dma_start3A_423] : memref<1000001x64xf32, #tpu.memory_space<hbm>> -> memref<1000001x64xf32, #tpu.memory_space<hbm>>
        tpu.enqueue_indirect_dma source(%dma_start3A_424 : memref<1000001x64xf32, #tpu.memory_space<hbm>>) target(%dma_start3A_421 : memref<16x64xf32, #tpu.memory_space<vmem>>) offsets(%get3A_413 : vector<16xi32>) semaphore(%arg18 : memref<!tpu.dma_semaphore, #tpu.memory_space<semaphore_mem>>)
        %mul3A_425 = arith.constant 64 : i32
        %mul3A_426 = arith.muli %add3A_390, %mul3A_425 : i32
        %add3A_427 = arith.constant 32 : i32
        %add3A_428 = arith.addi %mul3A_426, %add3A_427 : i32
        %get3A_429 = arith.index_cast %add3A_428 : i32 to index
        %get3A_430 = tpu.vector_load %arg9[%get3A_429] {strides = array<i32>} : memref<3328xi32, #tpu.memory_space<vmem>>, vector<16xi32>,
        %dma_start3A_431 = arith.constant 0 : i32
        %dma_start3A_432 = arith.constant 0 : i32
        %dma_start3A_433 = arith.constant 0 : i32
        %dma_start3A_434 = tpu.memref_slice %arg15[%dma_start3A_431, %dma_start3A_432, %dma_start3A_433] : memref<2x64x64xf32, #tpu.memory_space<vmem>> -> memref<1x64x64xf32, #tpu.memory_space<vmem>>
        %dma_start3A_435 = tpu.memref_squeeze %dma_start3A_434 : memref<1x64x64xf32, #tpu.memory_space<vmem>> -> memref<64x64xf32, #tpu.memory_space<vmem>>
        %dma_start3A_436 = arith.constant 32 : i32
        %dma_start3A_437 = arith.constant 0 : i32
        %dma_start3A_438 = tpu.memref_slice %dma_start3A_435[%dma_start3A_436, %dma_start3A_437] : memref<64x64xf32, #tpu.memory_space<vmem>> -> memref<16x64xf32, #tpu.memory_space<vmem>>
        %dma_start3A_439 = arith.constant 0 : i32
        %dma_start3A_440 = arith.constant 0 : i32
        %dma_start3A_441 = tpu.memref_slice %arg5[%dma_start3A_439, %dma_start3A_440] : memref<1000001x64xf32, #tpu.memory_space<hbm>> -> memref<1000001x64xf32, #tpu.memory_space<hbm>>
        tpu.enqueue_indirect_dma source(%dma_start3A_441 : memref<1000001x64xf32, #tpu.memory_space<hbm>>) target(%dma_start3A_438 : memref<16x64xf32, #tpu.memory_space<vmem>>) offsets(%get3A_430 : vector<16xi32>) semaphore(%arg18 : memref<!tpu.dma_semaphore, #tpu.memory_space<semaphore_mem>>)
        %mul3A_442 = arith.constant 64 : i32
        %mul3A_443 = arith.muli %add3A_390, %mul3A_442 : i32
        %add3A_444 = arith.constant 48 : i32
        %add3A_445 = arith.addi %mul3A_443, %add3A_444 : i32
        %get3A_446 = arith.index_cast %add3A_445 : i32 to index
        %get3A_447 = tpu.vector_load %arg9[%get3A_446] {strides = array<i32>} : memref<3328xi32, #tpu.memory_space<vmem>>, vector<16xi32>,
        %dma_start3A_448 = arith.constant 0 : i32
        %dma_start3A_449 = arith.constant 0 : i32
        %dma_start3A_450 = arith.constant 0 : i32
        %dma_start3A_451 = tpu.memref_slice %arg15[%dma_start3A_448, %dma_start3A_449, %dma_start3A_450] : memref<2x64x64xf32, #tpu.memory_space<vmem>> -> memref<1x64x64xf32, #tpu.memory_space<vmem>>
        %dma_start3A_452 = tpu.memref_squeeze %dma_start3A_451 : memref<1x64x64xf32, #tpu.memory_space<vmem>> -> memref<64x64xf32, #tpu.memory_space<vmem>>
        %dma_start3A_453 = arith.constant 48 : i32
        %dma_start3A_454 = arith.constant 0 : i32
        %dma_start3A_455 = tpu.memref_slice %dma_start3A_452[%dma_start3A_453, %dma_start3A_454] : memref<64x64xf32, #tpu.memory_space<vmem>> -> memref<16x64xf32, #tpu.memory_space<vmem>>
        %dma_start3A_456 = arith.constant 0 : i32
        %dma_start3A_457 = arith.constant 0 : i32
        %dma_start3A_458 = tpu.memref_slice %arg5[%dma_start3A_456, %dma_start3A_457] : memref<1000001x64xf32, #tpu.memory_space<hbm>> -> memref<1000001x64xf32, #tpu.memory_space<hbm>>
        tpu.enqueue_indirect_dma source(%dma_start3A_458 : memref<1000001x64xf32, #tpu.memory_space<hbm>>) target(%dma_start3A_455 : memref<16x64xf32, #tpu.memory_space<vmem>>) offsets(%get3A_447 : vector<16xi32>) semaphore(%arg18 : memref<!tpu.dma_semaphore, #tpu.memory_space<semaphore_mem>>)
      } else {
      }
      %mul3A_297 = arith.constant 2 : i32
      %mul3A_298 = arith.muli %scan3A_206, %mul3A_297 : i32
      %add3A_299 = arith.constant 1 : i32
      %add3A_300 = arith.addi %mul3A_298, %add3A_299 : i32
      %mul3A_301 = arith.constant 64 : i32
      %mul3A_302 = arith.muli %add3A_300, %mul3A_301 : i32
      %get3A_303 = arith.constant 0 : index
      %get3A_304 = tpu.vector_load %arg9[%get3A_303] {strides = array<i32>} : memref<3328xi32, #tpu.memory_space<vmem>>, vector<16xi32>,
      %dma_wait3A_305 = arith.constant 1 : i32
      %dma_wait3A_306 = arith.constant 0 : i32
      %dma_wait3A_307 = arith.constant 0 : i32
      %dma_wait3A_308 = tpu.memref_slice %arg15[%dma_wait3A_305, %dma_wait3A_306, %dma_wait3A_307] : memref<2x64x64xf32, #tpu.memory_space<vmem>> -> memref<1x64x64xf32, #tpu.memory_space<vmem>>
      %dma_wait3A_309 = tpu.memref_squeeze %dma_wait3A_308 : memref<1x64x64xf32, #tpu.memory_space<vmem>> -> memref<64x64xf32, #tpu.memory_space<vmem>>
      %dma_wait3A_310 = arith.constant 0 : i32
      %dma_wait3A_311 = arith.constant 0 : i32
      %dma_wait3A_312 = tpu.memref_slice %dma_wait3A_309[%dma_wait3A_310, %dma_wait3A_311] : memref<64x64xf32, #tpu.memory_space<vmem>> -> memref<16x64xf32, #tpu.memory_space<vmem>>
      %dma_wait3A_313 = arith.constant 0 : i32
      %dma_wait3A_314 = arith.constant 0 : i32
      %dma_wait3A_315 = tpu.memref_slice %arg5[%dma_wait3A_313, %dma_wait3A_314] : memref<1000001x64xf32, #tpu.memory_space<hbm>> -> memref<1000001x64xf32, #tpu.memory_space<hbm>>
      tpu.wait_indirect_dma semaphore(%arg19 : memref<!tpu.dma_semaphore, #tpu.memory_space<semaphore_mem>>) src(%dma_wait3A_315 : memref<1000001x64xf32, #tpu.memory_space<hbm>>) dst(%dma_wait3A_312 : memref<16x64xf32, #tpu.memory_space<vmem>>)
      %get3A_316 = arith.constant 0 : index
      %get3A_317 = tpu.vector_load %arg9[%get3A_316] {strides = array<i32>} : memref<3328xi32, #tpu.memory_space<vmem>>, vector<16xi32>,
      %dma_wait3A_318 = arith.constant 1 : i32
      %dma_wait3A_319 = arith.constant 0 : i32
      %dma_wait3A_320 = arith.constant 0 : i32
      %dma_wait3A_321 = tpu.memref_slice %arg15[%dma_wait3A_318, %dma_wait3A_319, %dma_wait3A_320] : memref<2x64x64xf32, #tpu.memory_space<vmem>> -> memref<1x64x64xf32, #tpu.memory_space<vmem>>
      %dma_wait3A_322 = tpu.memref_squeeze %dma_wait3A_321 : memref<1x64x64xf32, #tpu.memory_space<vmem>> -> memref<64x64xf32, #tpu.memory_space<vmem>>
      %dma_wait3A_323 = arith.constant 16 : i32
      %dma_wait3A_324 = arith.constant 0 : i32
      %dma_wait3A_325 = tpu.memref_slice %dma_wait3A_322[%dma_wait3A_323, %dma_wait3A_324] : memref<64x64xf32, #tpu.memory_space<vmem>> -> memref<16x64xf32, #tpu.memory_space<vmem>>
      %dma_wait3A_326 = arith.constant 0 : i32
      %dma_wait3A_327 = arith.constant 0 : i32
      %dma_wait3A_328 = tpu.memref_slice %arg5[%dma_wait3A_326, %dma_wait3A_327] : memref<1000001x64xf32, #tpu.memory_space<hbm>> -> memref<1000001x64xf32, #tpu.memory_space<hbm>>
      tpu.wait_indirect_dma semaphore(%arg19 : memref<!tpu.dma_semaphore, #tpu.memory_space<semaphore_mem>>) src(%dma_wait3A_328 : memref<1000001x64xf32, #tpu.memory_space<hbm>>) dst(%dma_wait3A_325 : memref<16x64xf32, #tpu.memory_space<vmem>>)
      %get3A_329 = arith.constant 0 : index
      %get3A_330 = tpu.vector_load %arg9[%get3A_329] {strides = array<i32>} : memref<3328xi32, #tpu.memory_space<vmem>>, vector<16xi32>,
      %dma_wait3A_331 = arith.constant 1 : i32
      %dma_wait3A_332 = arith.constant 0 : i32
      %dma_wait3A_333 = arith.constant 0 : i32
      %dma_wait3A_334 = tpu.memref_slice %arg15[%dma_wait3A_331, %dma_wait3A_332, %dma_wait3A_333] : memref<2x64x64xf32, #tpu.memory_space<vmem>> -> memref<1x64x64xf32, #tpu.memory_space<vmem>>
      %dma_wait3A_335 = tpu.memref_squeeze %dma_wait3A_334 : memref<1x64x64xf32, #tpu.memory_space<vmem>> -> memref<64x64xf32, #tpu.memory_space<vmem>>
      %dma_wait3A_336 = arith.constant 32 : i32
      %dma_wait3A_337 = arith.constant 0 : i32
      %dma_wait3A_338 = tpu.memref_slice %dma_wait3A_335[%dma_wait3A_336, %dma_wait3A_337] : memref<64x64xf32, #tpu.memory_space<vmem>> -> memref<16x64xf32, #tpu.memory_space<vmem>>
      %dma_wait3A_339 = arith.constant 0 : i32
      %dma_wait3A_340 = arith.constant 0 : i32
      %dma_wait3A_341 = tpu.memref_slice %arg5[%dma_wait3A_339, %dma_wait3A_340] : memref<1000001x64xf32, #tpu.memory_space<hbm>> -> memref<1000001x64xf32, #tpu.memory_space<hbm>>
      tpu.wait_indirect_dma semaphore(%arg19 : memref<!tpu.dma_semaphore, #tpu.memory_space<semaphore_mem>>) src(%dma_wait3A_341 : memref<1000001x64xf32, #tpu.memory_space<hbm>>) dst(%dma_wait3A_338 : memref<16x64xf32, #tpu.memory_space<vmem>>)
      %get3A_342 = arith.constant 0 : index
      %get3A_343 = tpu.vector_load %arg9[%get3A_342] {strides = array<i32>} : memref<3328xi32, #tpu.memory_space<vmem>>, vector<16xi32>,
      %dma_wait3A_344 = arith.constant 1 : i32
      %dma_wait3A_345 = arith.constant 0 : i32
      %dma_wait3A_346 = arith.constant 0 : i32
      %dma_wait3A_347 = tpu.memref_slice %arg15[%dma_wait3A_344, %dma_wait3A_345, %dma_wait3A_346] : memref<2x64x64xf32, #tpu.memory_space<vmem>> -> memref<1x64x64xf32, #tpu.memory_space<vmem>>
      %dma_wait3A_348 = tpu.memref_squeeze %dma_wait3A_347 : memref<1x64x64xf32, #tpu.memory_space<vmem>> -> memref<64x64xf32, #tpu.memory_space<vmem>>
      %dma_wait3A_349 = arith.constant 48 : i32
      %dma_wait3A_350 = arith.constant 0 : i32
      %dma_wait3A_351 = tpu.memref_slice %dma_wait3A_348[%dma_wait3A_349, %dma_wait3A_350] : memref<64x64xf32, #tpu.memory_space<vmem>> -> memref<16x64xf32, #tpu.memory_space<vmem>>
      %dma_wait3A_352 = arith.constant 0 : i32
      %dma_wait3A_353 = arith.constant 0 : i32
      %dma_wait3A_354 = tpu.memref_slice %arg5[%dma_wait3A_352, %dma_wait3A_353] : memref<1000001x64xf32, #tpu.memory_space<hbm>> -> memref<1000001x64xf32, #tpu.memory_space<hbm>>
      tpu.wait_indirect_dma semaphore(%arg19 : memref<!tpu.dma_semaphore, #tpu.memory_space<semaphore_mem>>) src(%dma_wait3A_354 : memref<1000001x64xf32, #tpu.memory_space<hbm>>) dst(%dma_wait3A_351 : memref<16x64xf32, #tpu.memory_space<vmem>>)
      %ge3A_355 = arith.constant 2 : i32
      %ge3A_356 = arith.cmpi sge, %add3A_300, %ge3A_355 : i32
      %convert_element_type3A_357 = arith.extui %ge3A_356 : i1 to i32
      %cond3A_358 = arith.constant 0 : i32
      %cond3A_359 = arith.cmpi ne, %convert_element_type3A_357, %cond3A_358 : i32
      scf.if %cond3A_359 {
        %dma_wait3A_389 = arith.constant 1 : i32
        %dma_wait3A_390 = arith.constant 0 : i32
        %dma_wait3A_391 = arith.constant 0 : i32
        %dma_wait3A_392 = tpu.memref_slice %arg16[%dma_wait3A_389, %dma_wait3A_390, %dma_wait3A_391] : memref<2x64x64xf32, #tpu.memory_space<vmem>> -> memref<1x64x64xf32, #tpu.memory_space<vmem>>
        %dma_wait3A_393 = tpu.memref_squeeze %dma_wait3A_392 : memref<1x64x64xf32, #tpu.memory_space<vmem>> -> memref<64x64xf32, #tpu.memory_space<vmem>>
        %dma_wait3A_394 = arith.constant 0 : i32
        %dma_wait3A_395 = tpu.memref_slice %arg8[%mul3A_2, %dma_wait3A_394] : memref<106496x64xf32, #tpu.memory_space<hbm>> -> memref<64x64xf32, #tpu.memory_space<hbm>>
        %dma_wait3A_396 = arith.constant 0 : i32
        %dma_wait3A_397 = tpu.memref_slice %arg8[%mul3A_2, %dma_wait3A_396] : memref<106496x64xf32, #tpu.memory_space<hbm>> -> memref<64x64xf32, #tpu.memory_space<hbm>>
        %dma_wait3A_398 = arith.constant 0 : i32
        %dma_wait3A_399 = arith.constant 0 : i32
        %dma_wait3A_400 = tpu.memref_slice %arg16[%dma_wait3A_389, %dma_wait3A_398, %dma_wait3A_399] : memref<2x64x64xf32, #tpu.memory_space<vmem>> -> memref<1x64x64xf32, #tpu.memory_space<vmem>>
        %dma_wait3A_401 = tpu.memref_squeeze %dma_wait3A_400 : memref<1x64x64xf32, #tpu.memory_space<vmem>> -> memref<64x64xf32, #tpu.memory_space<vmem>>
        tpu.wait_dma2 semaphore(%arg21 : memref<!tpu.dma_semaphore, #tpu.memory_space<semaphore_mem>>) src(%dma_wait3A_401 : memref<64x64xf32, #tpu.memory_space<vmem>>) dst(%dma_wait3A_397 : memref<64x64xf32, #tpu.memory_space<hbm>>)
      } else {
      }
      %scan3A_360 = arith.constant 0 : i32
      %scan3A_361 = arith.constant 0 : i32
      %scan3A_362 = arith.constant 4 : i32
      %scan3A_363 = arith.addi %scan3A_361, %scan3A_362 : i32
      %scan3A_364 = arith.constant 1 : i32
      %scan3A_365 = scf.for %scan3A_389 = %scan3A_361 to %scan3A_363 step %scan3A_364 iter_args(%scan3A_390 = %scan3A_360) -> (i32)  : i32 {
        %mul3A_391 = arith.constant 16 : i32
        %mul3A_392 = arith.muli %scan3A_389, %mul3A_391 : i32
        %add3A_393 = arith.addi %mul3A_302, %mul3A_392 : i32
        %get3A_394 = arith.index_cast %add3A_393 : i32 to index
        %get3A_395 = tpu.vector_load %arg10[%get3A_394] {strides = array<i32>} : memref<3328xf32, #tpu.memory_space<vmem>>, vector<16xf32>,
        %mul3A_396 = arith.constant 16 : i32
        %mul3A_397 = arith.muli %scan3A_389, %mul3A_396 : i32
        %add3A_398 = arith.constant 0 : i32
        %add3A_399 = arith.addi %mul3A_397, %add3A_398 : i32
        %slice3A = vector.extract_strided_slice %get3A_395 {offsets = [0], sizes = [1], strides = [1]} : vector<16xf32> to vector<1xf32>
        %squeeze3A = vector.extract %slice3A[0] : f32 from vector<1xf32>
        %broadcast_in_dim3A = vector.broadcast %squeeze3A : f32 to vector<16xf32>
        %get3A_400 = arith.constant 1 : i32
        %get3A_401 = arith.index_cast %get3A_400 : i32 to index
        %get3A_402 = arith.index_cast %add3A_399 : i32 to index
        %get3A_403 = arith.constant 0 : index
        %get3A_404 = tpu.vector_load %arg15[%get3A_401, %get3A_402, %get3A_403] {strides = array<i32>} : memref<2x64x64xf32, #tpu.memory_space<vmem>>, vector<16xf32>,
        %mul3A_405 = arith.mulf %get3A_404, %broadcast_in_dim3A : vector<16xf32>
        %swap3A = arith.constant 1 : i32
        %swap3A_406 = arith.index_cast %swap3A : i32 to index
        %swap3A_407 = arith.index_cast %add3A_399 : i32 to index
        %swap3A_408 = arith.constant 0 : index
        %swap3A_409 = tpu.vector_load %arg16[%swap3A_406, %swap3A_407, %swap3A_408] {strides = array<i32>} : memref<2x64x64xf32, #tpu.memory_space<vmem>>, vector<16xf32>,
        tpu.vector_store %arg16[%swap3A_406, %swap3A_407, %swap3A_408], %mul3A_405 {strides = array<i32>} : memref<2x64x64xf32, #tpu.memory_space<vmem>>, vector<16xf32>,
        %get3A_410 = arith.constant 1 : i32
        %get3A_411 = arith.index_cast %get3A_410 : i32 to index
        %get3A_412 = arith.index_cast %add3A_399 : i32 to index
        %get3A_413 = arith.constant 16 : index
        %get3A_414 = tpu.vector_load %arg15[%get3A_411, %get3A_412, %get3A_413] {strides = array<i32>} : memref<2x64x64xf32, #tpu.memory_space<vmem>>, vector<16xf32>,
        %mul3A_415 = arith.mulf %get3A_414, %broadcast_in_dim3A : vector<16xf32>
        %swap3A_416 = arith.constant 1 : i32
        %swap3A_417 = arith.index_cast %swap3A_416 : i32 to index
        %swap3A_418 = arith.index_cast %add3A_399 : i32 to index
        %swap3A_419 = arith.constant 16 : index
        %swap3A_420 = tpu.vector_load %arg16[%swap3A_417, %swap3A_418, %swap3A_419] {strides = array<i32>} : memref<2x64x64xf32, #tpu.memory_space<vmem>>, vector<16xf32>,
        tpu.vector_store %arg16[%swap3A_417, %swap3A_418, %swap3A_419], %mul3A_415 {strides = array<i32>} : memref<2x64x64xf32, #tpu.memory_space<vmem>>, vector<16xf32>,
        %get3A_421 = arith.constant 1 : i32
        %get3A_422 = arith.index_cast %get3A_421 : i32 to index
        %get3A_423 = arith.index_cast %add3A_399 : i32 to index
        %get3A_424 = arith.constant 32 : index
        %get3A_425 = tpu.vector_load %arg15[%get3A_422, %get3A_423, %get3A_424] {strides = array<i32>} : memref<2x64x64xf32, #tpu.memory_space<vmem>>, vector<16xf32>,
        %mul3A_426 = arith.mulf %get3A_425, %broadcast_in_dim3A : vector<16xf32>
        %swap3A_427 = arith.constant 1 : i32
        %swap3A_428 = arith.index_cast %swap3A_427 : i32 to index
        %swap3A_429 = arith.index_cast %add3A_399 : i32 to index
        %swap3A_430 = arith.constant 32 : index
        %swap3A_431 = tpu.vector_load %arg16[%swap3A_428, %swap3A_429, %swap3A_430] {strides = array<i32>} : memref<2x64x64xf32, #tpu.memory_space<vmem>>, vector<16xf32>,
        tpu.vector_store %arg16[%swap3A_428, %swap3A_429, %swap3A_430], %mul3A_426 {strides = array<i32>} : memref<2x64x64xf32, #tpu.memory_space<vmem>>, vector<16xf32>,
        %get3A_432 = arith.constant 1 : i32
        %get3A_433 = arith.index_cast %get3A_432 : i32 to index
        %get3A_434 = arith.index_cast %add3A_399 : i32 to index
        %get3A_435 = arith.constant 48 : index
        %get3A_436 = tpu.vector_load %arg15[%get3A_433, %get3A_434, %get3A_435] {strides = array<i32>} : memref<2x64x64xf32, #tpu.memory_space<vmem>>, vector<16xf32>,
        %mul3A_437 = arith.mulf %get3A_436, %broadcast_in_dim3A : vector<16xf32>
        %swap3A_438 = arith.constant 1 : i32
        %swap3A_439 = arith.index_cast %swap3A_438 : i32 to index
        %swap3A_440 = arith.index_cast %add3A_399 : i32 to index
        %swap3A_441 = arith.constant 48 : index
        %swap3A_442 = tpu.vector_load %arg16[%swap3A_439, %swap3A_440, %swap3A_441] {strides = array<i32>} : memref<2x64x64xf32, #tpu.memory_space<vmem>>, vector<16xf32>,
        tpu.vector_store %arg16[%swap3A_439, %swap3A_440, %swap3A_441], %mul3A_437 {strides = array<i32>} : memref<2x64x64xf32, #tpu.memory_space<vmem>>, vector<16xf32>,
        %mul3A_443 = arith.constant 16 : i32
        %mul3A_444 = arith.muli %scan3A_389, %mul3A_443 : i32
        %add3A_445 = arith.constant 1 : i32
        %add3A_446 = arith.addi %mul3A_444, %add3A_445 : i32
        %slice3A_447 = vector.extract_strided_slice %get3A_395 {offsets = [1], sizes = [1], strides = [1]} : vector<16xf32> to vector<1xf32>
        %squeeze3A_448 = vector.extract %slice3A_447[0] : f32 from vector<1xf32>
        %broadcast_in_dim3A_449 = vector.broadcast %squeeze3A_448 : f32 to vector<16xf32>
        %get3A_450 = arith.constant 1 : i32
        %get3A_451 = arith.index_cast %get3A_450 : i32 to index
        %get3A_452 = arith.index_cast %add3A_446 : i32 to index
        %get3A_453 = arith.constant 0 : index
        %get3A_454 = tpu.vector_load %arg15[%get3A_451, %get3A_452, %get3A_453] {strides = array<i32>} : memref<2x64x64xf32, #tpu.memory_space<vmem>>, vector<16xf32>,
        %mul3A_455 = arith.mulf %get3A_454, %broadcast_in_dim3A_449 : vector<16xf32>
        %swap3A_456 = arith.constant 1 : i32
        %swap3A_457 = arith.index_cast %swap3A_456 : i32 to index
        %swap3A_458 = arith.index_cast %add3A_446 : i32 to index
        %swap3A_459 = arith.constant 0 : index
        %swap3A_460 = tpu.vector_load %arg16[%swap3A_457, %swap3A_458, %swap3A_459] {strides = array<i32>} : memref<2x64x64xf32, #tpu.memory_space<vmem>>, vector<16xf32>,
        tpu.vector_store %arg16[%swap3A_457, %swap3A_458, %swap3A_459], %mul3A_455 {strides = array<i32>} : memref<2x64x64xf32, #tpu.memory_space<vmem>>, vector<16xf32>,
        %get3A_461 = arith.constant 1 : i32
        %get3A_462 = arith.index_cast %get3A_461 : i32 to index
        %get3A_463 = arith.index_cast %add3A_446 : i32 to index
        %get3A_464 = arith.constant 16 : index
        %get3A_465 = tpu.vector_load %arg15[%get3A_462, %get3A_463, %get3A_464] {strides = array<i32>} : memref<2x64x64xf32, #tpu.memory_space<vmem>>, vector<16xf32>,
        %mul3A_466 = arith.mulf %get3A_465, %broadcast_in_dim3A_449 : vector<16xf32>
        %swap3A_467 = arith.constant 1 : i32
        %swap3A_468 = arith.index_cast %swap3A_467 : i32 to index
        %swap3A_469 = arith.index_cast %add3A_446 : i32 to index
        %swap3A_470 = arith.constant 16 : index
        %swap3A_471 = tpu.vector_load %arg16[%swap3A_468, %swap3A_469, %swap3A_470] {strides = array<i32>} : memref<2x64x64xf32, #tpu.memory_space<vmem>>, vector<16xf32>,
        tpu.vector_store %arg16[%swap3A_468, %swap3A_469, %swap3A_470], %mul3A_466 {strides = array<i32>} : memref<2x64x64xf32, #tpu.memory_space<vmem>>, vector<16xf32>,
        %get3A_472 = arith.constant 1 : i32
        %get3A_473 = arith.index_cast %get3A_472 : i32 to index
        %get3A_474 = arith.index_cast %add3A_446 : i32 to index
        %get3A_475 = arith.constant 32 : index
        %get3A_476 = tpu.vector_load %arg15[%get3A_473, %get3A_474, %get3A_475] {strides = array<i32>} : memref<2x64x64xf32, #tpu.memory_space<vmem>>, vector<16xf32>,
        %mul3A_477 = arith.mulf %get3A_476, %broadcast_in_dim3A_449 : vector<16xf32>
        %swap3A_478 = arith.constant 1 : i32
        %swap3A_479 = arith.index_cast %swap3A_478 : i32 to index
        %swap3A_480 = arith.index_cast %add3A_446 : i32 to index
        %swap3A_481 = arith.constant 32 : index
        %swap3A_482 = tpu.vector_load %arg16[%swap3A_479, %swap3A_480, %swap3A_481] {strides = array<i32>} : memref<2x64x64xf32, #tpu.memory_space<vmem>>, vector<16xf32>,
        tpu.vector_store %arg16[%swap3A_479, %swap3A_480, %swap3A_481], %mul3A_477 {strides = array<i32>} : memref<2x64x64xf32, #tpu.memory_space<vmem>>, vector<16xf32>,
        %get3A_483 = arith.constant 1 : i32
        %get3A_484 = arith.index_cast %get3A_483 : i32 to index
        %get3A_485 = arith.index_cast %add3A_446 : i32 to index
        %get3A_486 = arith.constant 48 : index
        %get3A_487 = tpu.vector_load %arg15[%get3A_484, %get3A_485, %get3A_486] {strides = array<i32>} : memref<2x64x64xf32, #tpu.memory_space<vmem>>, vector<16xf32>,
        %mul3A_488 = arith.mulf %get3A_487, %broadcast_in_dim3A_449 : vector<16xf32>
        %swap3A_489 = arith.constant 1 : i32
        %swap3A_490 = arith.index_cast %swap3A_489 : i32 to index
        %swap3A_491 = arith.index_cast %add3A_446 : i32 to index
        %swap3A_492 = arith.constant 48 : index
        %swap3A_493 = tpu.vector_load %arg16[%swap3A_490, %swap3A_491, %swap3A_492] {strides = array<i32>} : memref<2x64x64xf32, #tpu.memory_space<vmem>>, vector<16xf32>,
        tpu.vector_store %arg16[%swap3A_490, %swap3A_491, %swap3A_492], %mul3A_488 {strides = array<i32>} : memref<2x64x64xf32, #tpu.memory_space<vmem>>, vector<16xf32>,
        %mul3A_494 = arith.constant 16 : i32
        %mul3A_495 = arith.muli %scan3A_389, %mul3A_494 : i32
        %add3A_496 = arith.constant 2 : i32
        %add3A_497 = arith.addi %mul3A_495, %add3A_496 : i32
        %slice3A_498 = vector.extract_strided_slice %get3A_395 {offsets = [2], sizes = [1], strides = [1]} : vector<16xf32> to vector<1xf32>
        %squeeze3A_499 = vector.extract %slice3A_498[0] : f32 from vector<1xf32>
        %broadcast_in_dim3A_500 = vector.broadcast %squeeze3A_499 : f32 to vector<16xf32>
        %get3A_501 = arith.constant 1 : i32
        %get3A_502 = arith.index_cast %get3A_501 : i32 to index
        %get3A_503 = arith.index_cast %add3A_497 : i32 to index
        %get3A_504 = arith.constant 0 : index
        %get3A_505 = tpu.vector_load %arg15[%get3A_502, %get3A_503, %get3A_504] {strides = array<i32>} : memref<2x64x64xf32, #tpu.memory_space<vmem>>, vector<16xf32>,
        %mul3A_506 = arith.mulf %get3A_505, %broadcast_in_dim3A_500 : vector<16xf32>
        %swap3A_507 = arith.constant 1 : i32
        %swap3A_508 = arith.index_cast %swap3A_507 : i32 to index
        %swap3A_509 = arith.index_cast %add3A_497 : i32 to index
        %swap3A_510 = arith.constant 0 : index
        %swap3A_511 = tpu.vector_load %arg16[%swap3A_508, %swap3A_509, %swap3A_510] {strides = array<i32>} : memref<2x64x64xf32, #tpu.memory_space<vmem>>, vector<16xf32>,
        tpu.vector_store %arg16[%swap3A_508, %swap3A_509, %swap3A_510], %mul3A_506 {strides = array<i32>} : memref<2x64x64xf32, #tpu.memory_space<vmem>>, vector<16xf32>,
        %get3A_512 = arith.constant 1 : i32
        %get3A_513 = arith.index_cast %get3A_512 : i32 to index
        %get3A_514 = arith.index_cast %add3A_497 : i32 to index
        %get3A_515 = arith.constant 16 : index
        %get3A_516 = tpu.vector_load %arg15[%get3A_513, %get3A_514, %get3A_515] {strides = array<i32>} : memref<2x64x64xf32, #tpu.memory_space<vmem>>, vector<16xf32>,
        %mul3A_517 = arith.mulf %get3A_516, %broadcast_in_dim3A_500 : vector<16xf32>
        %swap3A_518 = arith.constant 1 : i32
        %swap3A_519 = arith.index_cast %swap3A_518 : i32 to index
        %swap3A_520 = arith.index_cast %add3A_497 : i32 to index
        %swap3A_521 = arith.constant 16 : index
        %swap3A_522 = tpu.vector_load %arg16[%swap3A_519, %swap3A_520, %swap3A_521] {strides = array<i32>} : memref<2x64x64xf32, #tpu.memory_space<vmem>>, vector<16xf32>,
        tpu.vector_store %arg16[%swap3A_519, %swap3A_520, %swap3A_521], %mul3A_517 {strides = array<i32>} : memref<2x64x64xf32, #tpu.memory_space<vmem>>, vector<16xf32>,
        %get3A_523 = arith.constant 1 : i32
        %get3A_524 = arith.index_cast %get3A_523 : i32 to index
        %get3A_525 = arith.index_cast %add3A_497 : i32 to index
        %get3A_526 = arith.constant 32 : index
        %get3A_527 = tpu.vector_load %arg15[%get3A_524, %get3A_525, %get3A_526] {strides = array<i32>} : memref<2x64x64xf32, #tpu.memory_space<vmem>>, vector<16xf32>,
        %mul3A_528 = arith.mulf %get3A_527, %broadcast_in_dim3A_500 : vector<16xf32>
        %swap3A_529 = arith.constant 1 : i32
        %swap3A_530 = arith.index_cast %swap3A_529 : i32 to index
        %swap3A_531 = arith.index_cast %add3A_497 : i32 to index
        %swap3A_532 = arith.constant 32 : index
        %swap3A_533 = tpu.vector_load %arg16[%swap3A_530, %swap3A_531, %swap3A_532] {strides = array<i32>} : memref<2x64x64xf32, #tpu.memory_space<vmem>>, vector<16xf32>,
        tpu.vector_store %arg16[%swap3A_530, %swap3A_531, %swap3A_532], %mul3A_528 {strides = array<i32>} : memref<2x64x64xf32, #tpu.memory_space<vmem>>, vector<16xf32>,
        %get3A_534 = arith.constant 1 : i32
        %get3A_535 = arith.index_cast %get3A_534 : i32 to index
        %get3A_536 = arith.index_cast %add3A_497 : i32 to index
        %get3A_537 = arith.constant 48 : index
        %get3A_538 = tpu.vector_load %arg15[%get3A_535, %get3A_536, %get3A_537] {strides = array<i32>} : memref<2x64x64xf32, #tpu.memory_space<vmem>>, vector<16xf32>,
        %mul3A_539 = arith.mulf %get3A_538, %broadcast_in_dim3A_500 : vector<16xf32>
        %swap3A_540 = arith.constant 1 : i32
        %swap3A_541 = arith.index_cast %swap3A_540 : i32 to index
        %swap3A_542 = arith.index_cast %add3A_497 : i32 to index
        %swap3A_543 = arith.constant 48 : index
        %swap3A_544 = tpu.vector_load %arg16[%swap3A_541, %swap3A_542, %swap3A_543] {strides = array<i32>} : memref<2x64x64xf32, #tpu.memory_space<vmem>>, vector<16xf32>,
        tpu.vector_store %arg16[%swap3A_541, %swap3A_542, %swap3A_543], %mul3A_539 {strides = array<i32>} : memref<2x64x64xf32, #tpu.memory_space<vmem>>, vector<16xf32>,
        %mul3A_545 = arith.constant 16 : i32
        %mul3A_546 = arith.muli %scan3A_389, %mul3A_545 : i32
        %add3A_547 = arith.constant 3 : i32
        %add3A_548 = arith.addi %mul3A_546, %add3A_547 : i32
        %slice3A_549 = vector.extract_strided_slice %get3A_395 {offsets = [3], sizes = [1], strides = [1]} : vector<16xf32> to vector<1xf32>
        %squeeze3A_550 = vector.extract %slice3A_549[0] : f32 from vector<1xf32>
        %broadcast_in_dim3A_551 = vector.broadcast %squeeze3A_550 : f32 to vector<16xf32>
        %get3A_552 = arith.constant 1 : i32
        %get3A_553 = arith.index_cast %get3A_552 : i32 to index
        %get3A_554 = arith.index_cast %add3A_548 : i32 to index
        %get3A_555 = arith.constant 0 : index
        %get3A_556 = tpu.vector_load %arg15[%get3A_553, %get3A_554, %get3A_555] {strides = array<i32>} : memref<2x64x64xf32, #tpu.memory_space<vmem>>, vector<16xf32>,
        %mul3A_557 = arith.mulf %get3A_556, %broadcast_in_dim3A_551 : vector<16xf32>
        %swap3A_558 = arith.constant 1 : i32
        %swap3A_559 = arith.index_cast %swap3A_558 : i32 to index
        %swap3A_560 = arith.index_cast %add3A_548 : i32 to index
        %swap3A_561 = arith.constant 0 : index
        %swap3A_562 = tpu.vector_load %arg16[%swap3A_559, %swap3A_560, %swap3A_561] {strides = array<i32>} : memref<2x64x64xf32, #tpu.memory_space<vmem>>, vector<16xf32>,
        tpu.vector_store %arg16[%swap3A_559, %swap3A_560, %swap3A_561], %mul3A_557 {strides = array<i32>} : memref<2x64x64xf32, #tpu.memory_space<vmem>>, vector<16xf32>,
        %get3A_563 = arith.constant 1 : i32
        %get3A_564 = arith.index_cast %get3A_563 : i32 to index
        %get3A_565 = arith.index_cast %add3A_548 : i32 to index
        %get3A_566 = arith.constant 16 : index
        %get3A_567 = tpu.vector_load %arg15[%get3A_564, %get3A_565, %get3A_566] {strides = array<i32>} : memref<2x64x64xf32, #tpu.memory_space<vmem>>, vector<16xf32>,
        %mul3A_568 = arith.mulf %get3A_567, %broadcast_in_dim3A_551 : vector<16xf32>
        %swap3A_569 = arith.constant 1 : i32
        %swap3A_570 = arith.index_cast %swap3A_569 : i32 to index
        %swap3A_571 = arith.index_cast %add3A_548 : i32 to index
        %swap3A_572 = arith.constant 16 : index
        %swap3A_573 = tpu.vector_load %arg16[%swap3A_570, %swap3A_571, %swap3A_572] {strides = array<i32>} : memref<2x64x64xf32, #tpu.memory_space<vmem>>, vector<16xf32>,
        tpu.vector_store %arg16[%swap3A_570, %swap3A_571, %swap3A_572], %mul3A_568 {strides = array<i32>} : memref<2x64x64xf32, #tpu.memory_space<vmem>>, vector<16xf32>,
        %get3A_574 = arith.constant 1 : i32
        %get3A_575 = arith.index_cast %get3A_574 : i32 to index
        %get3A_576 = arith.index_cast %add3A_548 : i32 to index
        %get3A_577 = arith.constant 32 : index
        %get3A_578 = tpu.vector_load %arg15[%get3A_575, %get3A_576, %get3A_577] {strides = array<i32>} : memref<2x64x64xf32, #tpu.memory_space<vmem>>, vector<16xf32>,
        %mul3A_579 = arith.mulf %get3A_578, %broadcast_in_dim3A_551 : vector<16xf32>
        %swap3A_580 = arith.constant 1 : i32
        %swap3A_581 = arith.index_cast %swap3A_580 : i32 to index
        %swap3A_582 = arith.index_cast %add3A_548 : i32 to index
        %swap3A_583 = arith.constant 32 : index
        %swap3A_584 = tpu.vector_load %arg16[%swap3A_581, %swap3A_582, %swap3A_583] {strides = array<i32>} : memref<2x64x64xf32, #tpu.memory_space<vmem>>, vector<16xf32>,
        tpu.vector_store %arg16[%swap3A_581, %swap3A_582, %swap3A_583], %mul3A_579 {strides = array<i32>} : memref<2x64x64xf32, #tpu.memory_space<vmem>>, vector<16xf32>,
        %get3A_585 = arith.constant 1 : i32
        %get3A_586 = arith.index_cast %get3A_585 : i32 to index
        %get3A_587 = arith.index_cast %add3A_548 : i32 to index
        %get3A_588 = arith.constant 48 : index
        %get3A_589 = tpu.vector_load %arg15[%get3A_586, %get3A_587, %get3A_588] {strides = array<i32>} : memref<2x64x64xf32, #tpu.memory_space<vmem>>, vector<16xf32>,
        %mul3A_590 = arith.mulf %get3A_589, %broadcast_in_dim3A_551 : vector<16xf32>
        %swap3A_591 = arith.constant 1 : i32
        %swap3A_592 = arith.index_cast %swap3A_591 : i32 to index
        %swap3A_593 = arith.index_cast %add3A_548 : i32 to index
        %swap3A_594 = arith.constant 48 : index
        %swap3A_595 = tpu.vector_load %arg16[%swap3A_592, %swap3A_593, %swap3A_594] {strides = array<i32>} : memref<2x64x64xf32, #tpu.memory_space<vmem>>, vector<16xf32>,
        tpu.vector_store %arg16[%swap3A_592, %swap3A_593, %swap3A_594], %mul3A_590 {strides = array<i32>} : memref<2x64x64xf32, #tpu.memory_space<vmem>>, vector<16xf32>,
        %mul3A_596 = arith.constant 16 : i32
        %mul3A_597 = arith.muli %scan3A_389, %mul3A_596 : i32
        %add3A_598 = arith.constant 4 : i32
        %add3A_599 = arith.addi %mul3A_597, %add3A_598 : i32
        %slice3A_600 = vector.extract_strided_slice %get3A_395 {offsets = [4], sizes = [1], strides = [1]} : vector<16xf32> to vector<1xf32>
        %squeeze3A_601 = vector.extract %slice3A_600[0] : f32 from vector<1xf32>
        %broadcast_in_dim3A_602 = vector.broadcast %squeeze3A_601 : f32 to vector<16xf32>
        %get3A_603 = arith.constant 1 : i32
        %get3A_604 = arith.index_cast %get3A_603 : i32 to index
        %get3A_605 = arith.index_cast %add3A_599 : i32 to index
        %get3A_606 = arith.constant 0 : index
        %get3A_607 = tpu.vector_load %arg15[%get3A_604, %get3A_605, %get3A_606] {strides = array<i32>} : memref<2x64x64xf32, #tpu.memory_space<vmem>>, vector<16xf32>,
        %mul3A_608 = arith.mulf %get3A_607, %broadcast_in_dim3A_602 : vector<16xf32>
        %swap3A_609 = arith.constant 1 : i32
        %swap3A_610 = arith.index_cast %swap3A_609 : i32 to index
        %swap3A_611 = arith.index_cast %add3A_599 : i32 to index
        %swap3A_612 = arith.constant 0 : index
        %swap3A_613 = tpu.vector_load %arg16[%swap3A_610, %swap3A_611, %swap3A_612] {strides = array<i32>} : memref<2x64x64xf32, #tpu.memory_space<vmem>>, vector<16xf32>,
        tpu.vector_store %arg16[%swap3A_610, %swap3A_611, %swap3A_612], %mul3A_608 {strides = array<i32>} : memref<2x64x64xf32, #tpu.memory_space<vmem>>, vector<16xf32>,
        %get3A_614 = arith.constant 1 : i32
        %get3A_615 = arith.index_cast %get3A_614 : i32 to index
        %get3A_616 = arith.index_cast %add3A_599 : i32 to index
        %get3A_617 = arith.constant 16 : index
        %get3A_618 = tpu.vector_load %arg15[%get3A_615, %get3A_616, %get3A_617] {strides = array<i32>} : memref<2x64x64xf32, #tpu.memory_space<vmem>>, vector<16xf32>,
        %mul3A_619 = arith.mulf %get3A_618, %broadcast_in_dim3A_602 : vector<16xf32>
        %swap3A_620 = arith.constant 1 : i32
        %swap3A_621 = arith.index_cast %swap3A_620 : i32 to index
        %swap3A_622 = arith.index_cast %add3A_599 : i32 to index
        %swap3A_623 = arith.constant 16 : index
        %swap3A_624 = tpu.vector_load %arg16[%swap3A_621, %swap3A_622, %swap3A_623] {strides = array<i32>} : memref<2x64x64xf32, #tpu.memory_space<vmem>>, vector<16xf32>,
        tpu.vector_store %arg16[%swap3A_621, %swap3A_622, %swap3A_623], %mul3A_619 {strides = array<i32>} : memref<2x64x64xf32, #tpu.memory_space<vmem>>, vector<16xf32>,
        %get3A_625 = arith.constant 1 : i32
        %get3A_626 = arith.index_cast %get3A_625 : i32 to index
        %get3A_627 = arith.index_cast %add3A_599 : i32 to index
        %get3A_628 = arith.constant 32 : index
        %get3A_629 = tpu.vector_load %arg15[%get3A_626, %get3A_627, %get3A_628] {strides = array<i32>} : memref<2x64x64xf32, #tpu.memory_space<vmem>>, vector<16xf32>,
        %mul3A_630 = arith.mulf %get3A_629, %broadcast_in_dim3A_602 : vector<16xf32>
        %swap3A_631 = arith.constant 1 : i32
        %swap3A_632 = arith.index_cast %swap3A_631 : i32 to index
        %swap3A_633 = arith.index_cast %add3A_599 : i32 to index
        %swap3A_634 = arith.constant 32 : index
        %swap3A_635 = tpu.vector_load %arg16[%swap3A_632, %swap3A_633, %swap3A_634] {strides = array<i32>} : memref<2x64x64xf32, #tpu.memory_space<vmem>>, vector<16xf32>,
        tpu.vector_store %arg16[%swap3A_632, %swap3A_633, %swap3A_634], %mul3A_630 {strides = array<i32>} : memref<2x64x64xf32, #tpu.memory_space<vmem>>, vector<16xf32>,
        %get3A_636 = arith.constant 1 : i32
        %get3A_637 = arith.index_cast %get3A_636 : i32 to index
        %get3A_638 = arith.index_cast %add3A_599 : i32 to index
        %get3A_639 = arith.constant 48 : index
        %get3A_640 = tpu.vector_load %arg15[%get3A_637, %get3A_638, %get3A_639] {strides = array<i32>} : memref<2x64x64xf32, #tpu.memory_space<vmem>>, vector<16xf32>,
        %mul3A_641 = arith.mulf %get3A_640, %broadcast_in_dim3A_602 : vector<16xf32>
        %swap3A_642 = arith.constant 1 : i32
        %swap3A_643 = arith.index_cast %swap3A_642 : i32 to index
        %swap3A_644 = arith.index_cast %add3A_599 : i32 to index
        %swap3A_645 = arith.constant 48 : index
        %swap3A_646 = tpu.vector_load %arg16[%swap3A_643, %swap3A_644, %swap3A_645] {strides = array<i32>} : memref<2x64x64xf32, #tpu.memory_space<vmem>>, vector<16xf32>,
        tpu.vector_store %arg16[%swap3A_643, %swap3A_644, %swap3A_645], %mul3A_641 {strides = array<i32>} : memref<2x64x64xf32, #tpu.memory_space<vmem>>, vector<16xf32>,
        %mul3A_647 = arith.constant 16 : i32
        %mul3A_648 = arith.muli %scan3A_389, %mul3A_647 : i32
        %add3A_649 = arith.constant 5 : i32
        %add3A_650 = arith.addi %mul3A_648, %add3A_649 : i32
        %slice3A_651 = vector.extract_strided_slice %get3A_395 {offsets = [5], sizes = [1], strides = [1]} : vector<16xf32> to vector<1xf32>
        %squeeze3A_652 = vector.extract %slice3A_651[0] : f32 from vector<1xf32>
        %broadcast_in_dim3A_653 = vector.broadcast %squeeze3A_652 : f32 to vector<16xf32>
        %get3A_654 = arith.constant 1 : i32
        %get3A_655 = arith.index_cast %get3A_654 : i32 to index
        %get3A_656 = arith.index_cast %add3A_650 : i32 to index
        %get3A_657 = arith.constant 0 : index
        %get3A_658 = tpu.vector_load %arg15[%get3A_655, %get3A_656, %get3A_657] {strides = array<i32>} : memref<2x64x64xf32, #tpu.memory_space<vmem>>, vector<16xf32>,
        %mul3A_659 = arith.mulf %get3A_658, %broadcast_in_dim3A_653 : vector<16xf32>
        %swap3A_660 = arith.constant 1 : i32
        %swap3A_661 = arith.index_cast %swap3A_660 : i32 to index
        %swap3A_662 = arith.index_cast %add3A_650 : i32 to index
        %swap3A_663 = arith.constant 0 : index
        %swap3A_664 = tpu.vector_load %arg16[%swap3A_661, %swap3A_662, %swap3A_663] {strides = array<i32>} : memref<2x64x64xf32, #tpu.memory_space<vmem>>, vector<16xf32>,
        tpu.vector_store %arg16[%swap3A_661, %swap3A_662, %swap3A_663], %mul3A_659 {strides = array<i32>} : memref<2x64x64xf32, #tpu.memory_space<vmem>>, vector<16xf32>,
        %get3A_665 = arith.constant 1 : i32
        %get3A_666 = arith.index_cast %get3A_665 : i32 to index
        %get3A_667 = arith.index_cast %add3A_650 : i32 to index
        %get3A_668 = arith.constant 16 : index
        %get3A_669 = tpu.vector_load %arg15[%get3A_666, %get3A_667, %get3A_668] {strides = array<i32>} : memref<2x64x64xf32, #tpu.memory_space<vmem>>, vector<16xf32>,
        %mul3A_670 = arith.mulf %get3A_669, %broadcast_in_dim3A_653 : vector<16xf32>
        %swap3A_671 = arith.constant 1 : i32
        %swap3A_672 = arith.index_cast %swap3A_671 : i32 to index
        %swap3A_673 = arith.index_cast %add3A_650 : i32 to index
        %swap3A_674 = arith.constant 16 : index
        %swap3A_675 = tpu.vector_load %arg16[%swap3A_672, %swap3A_673, %swap3A_674] {strides = array<i32>} : memref<2x64x64xf32, #tpu.memory_space<vmem>>, vector<16xf32>,
        tpu.vector_store %arg16[%swap3A_672, %swap3A_673, %swap3A_674], %mul3A_670 {strides = array<i32>} : memref<2x64x64xf32, #tpu.memory_space<vmem>>, vector<16xf32>,
        %get3A_676 = arith.constant 1 : i32
        %get3A_677 = arith.index_cast %get3A_676 : i32 to index
        %get3A_678 = arith.index_cast %add3A_650 : i32 to index
        %get3A_679 = arith.constant 32 : index
        %get3A_680 = tpu.vector_load %arg15[%get3A_677, %get3A_678, %get3A_679] {strides = array<i32>} : memref<2x64x64xf32, #tpu.memory_space<vmem>>, vector<16xf32>,
        %mul3A_681 = arith.mulf %get3A_680, %broadcast_in_dim3A_653 : vector<16xf32>
        %swap3A_682 = arith.constant 1 : i32
        %swap3A_683 = arith.index_cast %swap3A_682 : i32 to index
        %swap3A_684 = arith.index_cast %add3A_650 : i32 to index
        %swap3A_685 = arith.constant 32 : index
        %swap3A_686 = tpu.vector_load %arg16[%swap3A_683, %swap3A_684, %swap3A_685] {strides = array<i32>} : memref<2x64x64xf32, #tpu.memory_space<vmem>>, vector<16xf32>,
        tpu.vector_store %arg16[%swap3A_683, %swap3A_684, %swap3A_685], %mul3A_681 {strides = array<i32>} : memref<2x64x64xf32, #tpu.memory_space<vmem>>, vector<16xf32>,
        %get3A_687 = arith.constant 1 : i32
        %get3A_688 = arith.index_cast %get3A_687 : i32 to index
        %get3A_689 = arith.index_cast %add3A_650 : i32 to index
        %get3A_690 = arith.constant 48 : index
        %get3A_691 = tpu.vector_load %arg15[%get3A_688, %get3A_689, %get3A_690] {strides = array<i32>} : memref<2x64x64xf32, #tpu.memory_space<vmem>>, vector<16xf32>,
        %mul3A_692 = arith.mulf %get3A_691, %broadcast_in_dim3A_653 : vector<16xf32>
        %swap3A_693 = arith.constant 1 : i32
        %swap3A_694 = arith.index_cast %swap3A_693 : i32 to index
        %swap3A_695 = arith.index_cast %add3A_650 : i32 to index
        %swap3A_696 = arith.constant 48 : index
        %swap3A_697 = tpu.vector_load %arg16[%swap3A_694, %swap3A_695, %swap3A_696] {strides = array<i32>} : memref<2x64x64xf32, #tpu.memory_space<vmem>>, vector<16xf32>,
        tpu.vector_store %arg16[%swap3A_694, %swap3A_695, %swap3A_696], %mul3A_692 {strides = array<i32>} : memref<2x64x64xf32, #tpu.memory_space<vmem>>, vector<16xf32>,
        %mul3A_698 = arith.constant 16 : i32
        %mul3A_699 = arith.muli %scan3A_389, %mul3A_698 : i32
        %add3A_700 = arith.constant 6 : i32
        %add3A_701 = arith.addi %mul3A_699, %add3A_700 : i32
        %slice3A_702 = vector.extract_strided_slice %get3A_395 {offsets = [6], sizes = [1], strides = [1]} : vector<16xf32> to vector<1xf32>
        %squeeze3A_703 = vector.extract %slice3A_702[0] : f32 from vector<1xf32>
        %broadcast_in_dim3A_704 = vector.broadcast %squeeze3A_703 : f32 to vector<16xf32>
        %get3A_705 = arith.constant 1 : i32
        %get3A_706 = arith.index_cast %get3A_705 : i32 to index
        %get3A_707 = arith.index_cast %add3A_701 : i32 to index
        %get3A_708 = arith.constant 0 : index
        %get3A_709 = tpu.vector_load %arg15[%get3A_706, %get3A_707, %get3A_708] {strides = array<i32>} : memref<2x64x64xf32, #tpu.memory_space<vmem>>, vector<16xf32>,
        %mul3A_710 = arith.mulf %get3A_709, %broadcast_in_dim3A_704 : vector<16xf32>
        %swap3A_711 = arith.constant 1 : i32
        %swap3A_712 = arith.index_cast %swap3A_711 : i32 to index
        %swap3A_713 = arith.index_cast %add3A_701 : i32 to index
        %swap3A_714 = arith.constant 0 : index
        %swap3A_715 = tpu.vector_load %arg16[%swap3A_712, %swap3A_713, %swap3A_714] {strides = array<i32>} : memref<2x64x64xf32, #tpu.memory_space<vmem>>, vector<16xf32>,
        tpu.vector_store %arg16[%swap3A_712, %swap3A_713, %swap3A_714], %mul3A_710 {strides = array<i32>} : memref<2x64x64xf32, #tpu.memory_space<vmem>>, vector<16xf32>,
        %get3A_716 = arith.constant 1 : i32
        %get3A_717 = arith.index_cast %get3A_716 : i32 to index
        %get3A_718 = arith.index_cast %add3A_701 : i32 to index
        %get3A_719 = arith.constant 16 : index
        %get3A_720 = tpu.vector_load %arg15[%get3A_717, %get3A_718, %get3A_719] {strides = array<i32>} : memref<2x64x64xf32, #tpu.memory_space<vmem>>, vector<16xf32>,
        %mul3A_721 = arith.mulf %get3A_720, %broadcast_in_dim3A_704 : vector<16xf32>
        %swap3A_722 = arith.constant 1 : i32
        %swap3A_723 = arith.index_cast %swap3A_722 : i32 to index
        %swap3A_724 = arith.index_cast %add3A_701 : i32 to index
        %swap3A_725 = arith.constant 16 : index
        %swap3A_726 = tpu.vector_load %arg16[%swap3A_723, %swap3A_724, %swap3A_725] {strides = array<i32>} : memref<2x64x64xf32, #tpu.memory_space<vmem>>, vector<16xf32>,
        tpu.vector_store %arg16[%swap3A_723, %swap3A_724, %swap3A_725], %mul3A_721 {strides = array<i32>} : memref<2x64x64xf32, #tpu.memory_space<vmem>>, vector<16xf32>,
        %get3A_727 = arith.constant 1 : i32
        %get3A_728 = arith.index_cast %get3A_727 : i32 to index
        %get3A_729 = arith.index_cast %add3A_701 : i32 to index
        %get3A_730 = arith.constant 32 : index
        %get3A_731 = tpu.vector_load %arg15[%get3A_728, %get3A_729, %get3A_730] {strides = array<i32>} : memref<2x64x64xf32, #tpu.memory_space<vmem>>, vector<16xf32>,
        %mul3A_732 = arith.mulf %get3A_731, %broadcast_in_dim3A_704 : vector<16xf32>
        %swap3A_733 = arith.constant 1 : i32
        %swap3A_734 = arith.index_cast %swap3A_733 : i32 to index
        %swap3A_735 = arith.index_cast %add3A_701 : i32 to index
        %swap3A_736 = arith.constant 32 : index
        %swap3A_737 = tpu.vector_load %arg16[%swap3A_734, %swap3A_735, %swap3A_736] {strides = array<i32>} : memref<2x64x64xf32, #tpu.memory_space<vmem>>, vector<16xf32>,
        tpu.vector_store %arg16[%swap3A_734, %swap3A_735, %swap3A_736], %mul3A_732 {strides = array<i32>} : memref<2x64x64xf32, #tpu.memory_space<vmem>>, vector<16xf32>,
        %get3A_738 = arith.constant 1 : i32
        %get3A_739 = arith.index_cast %get3A_738 : i32 to index
        %get3A_740 = arith.index_cast %add3A_701 : i32 to index
        %get3A_741 = arith.constant 48 : index
        %get3A_742 = tpu.vector_load %arg15[%get3A_739, %get3A_740, %get3A_741] {strides = array<i32>} : memref<2x64x64xf32, #tpu.memory_space<vmem>>, vector<16xf32>,
        %mul3A_743 = arith.mulf %get3A_742, %broadcast_in_dim3A_704 : vector<16xf32>
        %swap3A_744 = arith.constant 1 : i32
        %swap3A_745 = arith.index_cast %swap3A_744 : i32 to index
        %swap3A_746 = arith.index_cast %add3A_701 : i32 to index
        %swap3A_747 = arith.constant 48 : index
        %swap3A_748 = tpu.vector_load %arg16[%swap3A_745, %swap3A_746, %swap3A_747] {strides = array<i32>} : memref<2x64x64xf32, #tpu.memory_space<vmem>>, vector<16xf32>,
        tpu.vector_store %arg16[%swap3A_745, %swap3A_746, %swap3A_747], %mul3A_743 {strides = array<i32>} : memref<2x64x64xf32, #tpu.memory_space<vmem>>, vector<16xf32>,
        %mul3A_749 = arith.constant 16 : i32
        %mul3A_750 = arith.muli %scan3A_389, %mul3A_749 : i32
        %add3A_751 = arith.constant 7 : i32
        %add3A_752 = arith.addi %mul3A_750, %add3A_751 : i32
        %slice3A_753 = vector.extract_strided_slice %get3A_395 {offsets = [7], sizes = [1], strides = [1]} : vector<16xf32> to vector<1xf32>
        %squeeze3A_754 = vector.extract %slice3A_753[0] : f32 from vector<1xf32>
        %broadcast_in_dim3A_755 = vector.broadcast %squeeze3A_754 : f32 to vector<16xf32>
        %get3A_756 = arith.constant 1 : i32
        %get3A_757 = arith.index_cast %get3A_756 : i32 to index
        %get3A_758 = arith.index_cast %add3A_752 : i32 to index
        %get3A_759 = arith.constant 0 : index
        %get3A_760 = tpu.vector_load %arg15[%get3A_757, %get3A_758, %get3A_759] {strides = array<i32>} : memref<2x64x64xf32, #tpu.memory_space<vmem>>, vector<16xf32>,
        %mul3A_761 = arith.mulf %get3A_760, %broadcast_in_dim3A_755 : vector<16xf32>
        %swap3A_762 = arith.constant 1 : i32
        %swap3A_763 = arith.index_cast %swap3A_762 : i32 to index
        %swap3A_764 = arith.index_cast %add3A_752 : i32 to index
        %swap3A_765 = arith.constant 0 : index
        %swap3A_766 = tpu.vector_load %arg16[%swap3A_763, %swap3A_764, %swap3A_765] {strides = array<i32>} : memref<2x64x64xf32, #tpu.memory_space<vmem>>, vector<16xf32>,
        tpu.vector_store %arg16[%swap3A_763, %swap3A_764, %swap3A_765], %mul3A_761 {strides = array<i32>} : memref<2x64x64xf32, #tpu.memory_space<vmem>>, vector<16xf32>,
        %get3A_767 = arith.constant 1 : i32
        %get3A_768 = arith.index_cast %get3A_767 : i32 to index
        %get3A_769 = arith.index_cast %add3A_752 : i32 to index
        %get3A_770 = arith.constant 16 : index
        %get3A_771 = tpu.vector_load %arg15[%get3A_768, %get3A_769, %get3A_770] {strides = array<i32>} : memref<2x64x64xf32, #tpu.memory_space<vmem>>, vector<16xf32>,
        %mul3A_772 = arith.mulf %get3A_771, %broadcast_in_dim3A_755 : vector<16xf32>
        %swap3A_773 = arith.constant 1 : i32
        %swap3A_774 = arith.index_cast %swap3A_773 : i32 to index
        %swap3A_775 = arith.index_cast %add3A_752 : i32 to index
        %swap3A_776 = arith.constant 16 : index
        %swap3A_777 = tpu.vector_load %arg16[%swap3A_774, %swap3A_775, %swap3A_776] {strides = array<i32>} : memref<2x64x64xf32, #tpu.memory_space<vmem>>, vector<16xf32>,
        tpu.vector_store %arg16[%swap3A_774, %swap3A_775, %swap3A_776], %mul3A_772 {strides = array<i32>} : memref<2x64x64xf32, #tpu.memory_space<vmem>>, vector<16xf32>,
        %get3A_778 = arith.constant 1 : i32
        %get3A_779 = arith.index_cast %get3A_778 : i32 to index
        %get3A_780 = arith.index_cast %add3A_752 : i32 to index
        %get3A_781 = arith.constant 32 : index
        %get3A_782 = tpu.vector_load %arg15[%get3A_779, %get3A_780, %get3A_781] {strides = array<i32>} : memref<2x64x64xf32, #tpu.memory_space<vmem>>, vector<16xf32>,
        %mul3A_783 = arith.mulf %get3A_782, %broadcast_in_dim3A_755 : vector<16xf32>
        %swap3A_784 = arith.constant 1 : i32
        %swap3A_785 = arith.index_cast %swap3A_784 : i32 to index
        %swap3A_786 = arith.index_cast %add3A_752 : i32 to index
        %swap3A_787 = arith.constant 32 : index
        %swap3A_788 = tpu.vector_load %arg16[%swap3A_785, %swap3A_786, %swap3A_787] {strides = array<i32>} : memref<2x64x64xf32, #tpu.memory_space<vmem>>, vector<16xf32>,
        tpu.vector_store %arg16[%swap3A_785, %swap3A_786, %swap3A_787], %mul3A_783 {strides = array<i32>} : memref<2x64x64xf32, #tpu.memory_space<vmem>>, vector<16xf32>,
        %get3A_789 = arith.constant 1 : i32
        %get3A_790 = arith.index_cast %get3A_789 : i32 to index
        %get3A_791 = arith.index_cast %add3A_752 : i32 to index
        %get3A_792 = arith.constant 48 : index
        %get3A_793 = tpu.vector_load %arg15[%get3A_790, %get3A_791, %get3A_792] {strides = array<i32>} : memref<2x64x64xf32, #tpu.memory_space<vmem>>, vector<16xf32>,
        %mul3A_794 = arith.mulf %get3A_793, %broadcast_in_dim3A_755 : vector<16xf32>
        %swap3A_795 = arith.constant 1 : i32
        %swap3A_796 = arith.index_cast %swap3A_795 : i32 to index
        %swap3A_797 = arith.index_cast %add3A_752 : i32 to index
        %swap3A_798 = arith.constant 48 : index
        %swap3A_799 = tpu.vector_load %arg16[%swap3A_796, %swap3A_797, %swap3A_798] {strides = array<i32>} : memref<2x64x64xf32, #tpu.memory_space<vmem>>, vector<16xf32>,
        tpu.vector_store %arg16[%swap3A_796, %swap3A_797, %swap3A_798], %mul3A_794 {strides = array<i32>} : memref<2x64x64xf32, #tpu.memory_space<vmem>>, vector<16xf32>,
        %mul3A_800 = arith.constant 16 : i32
        %mul3A_801 = arith.muli %scan3A_389, %mul3A_800 : i32
        %add3A_802 = arith.constant 8 : i32
        %add3A_803 = arith.addi %mul3A_801, %add3A_802 : i32
        %slice3A_804 = vector.extract_strided_slice %get3A_395 {offsets = [8], sizes = [1], strides = [1]} : vector<16xf32> to vector<1xf32>
        %squeeze3A_805 = vector.extract %slice3A_804[0] : f32 from vector<1xf32>
        %broadcast_in_dim3A_806 = vector.broadcast %squeeze3A_805 : f32 to vector<16xf32>
        %get3A_807 = arith.constant 1 : i32
        %get3A_808 = arith.index_cast %get3A_807 : i32 to index
        %get3A_809 = arith.index_cast %add3A_803 : i32 to index
        %get3A_810 = arith.constant 0 : index
        %get3A_811 = tpu.vector_load %arg15[%get3A_808, %get3A_809, %get3A_810] {strides = array<i32>} : memref<2x64x64xf32, #tpu.memory_space<vmem>>, vector<16xf32>,
        %mul3A_812 = arith.mulf %get3A_811, %broadcast_in_dim3A_806 : vector<16xf32>
        %swap3A_813 = arith.constant 1 : i32
        %swap3A_814 = arith.index_cast %swap3A_813 : i32 to index
        %swap3A_815 = arith.index_cast %add3A_803 : i32 to index
        %swap3A_816 = arith.constant 0 : index
        %swap3A_817 = tpu.vector_load %arg16[%swap3A_814, %swap3A_815, %swap3A_816] {strides = array<i32>} : memref<2x64x64xf32, #tpu.memory_space<vmem>>, vector<16xf32>,
        tpu.vector_store %arg16[%swap3A_814, %swap3A_815, %swap3A_816], %mul3A_812 {strides = array<i32>} : memref<2x64x64xf32, #tpu.memory_space<vmem>>, vector<16xf32>,
        %get3A_818 = arith.constant 1 : i32
        %get3A_819 = arith.index_cast %get3A_818 : i32 to index
        %get3A_820 = arith.index_cast %add3A_803 : i32 to index
        %get3A_821 = arith.constant 16 : index
        %get3A_822 = tpu.vector_load %arg15[%get3A_819, %get3A_820, %get3A_821] {strides = array<i32>} : memref<2x64x64xf32, #tpu.memory_space<vmem>>, vector<16xf32>,
        %mul3A_823 = arith.mulf %get3A_822, %broadcast_in_dim3A_806 : vector<16xf32>
        %swap3A_824 = arith.constant 1 : i32
        %swap3A_825 = arith.index_cast %swap3A_824 : i32 to index
        %swap3A_826 = arith.index_cast %add3A_803 : i32 to index
        %swap3A_827 = arith.constant 16 : index
        %swap3A_828 = tpu.vector_load %arg16[%swap3A_825, %swap3A_826, %swap3A_827] {strides = array<i32>} : memref<2x64x64xf32, #tpu.memory_space<vmem>>, vector<16xf32>,
        tpu.vector_store %arg16[%swap3A_825, %swap3A_826, %swap3A_827], %mul3A_823 {strides = array<i32>} : memref<2x64x64xf32, #tpu.memory_space<vmem>>, vector<16xf32>,
        %get3A_829 = arith.constant 1 : i32
        %get3A_830 = arith.index_cast %get3A_829 : i32 to index
        %get3A_831 = arith.index_cast %add3A_803 : i32 to index
        %get3A_832 = arith.constant 32 : index
        %get3A_833 = tpu.vector_load %arg15[%get3A_830, %get3A_831, %get3A_832] {strides = array<i32>} : memref<2x64x64xf32, #tpu.memory_space<vmem>>, vector<16xf32>,
        %mul3A_834 = arith.mulf %get3A_833, %broadcast_in_dim3A_806 : vector<16xf32>
        %swap3A_835 = arith.constant 1 : i32
        %swap3A_836 = arith.index_cast %swap3A_835 : i32 to index
        %swap3A_837 = arith.index_cast %add3A_803 : i32 to index
        %swap3A_838 = arith.constant 32 : index
        %swap3A_839 = tpu.vector_load %arg16[%swap3A_836, %swap3A_837, %swap3A_838] {strides = array<i32>} : memref<2x64x64xf32, #tpu.memory_space<vmem>>, vector<16xf32>,
        tpu.vector_store %arg16[%swap3A_836, %swap3A_837, %swap3A_838], %mul3A_834 {strides = array<i32>} : memref<2x64x64xf32, #tpu.memory_space<vmem>>, vector<16xf32>,
        %get3A_840 = arith.constant 1 : i32
        %get3A_841 = arith.index_cast %get3A_840 : i32 to index
        %get3A_842 = arith.index_cast %add3A_803 : i32 to index
        %get3A_843 = arith.constant 48 : index
        %get3A_844 = tpu.vector_load %arg15[%get3A_841, %get3A_842, %get3A_843] {strides = array<i32>} : memref<2x64x64xf32, #tpu.memory_space<vmem>>, vector<16xf32>,
        %mul3A_845 = arith.mulf %get3A_844, %broadcast_in_dim3A_806 : vector<16xf32>
        %swap3A_846 = arith.constant 1 : i32
        %swap3A_847 = arith.index_cast %swap3A_846 : i32 to index
        %swap3A_848 = arith.index_cast %add3A_803 : i32 to index
        %swap3A_849 = arith.constant 48 : index
        %swap3A_850 = tpu.vector_load %arg16[%swap3A_847, %swap3A_848, %swap3A_849] {strides = array<i32>} : memref<2x64x64xf32, #tpu.memory_space<vmem>>, vector<16xf32>,
        tpu.vector_store %arg16[%swap3A_847, %swap3A_848, %swap3A_849], %mul3A_845 {strides = array<i32>} : memref<2x64x64xf32, #tpu.memory_space<vmem>>, vector<16xf32>,
        %mul3A_851 = arith.constant 16 : i32
        %mul3A_852 = arith.muli %scan3A_389, %mul3A_851 : i32
        %add3A_853 = arith.constant 9 : i32
        %add3A_854 = arith.addi %mul3A_852, %add3A_853 : i32
        %slice3A_855 = vector.extract_strided_slice %get3A_395 {offsets = [9], sizes = [1], strides = [1]} : vector<16xf32> to vector<1xf32>
        %squeeze3A_856 = vector.extract %slice3A_855[0] : f32 from vector<1xf32>
        %broadcast_in_dim3A_857 = vector.broadcast %squeeze3A_856 : f32 to vector<16xf32>
        %get3A_858 = arith.constant 1 : i32
        %get3A_859 = arith.index_cast %get3A_858 : i32 to index
        %get3A_860 = arith.index_cast %add3A_854 : i32 to index
        %get3A_861 = arith.constant 0 : index
        %get3A_862 = tpu.vector_load %arg15[%get3A_859, %get3A_860, %get3A_861] {strides = array<i32>} : memref<2x64x64xf32, #tpu.memory_space<vmem>>, vector<16xf32>,
        %mul3A_863 = arith.mulf %get3A_862, %broadcast_in_dim3A_857 : vector<16xf32>
        %swap3A_864 = arith.constant 1 : i32
        %swap3A_865 = arith.index_cast %swap3A_864 : i32 to index
        %swap3A_866 = arith.index_cast %add3A_854 : i32 to index
        %swap3A_867 = arith.constant 0 : index
        %swap3A_868 = tpu.vector_load %arg16[%swap3A_865, %swap3A_866, %swap3A_867] {strides = array<i32>} : memref<2x64x64xf32, #tpu.memory_space<vmem>>, vector<16xf32>,
        tpu.vector_store %arg16[%swap3A_865, %swap3A_866, %swap3A_867], %mul3A_863 {strides = array<i32>} : memref<2x64x64xf32, #tpu.memory_space<vmem>>, vector<16xf32>,
        %get3A_869 = arith.constant 1 : i32
        %get3A_870 = arith.index_cast %get3A_869 : i32 to index
        %get3A_871 = arith.index_cast %add3A_854 : i32 to index
        %get3A_872 = arith.constant 16 : index
        %get3A_873 = tpu.vector_load %arg15[%get3A_870, %get3A_871, %get3A_872] {strides = array<i32>} : memref<2x64x64xf32, #tpu.memory_space<vmem>>, vector<16xf32>,
        %mul3A_874 = arith.mulf %get3A_873, %broadcast_in_dim3A_857 : vector<16xf32>
        %swap3A_875 = arith.constant 1 : i32
        %swap3A_876 = arith.index_cast %swap3A_875 : i32 to index
        %swap3A_877 = arith.index_cast %add3A_854 : i32 to index
        %swap3A_878 = arith.constant 16 : index
        %swap3A_879 = tpu.vector_load %arg16[%swap3A_876, %swap3A_877, %swap3A_878] {strides = array<i32>} : memref<2x64x64xf32, #tpu.memory_space<vmem>>, vector<16xf32>,
        tpu.vector_store %arg16[%swap3A_876, %swap3A_877, %swap3A_878], %mul3A_874 {strides = array<i32>} : memref<2x64x64xf32, #tpu.memory_space<vmem>>, vector<16xf32>,
        %get3A_880 = arith.constant 1 : i32
        %get3A_881 = arith.index_cast %get3A_880 : i32 to index
        %get3A_882 = arith.index_cast %add3A_854 : i32 to index
        %get3A_883 = arith.constant 32 : index
        %get3A_884 = tpu.vector_load %arg15[%get3A_881, %get3A_882, %get3A_883] {strides = array<i32>} : memref<2x64x64xf32, #tpu.memory_space<vmem>>, vector<16xf32>,
        %mul3A_885 = arith.mulf %get3A_884, %broadcast_in_dim3A_857 : vector<16xf32>
        %swap3A_886 = arith.constant 1 : i32
        %swap3A_887 = arith.index_cast %swap3A_886 : i32 to index
        %swap3A_888 = arith.index_cast %add3A_854 : i32 to index
        %swap3A_889 = arith.constant 32 : index
        %swap3A_890 = tpu.vector_load %arg16[%swap3A_887, %swap3A_888, %swap3A_889] {strides = array<i32>} : memref<2x64x64xf32, #tpu.memory_space<vmem>>, vector<16xf32>,
        tpu.vector_store %arg16[%swap3A_887, %swap3A_888, %swap3A_889], %mul3A_885 {strides = array<i32>} : memref<2x64x64xf32, #tpu.memory_space<vmem>>, vector<16xf32>,
        %get3A_891 = arith.constant 1 : i32
        %get3A_892 = arith.index_cast %get3A_891 : i32 to index
        %get3A_893 = arith.index_cast %add3A_854 : i32 to index
        %get3A_894 = arith.constant 48 : index
        %get3A_895 = tpu.vector_load %arg15[%get3A_892, %get3A_893, %get3A_894] {strides = array<i32>} : memref<2x64x64xf32, #tpu.memory_space<vmem>>, vector<16xf32>,
        %mul3A_896 = arith.mulf %get3A_895, %broadcast_in_dim3A_857 : vector<16xf32>
        %swap3A_897 = arith.constant 1 : i32
        %swap3A_898 = arith.index_cast %swap3A_897 : i32 to index
        %swap3A_899 = arith.index_cast %add3A_854 : i32 to index
        %swap3A_900 = arith.constant 48 : index
        %swap3A_901 = tpu.vector_load %arg16[%swap3A_898, %swap3A_899, %swap3A_900] {strides = array<i32>} : memref<2x64x64xf32, #tpu.memory_space<vmem>>, vector<16xf32>,
        tpu.vector_store %arg16[%swap3A_898, %swap3A_899, %swap3A_900], %mul3A_896 {strides = array<i32>} : memref<2x64x64xf32, #tpu.memory_space<vmem>>, vector<16xf32>,
        %mul3A_902 = arith.constant 16 : i32
        %mul3A_903 = arith.muli %scan3A_389, %mul3A_902 : i32
        %add3A_904 = arith.constant 10 : i32
        %add3A_905 = arith.addi %mul3A_903, %add3A_904 : i32
        %slice3A_906 = vector.extract_strided_slice %get3A_395 {offsets = [10], sizes = [1], strides = [1]} : vector<16xf32> to vector<1xf32>
        %squeeze3A_907 = vector.extract %slice3A_906[0] : f32 from vector<1xf32>
        %broadcast_in_dim3A_908 = vector.broadcast %squeeze3A_907 : f32 to vector<16xf32>
        %get3A_909 = arith.constant 1 : i32
        %get3A_910 = arith.index_cast %get3A_909 : i32 to index
        %get3A_911 = arith.index_cast %add3A_905 : i32 to index
        %get3A_912 = arith.constant 0 : index
        %get3A_913 = tpu.vector_load %arg15[%get3A_910, %get3A_911, %get3A_912] {strides = array<i32>} : memref<2x64x64xf32, #tpu.memory_space<vmem>>, vector<16xf32>,
        %mul3A_914 = arith.mulf %get3A_913, %broadcast_in_dim3A_908 : vector<16xf32>
        %swap3A_915 = arith.constant 1 : i32
        %swap3A_916 = arith.index_cast %swap3A_915 : i32 to index
        %swap3A_917 = arith.index_cast %add3A_905 : i32 to index
        %swap3A_918 = arith.constant 0 : index
        %swap3A_919 = tpu.vector_load %arg16[%swap3A_916, %swap3A_917, %swap3A_918] {strides = array<i32>} : memref<2x64x64xf32, #tpu.memory_space<vmem>>, vector<16xf32>,
        tpu.vector_store %arg16[%swap3A_916, %swap3A_917, %swap3A_918], %mul3A_914 {strides = array<i32>} : memref<2x64x64xf32, #tpu.memory_space<vmem>>, vector<16xf32>,
        %get3A_920 = arith.constant 1 : i32
        %get3A_921 = arith.index_cast %get3A_920 : i32 to index
        %get3A_922 = arith.index_cast %add3A_905 : i32 to index
        %get3A_923 = arith.constant 16 : index
        %get3A_924 = tpu.vector_load %arg15[%get3A_921, %get3A_922, %get3A_923] {strides = array<i32>} : memref<2x64x64xf32, #tpu.memory_space<vmem>>, vector<16xf32>,
        %mul3A_925 = arith.mulf %get3A_924, %broadcast_in_dim3A_908 : vector<16xf32>
        %swap3A_926 = arith.constant 1 : i32
        %swap3A_927 = arith.index_cast %swap3A_926 : i32 to index
        %swap3A_928 = arith.index_cast %add3A_905 : i32 to index
        %swap3A_929 = arith.constant 16 : index
        %swap3A_930 = tpu.vector_load %arg16[%swap3A_927, %swap3A_928, %swap3A_929] {strides = array<i32>} : memref<2x64x64xf32, #tpu.memory_space<vmem>>, vector<16xf32>,
        tpu.vector_store %arg16[%swap3A_927, %swap3A_928, %swap3A_929], %mul3A_925 {strides = array<i32>} : memref<2x64x64xf32, #tpu.memory_space<vmem>>, vector<16xf32>,
        %get3A_931 = arith.constant 1 : i32
        %get3A_932 = arith.index_cast %get3A_931 : i32 to index
        %get3A_933 = arith.index_cast %add3A_905 : i32 to index
        %get3A_934 = arith.constant 32 : index
        %get3A_935 = tpu.vector_load %arg15[%get3A_932, %get3A_933, %get3A_934] {strides = array<i32>} : memref<2x64x64xf32, #tpu.memory_space<vmem>>, vector<16xf32>,
        %mul3A_936 = arith.mulf %get3A_935, %broadcast_in_dim3A_908 : vector<16xf32>
        %swap3A_937 = arith.constant 1 : i32
        %swap3A_938 = arith.index_cast %swap3A_937 : i32 to index
        %swap3A_939 = arith.index_cast %add3A_905 : i32 to index
        %swap3A_940 = arith.constant 32 : index
        %swap3A_941 = tpu.vector_load %arg16[%swap3A_938, %swap3A_939, %swap3A_940] {strides = array<i32>} : memref<2x64x64xf32, #tpu.memory_space<vmem>>, vector<16xf32>,
        tpu.vector_store %arg16[%swap3A_938, %swap3A_939, %swap3A_940], %mul3A_936 {strides = array<i32>} : memref<2x64x64xf32, #tpu.memory_space<vmem>>, vector<16xf32>,
        %get3A_942 = arith.constant 1 : i32
        %get3A_943 = arith.index_cast %get3A_942 : i32 to index
        %get3A_944 = arith.index_cast %add3A_905 : i32 to index
        %get3A_945 = arith.constant 48 : index
        %get3A_946 = tpu.vector_load %arg15[%get3A_943, %get3A_944, %get3A_945] {strides = array<i32>} : memref<2x64x64xf32, #tpu.memory_space<vmem>>, vector<16xf32>,
        %mul3A_947 = arith.mulf %get3A_946, %broadcast_in_dim3A_908 : vector<16xf32>
        %swap3A_948 = arith.constant 1 : i32
        %swap3A_949 = arith.index_cast %swap3A_948 : i32 to index
        %swap3A_950 = arith.index_cast %add3A_905 : i32 to index
        %swap3A_951 = arith.constant 48 : index
        %swap3A_952 = tpu.vector_load %arg16[%swap3A_949, %swap3A_950, %swap3A_951] {strides = array<i32>} : memref<2x64x64xf32, #tpu.memory_space<vmem>>, vector<16xf32>,
        tpu.vector_store %arg16[%swap3A_949, %swap3A_950, %swap3A_951], %mul3A_947 {strides = array<i32>} : memref<2x64x64xf32, #tpu.memory_space<vmem>>, vector<16xf32>,
        %mul3A_953 = arith.constant 16 : i32
        %mul3A_954 = arith.muli %scan3A_389, %mul3A_953 : i32
        %add3A_955 = arith.constant 11 : i32
        %add3A_956 = arith.addi %mul3A_954, %add3A_955 : i32
        %slice3A_957 = vector.extract_strided_slice %get3A_395 {offsets = [11], sizes = [1], strides = [1]} : vector<16xf32> to vector<1xf32>
        %squeeze3A_958 = vector.extract %slice3A_957[0] : f32 from vector<1xf32>
        %broadcast_in_dim3A_959 = vector.broadcast %squeeze3A_958 : f32 to vector<16xf32>
        %get3A_960 = arith.constant 1 : i32
        %get3A_961 = arith.index_cast %get3A_960 : i32 to index
        %get3A_962 = arith.index_cast %add3A_956 : i32 to index
        %get3A_963 = arith.constant 0 : index
        %get3A_964 = tpu.vector_load %arg15[%get3A_961, %get3A_962, %get3A_963] {strides = array<i32>} : memref<2x64x64xf32, #tpu.memory_space<vmem>>, vector<16xf32>,
        %mul3A_965 = arith.mulf %get3A_964, %broadcast_in_dim3A_959 : vector<16xf32>
        %swap3A_966 = arith.constant 1 : i32
        %swap3A_967 = arith.index_cast %swap3A_966 : i32 to index
        %swap3A_968 = arith.index_cast %add3A_956 : i32 to index
        %swap3A_969 = arith.constant 0 : index
        %swap3A_970 = tpu.vector_load %arg16[%swap3A_967, %swap3A_968, %swap3A_969] {strides = array<i32>} : memref<2x64x64xf32, #tpu.memory_space<vmem>>, vector<16xf32>,
        tpu.vector_store %arg16[%swap3A_967, %swap3A_968, %swap3A_969], %mul3A_965 {strides = array<i32>} : memref<2x64x64xf32, #tpu.memory_space<vmem>>, vector<16xf32>,
        %get3A_971 = arith.constant 1 : i32
        %get3A_972 = arith.index_cast %get3A_971 : i32 to index
        %get3A_973 = arith.index_cast %add3A_956 : i32 to index
        %get3A_974 = arith.constant 16 : index
        %get3A_975 = tpu.vector_load %arg15[%get3A_972, %get3A_973, %get3A_974] {strides = array<i32>} : memref<2x64x64xf32, #tpu.memory_space<vmem>>, vector<16xf32>,
        %mul3A_976 = arith.mulf %get3A_975, %broadcast_in_dim3A_959 : vector<16xf32>
        %swap3A_977 = arith.constant 1 : i32
        %swap3A_978 = arith.index_cast %swap3A_977 : i32 to index
        %swap3A_979 = arith.index_cast %add3A_956 : i32 to index
        %swap3A_980 = arith.constant 16 : index
        %swap3A_981 = tpu.vector_load %arg16[%swap3A_978, %swap3A_979, %swap3A_980] {strides = array<i32>} : memref<2x64x64xf32, #tpu.memory_space<vmem>>, vector<16xf32>,
        tpu.vector_store %arg16[%swap3A_978, %swap3A_979, %swap3A_980], %mul3A_976 {strides = array<i32>} : memref<2x64x64xf32, #tpu.memory_space<vmem>>, vector<16xf32>,
        %get3A_982 = arith.constant 1 : i32
        %get3A_983 = arith.index_cast %get3A_982 : i32 to index
        %get3A_984 = arith.index_cast %add3A_956 : i32 to index
        %get3A_985 = arith.constant 32 : index
        %get3A_986 = tpu.vector_load %arg15[%get3A_983, %get3A_984, %get3A_985] {strides = array<i32>} : memref<2x64x64xf32, #tpu.memory_space<vmem>>, vector<16xf32>,
        %mul3A_987 = arith.mulf %get3A_986, %broadcast_in_dim3A_959 : vector<16xf32>
        %swap3A_988 = arith.constant 1 : i32
        %swap3A_989 = arith.index_cast %swap3A_988 : i32 to index
        %swap3A_990 = arith.index_cast %add3A_956 : i32 to index
        %swap3A_991 = arith.constant 32 : index
        %swap3A_992 = tpu.vector_load %arg16[%swap3A_989, %swap3A_990, %swap3A_991] {strides = array<i32>} : memref<2x64x64xf32, #tpu.memory_space<vmem>>, vector<16xf32>,
        tpu.vector_store %arg16[%swap3A_989, %swap3A_990, %swap3A_991], %mul3A_987 {strides = array<i32>} : memref<2x64x64xf32, #tpu.memory_space<vmem>>, vector<16xf32>,
        %get3A_993 = arith.constant 1 : i32
        %get3A_994 = arith.index_cast %get3A_993 : i32 to index
        %get3A_995 = arith.index_cast %add3A_956 : i32 to index
        %get3A_996 = arith.constant 48 : index
        %get3A_997 = tpu.vector_load %arg15[%get3A_994, %get3A_995, %get3A_996] {strides = array<i32>} : memref<2x64x64xf32, #tpu.memory_space<vmem>>, vector<16xf32>,
        %mul3A_998 = arith.mulf %get3A_997, %broadcast_in_dim3A_959 : vector<16xf32>
        %swap3A_999 = arith.constant 1 : i32
        %swap3A_1000 = arith.index_cast %swap3A_999 : i32 to index
        %swap3A_1001 = arith.index_cast %add3A_956 : i32 to index
        %swap3A_1002 = arith.constant 48 : index
        %swap3A_1003 = tpu.vector_load %arg16[%swap3A_1000, %swap3A_1001, %swap3A_1002] {strides = array<i32>} : memref<2x64x64xf32, #tpu.memory_space<vmem>>, vector<16xf32>,
        tpu.vector_store %arg16[%swap3A_1000, %swap3A_1001, %swap3A_1002], %mul3A_998 {strides = array<i32>} : memref<2x64x64xf32, #tpu.memory_space<vmem>>, vector<16xf32>,
        %mul3A_1004 = arith.constant 16 : i32
        %mul3A_1005 = arith.muli %scan3A_389, %mul3A_1004 : i32
        %add3A_1006 = arith.constant 12 : i32
        %add3A_1007 = arith.addi %mul3A_1005, %add3A_1006 : i32
        %slice3A_1008 = vector.extract_strided_slice %get3A_395 {offsets = [12], sizes = [1], strides = [1]} : vector<16xf32> to vector<1xf32>
        %squeeze3A_1009 = vector.extract %slice3A_1008[0] : f32 from vector<1xf32>
        %broadcast_in_dim3A_1010 = vector.broadcast %squeeze3A_1009 : f32 to vector<16xf32>
        %get3A_1011 = arith.constant 1 : i32
        %get3A_1012 = arith.index_cast %get3A_1011 : i32 to index
        %get3A_1013 = arith.index_cast %add3A_1007 : i32 to index
        %get3A_1014 = arith.constant 0 : index
        %get3A_1015 = tpu.vector_load %arg15[%get3A_1012, %get3A_1013, %get3A_1014] {strides = array<i32>} : memref<2x64x64xf32, #tpu.memory_space<vmem>>, vector<16xf32>,
        %mul3A_1016 = arith.mulf %get3A_1015, %broadcast_in_dim3A_1010 : vector<16xf32>
        %swap3A_1017 = arith.constant 1 : i32
        %swap3A_1018 = arith.index_cast %swap3A_1017 : i32 to index
        %swap3A_1019 = arith.index_cast %add3A_1007 : i32 to index
        %swap3A_1020 = arith.constant 0 : index
        %swap3A_1021 = tpu.vector_load %arg16[%swap3A_1018, %swap3A_1019, %swap3A_1020] {strides = array<i32>} : memref<2x64x64xf32, #tpu.memory_space<vmem>>, vector<16xf32>,
        tpu.vector_store %arg16[%swap3A_1018, %swap3A_1019, %swap3A_1020], %mul3A_1016 {strides = array<i32>} : memref<2x64x64xf32, #tpu.memory_space<vmem>>, vector<16xf32>,
        %get3A_1022 = arith.constant 1 : i32
        %get3A_1023 = arith.index_cast %get3A_1022 : i32 to index
        %get3A_1024 = arith.index_cast %add3A_1007 : i32 to index
        %get3A_1025 = arith.constant 16 : index
        %get3A_1026 = tpu.vector_load %arg15[%get3A_1023, %get3A_1024, %get3A_1025] {strides = array<i32>} : memref<2x64x64xf32, #tpu.memory_space<vmem>>, vector<16xf32>,
        %mul3A_1027 = arith.mulf %get3A_1026, %broadcast_in_dim3A_1010 : vector<16xf32>
        %swap3A_1028 = arith.constant 1 : i32
        %swap3A_1029 = arith.index_cast %swap3A_1028 : i32 to index
        %swap3A_1030 = arith.index_cast %add3A_1007 : i32 to index
        %swap3A_1031 = arith.constant 16 : index
        %swap3A_1032 = tpu.vector_load %arg16[%swap3A_1029, %swap3A_1030, %swap3A_1031] {strides = array<i32>} : memref<2x64x64xf32, #tpu.memory_space<vmem>>, vector<16xf32>,
        tpu.vector_store %arg16[%swap3A_1029, %swap3A_1030, %swap3A_1031], %mul3A_1027 {strides = array<i32>} : memref<2x64x64xf32, #tpu.memory_space<vmem>>, vector<16xf32>,
        %get3A_1033 = arith.constant 1 : i32
        %get3A_1034 = arith.index_cast %get3A_1033 : i32 to index
        %get3A_1035 = arith.index_cast %add3A_1007 : i32 to index
        %get3A_1036 = arith.constant 32 : index
        %get3A_1037 = tpu.vector_load %arg15[%get3A_1034, %get3A_1035, %get3A_1036] {strides = array<i32>} : memref<2x64x64xf32, #tpu.memory_space<vmem>>, vector<16xf32>,
        %mul3A_1038 = arith.mulf %get3A_1037, %broadcast_in_dim3A_1010 : vector<16xf32>
        %swap3A_1039 = arith.constant 1 : i32
        %swap3A_1040 = arith.index_cast %swap3A_1039 : i32 to index
        %swap3A_1041 = arith.index_cast %add3A_1007 : i32 to index
        %swap3A_1042 = arith.constant 32 : index
        %swap3A_1043 = tpu.vector_load %arg16[%swap3A_1040, %swap3A_1041, %swap3A_1042] {strides = array<i32>} : memref<2x64x64xf32, #tpu.memory_space<vmem>>, vector<16xf32>,
        tpu.vector_store %arg16[%swap3A_1040, %swap3A_1041, %swap3A_1042], %mul3A_1038 {strides = array<i32>} : memref<2x64x64xf32, #tpu.memory_space<vmem>>, vector<16xf32>,
        %get3A_1044 = arith.constant 1 : i32
        %get3A_1045 = arith.index_cast %get3A_1044 : i32 to index
        %get3A_1046 = arith.index_cast %add3A_1007 : i32 to index
        %get3A_1047 = arith.constant 48 : index
        %get3A_1048 = tpu.vector_load %arg15[%get3A_1045, %get3A_1046, %get3A_1047] {strides = array<i32>} : memref<2x64x64xf32, #tpu.memory_space<vmem>>, vector<16xf32>,
        %mul3A_1049 = arith.mulf %get3A_1048, %broadcast_in_dim3A_1010 : vector<16xf32>
        %swap3A_1050 = arith.constant 1 : i32
        %swap3A_1051 = arith.index_cast %swap3A_1050 : i32 to index
        %swap3A_1052 = arith.index_cast %add3A_1007 : i32 to index
        %swap3A_1053 = arith.constant 48 : index
        %swap3A_1054 = tpu.vector_load %arg16[%swap3A_1051, %swap3A_1052, %swap3A_1053] {strides = array<i32>} : memref<2x64x64xf32, #tpu.memory_space<vmem>>, vector<16xf32>,
        tpu.vector_store %arg16[%swap3A_1051, %swap3A_1052, %swap3A_1053], %mul3A_1049 {strides = array<i32>} : memref<2x64x64xf32, #tpu.memory_space<vmem>>, vector<16xf32>,
        %mul3A_1055 = arith.constant 16 : i32
        %mul3A_1056 = arith.muli %scan3A_389, %mul3A_1055 : i32
        %add3A_1057 = arith.constant 13 : i32
        %add3A_1058 = arith.addi %mul3A_1056, %add3A_1057 : i32
        %slice3A_1059 = vector.extract_strided_slice %get3A_395 {offsets = [13], sizes = [1], strides = [1]} : vector<16xf32> to vector<1xf32>
        %squeeze3A_1060 = vector.extract %slice3A_1059[0] : f32 from vector<1xf32>
        %broadcast_in_dim3A_1061 = vector.broadcast %squeeze3A_1060 : f32 to vector<16xf32>
        %get3A_1062 = arith.constant 1 : i32
        %get3A_1063 = arith.index_cast %get3A_1062 : i32 to index
        %get3A_1064 = arith.index_cast %add3A_1058 : i32 to index
        %get3A_1065 = arith.constant 0 : index
        %get3A_1066 = tpu.vector_load %arg15[%get3A_1063, %get3A_1064, %get3A_1065] {strides = array<i32>} : memref<2x64x64xf32, #tpu.memory_space<vmem>>, vector<16xf32>,
        %mul3A_1067 = arith.mulf %get3A_1066, %broadcast_in_dim3A_1061 : vector<16xf32>
        %swap3A_1068 = arith.constant 1 : i32
        %swap3A_1069 = arith.index_cast %swap3A_1068 : i32 to index
        %swap3A_1070 = arith.index_cast %add3A_1058 : i32 to index
        %swap3A_1071 = arith.constant 0 : index
        %swap3A_1072 = tpu.vector_load %arg16[%swap3A_1069, %swap3A_1070, %swap3A_1071] {strides = array<i32>} : memref<2x64x64xf32, #tpu.memory_space<vmem>>, vector<16xf32>,
        tpu.vector_store %arg16[%swap3A_1069, %swap3A_1070, %swap3A_1071], %mul3A_1067 {strides = array<i32>} : memref<2x64x64xf32, #tpu.memory_space<vmem>>, vector<16xf32>,
        %get3A_1073 = arith.constant 1 : i32
        %get3A_1074 = arith.index_cast %get3A_1073 : i32 to index
        %get3A_1075 = arith.index_cast %add3A_1058 : i32 to index
        %get3A_1076 = arith.constant 16 : index
        %get3A_1077 = tpu.vector_load %arg15[%get3A_1074, %get3A_1075, %get3A_1076] {strides = array<i32>} : memref<2x64x64xf32, #tpu.memory_space<vmem>>, vector<16xf32>,
        %mul3A_1078 = arith.mulf %get3A_1077, %broadcast_in_dim3A_1061 : vector<16xf32>
        %swap3A_1079 = arith.constant 1 : i32
        %swap3A_1080 = arith.index_cast %swap3A_1079 : i32 to index
        %swap3A_1081 = arith.index_cast %add3A_1058 : i32 to index
        %swap3A_1082 = arith.constant 16 : index
        %swap3A_1083 = tpu.vector_load %arg16[%swap3A_1080, %swap3A_1081, %swap3A_1082] {strides = array<i32>} : memref<2x64x64xf32, #tpu.memory_space<vmem>>, vector<16xf32>,
        tpu.vector_store %arg16[%swap3A_1080, %swap3A_1081, %swap3A_1082], %mul3A_1078 {strides = array<i32>} : memref<2x64x64xf32, #tpu.memory_space<vmem>>, vector<16xf32>,
        %get3A_1084 = arith.constant 1 : i32
        %get3A_1085 = arith.index_cast %get3A_1084 : i32 to index
        %get3A_1086 = arith.index_cast %add3A_1058 : i32 to index
        %get3A_1087 = arith.constant 32 : index
        %get3A_1088 = tpu.vector_load %arg15[%get3A_1085, %get3A_1086, %get3A_1087] {strides = array<i32>} : memref<2x64x64xf32, #tpu.memory_space<vmem>>, vector<16xf32>,
        %mul3A_1089 = arith.mulf %get3A_1088, %broadcast_in_dim3A_1061 : vector<16xf32>
        %swap3A_1090 = arith.constant 1 : i32
        %swap3A_1091 = arith.index_cast %swap3A_1090 : i32 to index
        %swap3A_1092 = arith.index_cast %add3A_1058 : i32 to index
        %swap3A_1093 = arith.constant 32 : index
        %swap3A_1094 = tpu.vector_load %arg16[%swap3A_1091, %swap3A_1092, %swap3A_1093] {strides = array<i32>} : memref<2x64x64xf32, #tpu.memory_space<vmem>>, vector<16xf32>,
        tpu.vector_store %arg16[%swap3A_1091, %swap3A_1092, %swap3A_1093], %mul3A_1089 {strides = array<i32>} : memref<2x64x64xf32, #tpu.memory_space<vmem>>, vector<16xf32>,
        %get3A_1095 = arith.constant 1 : i32
        %get3A_1096 = arith.index_cast %get3A_1095 : i32 to index
        %get3A_1097 = arith.index_cast %add3A_1058 : i32 to index
        %get3A_1098 = arith.constant 48 : index
        %get3A_1099 = tpu.vector_load %arg15[%get3A_1096, %get3A_1097, %get3A_1098] {strides = array<i32>} : memref<2x64x64xf32, #tpu.memory_space<vmem>>, vector<16xf32>,
        %mul3A_1100 = arith.mulf %get3A_1099, %broadcast_in_dim3A_1061 : vector<16xf32>
        %swap3A_1101 = arith.constant 1 : i32
        %swap3A_1102 = arith.index_cast %swap3A_1101 : i32 to index
        %swap3A_1103 = arith.index_cast %add3A_1058 : i32 to index
        %swap3A_1104 = arith.constant 48 : index
        %swap3A_1105 = tpu.vector_load %arg16[%swap3A_1102, %swap3A_1103, %swap3A_1104] {strides = array<i32>} : memref<2x64x64xf32, #tpu.memory_space<vmem>>, vector<16xf32>,
        tpu.vector_store %arg16[%swap3A_1102, %swap3A_1103, %swap3A_1104], %mul3A_1100 {strides = array<i32>} : memref<2x64x64xf32, #tpu.memory_space<vmem>>, vector<16xf32>,
        %mul3A_1106 = arith.constant 16 : i32
        %mul3A_1107 = arith.muli %scan3A_389, %mul3A_1106 : i32
        %add3A_1108 = arith.constant 14 : i32
        %add3A_1109 = arith.addi %mul3A_1107, %add3A_1108 : i32
        %slice3A_1110 = vector.extract_strided_slice %get3A_395 {offsets = [14], sizes = [1], strides = [1]} : vector<16xf32> to vector<1xf32>
        %squeeze3A_1111 = vector.extract %slice3A_1110[0] : f32 from vector<1xf32>
        %broadcast_in_dim3A_1112 = vector.broadcast %squeeze3A_1111 : f32 to vector<16xf32>
        %get3A_1113 = arith.constant 1 : i32
        %get3A_1114 = arith.index_cast %get3A_1113 : i32 to index
        %get3A_1115 = arith.index_cast %add3A_1109 : i32 to index
        %get3A_1116 = arith.constant 0 : index
        %get3A_1117 = tpu.vector_load %arg15[%get3A_1114, %get3A_1115, %get3A_1116] {strides = array<i32>} : memref<2x64x64xf32, #tpu.memory_space<vmem>>, vector<16xf32>,
        %mul3A_1118 = arith.mulf %get3A_1117, %broadcast_in_dim3A_1112 : vector<16xf32>
        %swap3A_1119 = arith.constant 1 : i32
        %swap3A_1120 = arith.index_cast %swap3A_1119 : i32 to index
        %swap3A_1121 = arith.index_cast %add3A_1109 : i32 to index
        %swap3A_1122 = arith.constant 0 : index
        %swap3A_1123 = tpu.vector_load %arg16[%swap3A_1120, %swap3A_1121, %swap3A_1122] {strides = array<i32>} : memref<2x64x64xf32, #tpu.memory_space<vmem>>, vector<16xf32>,
        tpu.vector_store %arg16[%swap3A_1120, %swap3A_1121, %swap3A_1122], %mul3A_1118 {strides = array<i32>} : memref<2x64x64xf32, #tpu.memory_space<vmem>>, vector<16xf32>,
        %get3A_1124 = arith.constant 1 : i32
        %get3A_1125 = arith.index_cast %get3A_1124 : i32 to index
        %get3A_1126 = arith.index_cast %add3A_1109 : i32 to index
        %get3A_1127 = arith.constant 16 : index
        %get3A_1128 = tpu.vector_load %arg15[%get3A_1125, %get3A_1126, %get3A_1127] {strides = array<i32>} : memref<2x64x64xf32, #tpu.memory_space<vmem>>, vector<16xf32>,
        %mul3A_1129 = arith.mulf %get3A_1128, %broadcast_in_dim3A_1112 : vector<16xf32>
        %swap3A_1130 = arith.constant 1 : i32
        %swap3A_1131 = arith.index_cast %swap3A_1130 : i32 to index
        %swap3A_1132 = arith.index_cast %add3A_1109 : i32 to index
        %swap3A_1133 = arith.constant 16 : index
        %swap3A_1134 = tpu.vector_load %arg16[%swap3A_1131, %swap3A_1132, %swap3A_1133] {strides = array<i32>} : memref<2x64x64xf32, #tpu.memory_space<vmem>>, vector<16xf32>,
        tpu.vector_store %arg16[%swap3A_1131, %swap3A_1132, %swap3A_1133], %mul3A_1129 {strides = array<i32>} : memref<2x64x64xf32, #tpu.memory_space<vmem>>, vector<16xf32>,
        %get3A_1135 = arith.constant 1 : i32
        %get3A_1136 = arith.index_cast %get3A_1135 : i32 to index
        %get3A_1137 = arith.index_cast %add3A_1109 : i32 to index
        %get3A_1138 = arith.constant 32 : index
        %get3A_1139 = tpu.vector_load %arg15[%get3A_1136, %get3A_1137, %get3A_1138] {strides = array<i32>} : memref<2x64x64xf32, #tpu.memory_space<vmem>>, vector<16xf32>,
        %mul3A_1140 = arith.mulf %get3A_1139, %broadcast_in_dim3A_1112 : vector<16xf32>
        %swap3A_1141 = arith.constant 1 : i32
        %swap3A_1142 = arith.index_cast %swap3A_1141 : i32 to index
        %swap3A_1143 = arith.index_cast %add3A_1109 : i32 to index
        %swap3A_1144 = arith.constant 32 : index
        %swap3A_1145 = tpu.vector_load %arg16[%swap3A_1142, %swap3A_1143, %swap3A_1144] {strides = array<i32>} : memref<2x64x64xf32, #tpu.memory_space<vmem>>, vector<16xf32>,
        tpu.vector_store %arg16[%swap3A_1142, %swap3A_1143, %swap3A_1144], %mul3A_1140 {strides = array<i32>} : memref<2x64x64xf32, #tpu.memory_space<vmem>>, vector<16xf32>,
        %get3A_1146 = arith.constant 1 : i32
        %get3A_1147 = arith.index_cast %get3A_1146 : i32 to index
        %get3A_1148 = arith.index_cast %add3A_1109 : i32 to index
        %get3A_1149 = arith.constant 48 : index
        %get3A_1150 = tpu.vector_load %arg15[%get3A_1147, %get3A_1148, %get3A_1149] {strides = array<i32>} : memref<2x64x64xf32, #tpu.memory_space<vmem>>, vector<16xf32>,
        %mul3A_1151 = arith.mulf %get3A_1150, %broadcast_in_dim3A_1112 : vector<16xf32>
        %swap3A_1152 = arith.constant 1 : i32
        %swap3A_1153 = arith.index_cast %swap3A_1152 : i32 to index
        %swap3A_1154 = arith.index_cast %add3A_1109 : i32 to index
        %swap3A_1155 = arith.constant 48 : index
        %swap3A_1156 = tpu.vector_load %arg16[%swap3A_1153, %swap3A_1154, %swap3A_1155] {strides = array<i32>} : memref<2x64x64xf32, #tpu.memory_space<vmem>>, vector<16xf32>,
        tpu.vector_store %arg16[%swap3A_1153, %swap3A_1154, %swap3A_1155], %mul3A_1151 {strides = array<i32>} : memref<2x64x64xf32, #tpu.memory_space<vmem>>, vector<16xf32>,
        %mul3A_1157 = arith.constant 16 : i32
        %mul3A_1158 = arith.muli %scan3A_389, %mul3A_1157 : i32
        %add3A_1159 = arith.constant 15 : i32
        %add3A_1160 = arith.addi %mul3A_1158, %add3A_1159 : i32
        %slice3A_1161 = vector.extract_strided_slice %get3A_395 {offsets = [15], sizes = [1], strides = [1]} : vector<16xf32> to vector<1xf32>
        %squeeze3A_1162 = vector.extract %slice3A_1161[0] : f32 from vector<1xf32>
        %broadcast_in_dim3A_1163 = vector.broadcast %squeeze3A_1162 : f32 to vector<16xf32>
        %get3A_1164 = arith.constant 1 : i32
        %get3A_1165 = arith.index_cast %get3A_1164 : i32 to index
        %get3A_1166 = arith.index_cast %add3A_1160 : i32 to index
        %get3A_1167 = arith.constant 0 : index
        %get3A_1168 = tpu.vector_load %arg15[%get3A_1165, %get3A_1166, %get3A_1167] {strides = array<i32>} : memref<2x64x64xf32, #tpu.memory_space<vmem>>, vector<16xf32>,
        %mul3A_1169 = arith.mulf %get3A_1168, %broadcast_in_dim3A_1163 : vector<16xf32>
        %swap3A_1170 = arith.constant 1 : i32
        %swap3A_1171 = arith.index_cast %swap3A_1170 : i32 to index
        %swap3A_1172 = arith.index_cast %add3A_1160 : i32 to index
        %swap3A_1173 = arith.constant 0 : index
        %swap3A_1174 = tpu.vector_load %arg16[%swap3A_1171, %swap3A_1172, %swap3A_1173] {strides = array<i32>} : memref<2x64x64xf32, #tpu.memory_space<vmem>>, vector<16xf32>,
        tpu.vector_store %arg16[%swap3A_1171, %swap3A_1172, %swap3A_1173], %mul3A_1169 {strides = array<i32>} : memref<2x64x64xf32, #tpu.memory_space<vmem>>, vector<16xf32>,
        %get3A_1175 = arith.constant 1 : i32
        %get3A_1176 = arith.index_cast %get3A_1175 : i32 to index
        %get3A_1177 = arith.index_cast %add3A_1160 : i32 to index
        %get3A_1178 = arith.constant 16 : index
        %get3A_1179 = tpu.vector_load %arg15[%get3A_1176, %get3A_1177, %get3A_1178] {strides = array<i32>} : memref<2x64x64xf32, #tpu.memory_space<vmem>>, vector<16xf32>,
        %mul3A_1180 = arith.mulf %get3A_1179, %broadcast_in_dim3A_1163 : vector<16xf32>
        %swap3A_1181 = arith.constant 1 : i32
        %swap3A_1182 = arith.index_cast %swap3A_1181 : i32 to index
        %swap3A_1183 = arith.index_cast %add3A_1160 : i32 to index
        %swap3A_1184 = arith.constant 16 : index
        %swap3A_1185 = tpu.vector_load %arg16[%swap3A_1182, %swap3A_1183, %swap3A_1184] {strides = array<i32>} : memref<2x64x64xf32, #tpu.memory_space<vmem>>, vector<16xf32>,
        tpu.vector_store %arg16[%swap3A_1182, %swap3A_1183, %swap3A_1184], %mul3A_1180 {strides = array<i32>} : memref<2x64x64xf32, #tpu.memory_space<vmem>>, vector<16xf32>,
        %get3A_1186 = arith.constant 1 : i32
        %get3A_1187 = arith.index_cast %get3A_1186 : i32 to index
        %get3A_1188 = arith.index_cast %add3A_1160 : i32 to index
        %get3A_1189 = arith.constant 32 : index
        %get3A_1190 = tpu.vector_load %arg15[%get3A_1187, %get3A_1188, %get3A_1189] {strides = array<i32>} : memref<2x64x64xf32, #tpu.memory_space<vmem>>, vector<16xf32>,
        %mul3A_1191 = arith.mulf %get3A_1190, %broadcast_in_dim3A_1163 : vector<16xf32>
        %swap3A_1192 = arith.constant 1 : i32
        %swap3A_1193 = arith.index_cast %swap3A_1192 : i32 to index
        %swap3A_1194 = arith.index_cast %add3A_1160 : i32 to index
        %swap3A_1195 = arith.constant 32 : index
        %swap3A_1196 = tpu.vector_load %arg16[%swap3A_1193, %swap3A_1194, %swap3A_1195] {strides = array<i32>} : memref<2x64x64xf32, #tpu.memory_space<vmem>>, vector<16xf32>,
        tpu.vector_store %arg16[%swap3A_1193, %swap3A_1194, %swap3A_1195], %mul3A_1191 {strides = array<i32>} : memref<2x64x64xf32, #tpu.memory_space<vmem>>, vector<16xf32>,
        %get3A_1197 = arith.constant 1 : i32
        %get3A_1198 = arith.index_cast %get3A_1197 : i32 to index
        %get3A_1199 = arith.index_cast %add3A_1160 : i32 to index
        %get3A_1200 = arith.constant 48 : index
        %get3A_1201 = tpu.vector_load %arg15[%get3A_1198, %get3A_1199, %get3A_1200] {strides = array<i32>} : memref<2x64x64xf32, #tpu.memory_space<vmem>>, vector<16xf32>,
        %mul3A_1202 = arith.mulf %get3A_1201, %broadcast_in_dim3A_1163 : vector<16xf32>
        %swap3A_1203 = arith.constant 1 : i32
        %swap3A_1204 = arith.index_cast %swap3A_1203 : i32 to index
        %swap3A_1205 = arith.index_cast %add3A_1160 : i32 to index
        %swap3A_1206 = arith.constant 48 : index
        %swap3A_1207 = tpu.vector_load %arg16[%swap3A_1204, %swap3A_1205, %swap3A_1206] {strides = array<i32>} : memref<2x64x64xf32, #tpu.memory_space<vmem>>, vector<16xf32>,
        tpu.vector_store %arg16[%swap3A_1204, %swap3A_1205, %swap3A_1206], %mul3A_1202 {strides = array<i32>} : memref<2x64x64xf32, #tpu.memory_space<vmem>>, vector<16xf32>,
        %scan3A_1208 = arith.constant 0 : i32
        scf.yield %scan3A_1208 : i32
      }
      %scan3A_366 = arith.constant 4 : i32
      %add3A_367 = arith.addi %mul3A_2, %mul3A_302 : i32
      %dma_start3A_368 = arith.constant 1 : i32
      %dma_start3A_369 = arith.constant 0 : i32
      %dma_start3A_370 = arith.constant 0 : i32
      %dma_start3A_371 = tpu.memref_slice %arg16[%dma_start3A_368, %dma_start3A_369, %dma_start3A_370] : memref<2x64x64xf32, #tpu.memory_space<vmem>> -> memref<1x64x64xf32, #tpu.memory_space<vmem>>
      %dma_start3A_372 = tpu.memref_squeeze %dma_start3A_371 : memref<1x64x64xf32, #tpu.memory_space<vmem>> -> memref<64x64xf32, #tpu.memory_space<vmem>>
      %dma_start3A_373 = arith.constant 0 : i32
      %dma_start3A_374 = tpu.memref_slice %arg8[%add3A_367, %dma_start3A_373] : memref<106496x64xf32, #tpu.memory_space<hbm>> -> memref<64x64xf32, #tpu.memory_space<hbm>>
      %dma_start3A_375 = arith.constant 0 : i32
      %dma_start3A_376 = tpu.memref_slice %arg8[%add3A_367, %dma_start3A_375] : memref<106496x64xf32, #tpu.memory_space<hbm>> -> memref<64x64xf32, #tpu.memory_space<hbm>>
      %dma_start3A_377 = arith.constant 0 : i32
      %dma_start3A_378 = arith.constant 0 : i32
      %dma_start3A_379 = tpu.memref_slice %arg16[%dma_start3A_368, %dma_start3A_377, %dma_start3A_378] : memref<2x64x64xf32, #tpu.memory_space<vmem>> -> memref<1x64x64xf32, #tpu.memory_space<vmem>>
      %dma_start3A_380 = tpu.memref_squeeze %dma_start3A_379 : memref<1x64x64xf32, #tpu.memory_space<vmem>> -> memref<64x64xf32, #tpu.memory_space<vmem>>
      tpu.enqueue_dma source(%dma_start3A_380 : memref<64x64xf32, #tpu.memory_space<vmem>>) target(%dma_start3A_376 : memref<64x64xf32, #tpu.memory_space<hbm>>) target_semaphore(%arg21 : memref<!tpu.dma_semaphore, #tpu.memory_space<semaphore_mem>>)
      %add3A_381 = arith.constant 2 : i32
      %add3A_382 = arith.addi %add3A_300, %add3A_381 : i32
      %lt3A_383 = arith.constant 52 : i32
      %lt3A_384 = arith.cmpi slt, %add3A_382, %lt3A_383 : i32
      %convert_element_type3A_385 = arith.extui %lt3A_384 : i1 to i32
      %cond3A_386 = arith.constant 0 : i32
      %cond3A_387 = arith.cmpi ne, %convert_element_type3A_385, %cond3A_386 : i32
      scf.if %cond3A_387 {
        %add3A_389 = arith.constant 2 : i32
        %add3A_390 = arith.addi %add3A_300, %add3A_389 : i32
        %mul3A_391 = arith.constant 64 : i32
        %mul3A_392 = arith.muli %add3A_390, %mul3A_391 : i32
        %add3A_393 = arith.constant 0 : i32
        %add3A_394 = arith.addi %mul3A_392, %add3A_393 : i32
        %get3A_395 = arith.index_cast %add3A_394 : i32 to index
        %get3A_396 = tpu.vector_load %arg9[%get3A_395] {strides = array<i32>} : memref<3328xi32, #tpu.memory_space<vmem>>, vector<16xi32>,
        %dma_start3A_397 = arith.constant 1 : i32
        %dma_start3A_398 = arith.constant 0 : i32
        %dma_start3A_399 = arith.constant 0 : i32
        %dma_start3A_400 = tpu.memref_slice %arg15[%dma_start3A_397, %dma_start3A_398, %dma_start3A_399] : memref<2x64x64xf32, #tpu.memory_space<vmem>> -> memref<1x64x64xf32, #tpu.memory_space<vmem>>
        %dma_start3A_401 = tpu.memref_squeeze %dma_start3A_400 : memref<1x64x64xf32, #tpu.memory_space<vmem>> -> memref<64x64xf32, #tpu.memory_space<vmem>>
        %dma_start3A_402 = arith.constant 0 : i32
        %dma_start3A_403 = arith.constant 0 : i32
        %dma_start3A_404 = tpu.memref_slice %dma_start3A_401[%dma_start3A_402, %dma_start3A_403] : memref<64x64xf32, #tpu.memory_space<vmem>> -> memref<16x64xf32, #tpu.memory_space<vmem>>
        %dma_start3A_405 = arith.constant 0 : i32
        %dma_start3A_406 = arith.constant 0 : i32
        %dma_start3A_407 = tpu.memref_slice %arg5[%dma_start3A_405, %dma_start3A_406] : memref<1000001x64xf32, #tpu.memory_space<hbm>> -> memref<1000001x64xf32, #tpu.memory_space<hbm>>
        tpu.enqueue_indirect_dma source(%dma_start3A_407 : memref<1000001x64xf32, #tpu.memory_space<hbm>>) target(%dma_start3A_404 : memref<16x64xf32, #tpu.memory_space<vmem>>) offsets(%get3A_396 : vector<16xi32>) semaphore(%arg19 : memref<!tpu.dma_semaphore, #tpu.memory_space<semaphore_mem>>)
        %mul3A_408 = arith.constant 64 : i32
        %mul3A_409 = arith.muli %add3A_390, %mul3A_408 : i32
        %add3A_410 = arith.constant 16 : i32
        %add3A_411 = arith.addi %mul3A_409, %add3A_410 : i32
        %get3A_412 = arith.index_cast %add3A_411 : i32 to index
        %get3A_413 = tpu.vector_load %arg9[%get3A_412] {strides = array<i32>} : memref<3328xi32, #tpu.memory_space<vmem>>, vector<16xi32>,
        %dma_start3A_414 = arith.constant 1 : i32
        %dma_start3A_415 = arith.constant 0 : i32
        %dma_start3A_416 = arith.constant 0 : i32
        %dma_start3A_417 = tpu.memref_slice %arg15[%dma_start3A_414, %dma_start3A_415, %dma_start3A_416] : memref<2x64x64xf32, #tpu.memory_space<vmem>> -> memref<1x64x64xf32, #tpu.memory_space<vmem>>
        %dma_start3A_418 = tpu.memref_squeeze %dma_start3A_417 : memref<1x64x64xf32, #tpu.memory_space<vmem>> -> memref<64x64xf32, #tpu.memory_space<vmem>>
        %dma_start3A_419 = arith.constant 16 : i32
        %dma_start3A_420 = arith.constant 0 : i32
        %dma_start3A_421 = tpu.memref_slice %dma_start3A_418[%dma_start3A_419, %dma_start3A_420] : memref<64x64xf32, #tpu.memory_space<vmem>> -> memref<16x64xf32, #tpu.memory_space<vmem>>
        %dma_start3A_422 = arith.constant 0 : i32
        %dma_start3A_423 = arith.constant 0 : i32
        %dma_start3A_424 = tpu.memref_slice %arg5[%dma_start3A_422, %dma_start3A_423] : memref<1000001x64xf32, #tpu.memory_space<hbm>> -> memref<1000001x64xf32, #tpu.memory_space<hbm>>
        tpu.enqueue_indirect_dma source(%dma_start3A_424 : memref<1000001x64xf32, #tpu.memory_space<hbm>>) target(%dma_start3A_421 : memref<16x64xf32, #tpu.memory_space<vmem>>) offsets(%get3A_413 : vector<16xi32>) semaphore(%arg19 : memref<!tpu.dma_semaphore, #tpu.memory_space<semaphore_mem>>)
        %mul3A_425 = arith.constant 64 : i32
        %mul3A_426 = arith.muli %add3A_390, %mul3A_425 : i32
        %add3A_427 = arith.constant 32 : i32
        %add3A_428 = arith.addi %mul3A_426, %add3A_427 : i32
        %get3A_429 = arith.index_cast %add3A_428 : i32 to index
        %get3A_430 = tpu.vector_load %arg9[%get3A_429] {strides = array<i32>} : memref<3328xi32, #tpu.memory_space<vmem>>, vector<16xi32>,
        %dma_start3A_431 = arith.constant 1 : i32
        %dma_start3A_432 = arith.constant 0 : i32
        %dma_start3A_433 = arith.constant 0 : i32
        %dma_start3A_434 = tpu.memref_slice %arg15[%dma_start3A_431, %dma_start3A_432, %dma_start3A_433] : memref<2x64x64xf32, #tpu.memory_space<vmem>> -> memref<1x64x64xf32, #tpu.memory_space<vmem>>
        %dma_start3A_435 = tpu.memref_squeeze %dma_start3A_434 : memref<1x64x64xf32, #tpu.memory_space<vmem>> -> memref<64x64xf32, #tpu.memory_space<vmem>>
        %dma_start3A_436 = arith.constant 32 : i32
        %dma_start3A_437 = arith.constant 0 : i32
        %dma_start3A_438 = tpu.memref_slice %dma_start3A_435[%dma_start3A_436, %dma_start3A_437] : memref<64x64xf32, #tpu.memory_space<vmem>> -> memref<16x64xf32, #tpu.memory_space<vmem>>
        %dma_start3A_439 = arith.constant 0 : i32
        %dma_start3A_440 = arith.constant 0 : i32
        %dma_start3A_441 = tpu.memref_slice %arg5[%dma_start3A_439, %dma_start3A_440] : memref<1000001x64xf32, #tpu.memory_space<hbm>> -> memref<1000001x64xf32, #tpu.memory_space<hbm>>
        tpu.enqueue_indirect_dma source(%dma_start3A_441 : memref<1000001x64xf32, #tpu.memory_space<hbm>>) target(%dma_start3A_438 : memref<16x64xf32, #tpu.memory_space<vmem>>) offsets(%get3A_430 : vector<16xi32>) semaphore(%arg19 : memref<!tpu.dma_semaphore, #tpu.memory_space<semaphore_mem>>)
        %mul3A_442 = arith.constant 64 : i32
        %mul3A_443 = arith.muli %add3A_390, %mul3A_442 : i32
        %add3A_444 = arith.constant 48 : i32
        %add3A_445 = arith.addi %mul3A_443, %add3A_444 : i32
        %get3A_446 = arith.index_cast %add3A_445 : i32 to index
        %get3A_447 = tpu.vector_load %arg9[%get3A_446] {strides = array<i32>} : memref<3328xi32, #tpu.memory_space<vmem>>, vector<16xi32>,
        %dma_start3A_448 = arith.constant 1 : i32
        %dma_start3A_449 = arith.constant 0 : i32
        %dma_start3A_450 = arith.constant 0 : i32
        %dma_start3A_451 = tpu.memref_slice %arg15[%dma_start3A_448, %dma_start3A_449, %dma_start3A_450] : memref<2x64x64xf32, #tpu.memory_space<vmem>> -> memref<1x64x64xf32, #tpu.memory_space<vmem>>
        %dma_start3A_452 = tpu.memref_squeeze %dma_start3A_451 : memref<1x64x64xf32, #tpu.memory_space<vmem>> -> memref<64x64xf32, #tpu.memory_space<vmem>>
        %dma_start3A_453 = arith.constant 48 : i32
        %dma_start3A_454 = arith.constant 0 : i32
        %dma_start3A_455 = tpu.memref_slice %dma_start3A_452[%dma_start3A_453, %dma_start3A_454] : memref<64x64xf32, #tpu.memory_space<vmem>> -> memref<16x64xf32, #tpu.memory_space<vmem>>
        %dma_start3A_456 = arith.constant 0 : i32
        %dma_start3A_457 = arith.constant 0 : i32
        %dma_start3A_458 = tpu.memref_slice %arg5[%dma_start3A_456, %dma_start3A_457] : memref<1000001x64xf32, #tpu.memory_space<hbm>> -> memref<1000001x64xf32, #tpu.memory_space<hbm>>
        tpu.enqueue_indirect_dma source(%dma_start3A_458 : memref<1000001x64xf32, #tpu.memory_space<hbm>>) target(%dma_start3A_455 : memref<16x64xf32, #tpu.memory_space<vmem>>) offsets(%get3A_447 : vector<16xi32>) semaphore(%arg19 : memref<!tpu.dma_semaphore, #tpu.memory_space<semaphore_mem>>)
      } else {
      }
      %scan3A_388 = arith.constant 0 : i32
      scf.yield %scan3A_388 : i32
    }
    %scan3A_141 = arith.constant 26 : i32
    %dma_wait3A = arith.constant 0 : i32
    %dma_wait3A_142 = arith.constant 0 : i32
    %dma_wait3A_143 = arith.constant 0 : i32
    %dma_wait3A_144 = tpu.memref_slice %arg16[%dma_wait3A, %dma_wait3A_142, %dma_wait3A_143] : memref<2x64x64xf32, #tpu.memory_space<vmem>> -> memref<1x64x64xf32, #tpu.memory_space<vmem>>
    %dma_wait3A_145 = tpu.memref_squeeze %dma_wait3A_144 : memref<1x64x64xf32, #tpu.memory_space<vmem>> -> memref<64x64xf32, #tpu.memory_space<vmem>>
    %dma_wait3A_146 = arith.constant 0 : i32
    %dma_wait3A_147 = tpu.memref_slice %arg8[%mul3A_2, %dma_wait3A_146] : memref<106496x64xf32, #tpu.memory_space<hbm>> -> memref<64x64xf32, #tpu.memory_space<hbm>>
    %dma_wait3A_148 = arith.constant 0 : i32
    %dma_wait3A_149 = tpu.memref_slice %arg8[%mul3A_2, %dma_wait3A_148] : memref<106496x64xf32, #tpu.memory_space<hbm>> -> memref<64x64xf32, #tpu.memory_space<hbm>>
    %dma_wait3A_150 = arith.constant 0 : i32
    %dma_wait3A_151 = arith.constant 0 : i32
    %dma_wait3A_152 = tpu.memref_slice %arg16[%dma_wait3A, %dma_wait3A_150, %dma_wait3A_151] : memref<2x64x64xf32, #tpu.memory_space<vmem>> -> memref<1x64x64xf32, #tpu.memory_space<vmem>>
    %dma_wait3A_153 = tpu.memref_squeeze %dma_wait3A_152 : memref<1x64x64xf32, #tpu.memory_space<vmem>> -> memref<64x64xf32, #tpu.memory_space<vmem>>
    tpu.wait_dma2 semaphore(%arg20 : memref<!tpu.dma_semaphore, #tpu.memory_space<semaphore_mem>>) src(%dma_wait3A_153 : memref<64x64xf32, #tpu.memory_space<vmem>>) dst(%dma_wait3A_149 : memref<64x64xf32, #tpu.memory_space<hbm>>)
    %dma_wait3A_154 = arith.constant 1 : i32
    %dma_wait3A_155 = arith.constant 0 : i32
    %dma_wait3A_156 = arith.constant 0 : i32
    %dma_wait3A_157 = tpu.memref_slice %arg16[%dma_wait3A_154, %dma_wait3A_155, %dma_wait3A_156] : memref<2x64x64xf32, #tpu.memory_space<vmem>> -> memref<1x64x64xf32, #tpu.memory_space<vmem>>
    %dma_wait3A_158 = tpu.memref_squeeze %dma_wait3A_157 : memref<1x64x64xf32, #tpu.memory_space<vmem>> -> memref<64x64xf32, #tpu.memory_space<vmem>>
    %dma_wait3A_159 = arith.constant 0 : i32
    %dma_wait3A_160 = tpu.memref_slice %arg8[%mul3A_2, %dma_wait3A_159] : memref<106496x64xf32, #tpu.memory_space<hbm>> -> memref<64x64xf32, #tpu.memory_space<hbm>>
    %dma_wait3A_161 = arith.constant 0 : i32
    %dma_wait3A_162 = tpu.memref_slice %arg8[%mul3A_2, %dma_wait3A_161] : memref<106496x64xf32, #tpu.memory_space<hbm>> -> memref<64x64xf32, #tpu.memory_space<hbm>>
    %dma_wait3A_163 = arith.constant 0 : i32
    %dma_wait3A_164 = arith.constant 0 : i32
    %dma_wait3A_165 = tpu.memref_slice %arg16[%dma_wait3A_154, %dma_wait3A_163, %dma_wait3A_164] : memref<2x64x64xf32, #tpu.memory_space<vmem>> -> memref<1x64x64xf32, #tpu.memory_space<vmem>>
    %dma_wait3A_166 = tpu.memref_squeeze %dma_wait3A_165 : memref<1x64x64xf32, #tpu.memory_space<vmem>> -> memref<64x64xf32, #tpu.memory_space<vmem>>
    tpu.wait_dma2 semaphore(%arg21 : memref<!tpu.dma_semaphore, #tpu.memory_space<semaphore_mem>>) src(%dma_wait3A_166 : memref<64x64xf32, #tpu.memory_space<vmem>>) dst(%dma_wait3A_162 : memref<64x64xf32, #tpu.memory_space<hbm>>)
    %add3A_167 = arith.constant 64 : i32
    %add3A_168 = arith.addi %scan3A_7, %add3A_167 : i32
    %sub3A_169 = arith.constant 1 : i32
    %sub3A_170 = arith.subi %add3A_168, %sub3A_169 : i32
    %jit3A_171 = arith.constant 64 : i32
    %div3A_172 = arith.divsi %sub3A_170, %jit3A_171 : i32
    %sign3A_173 = arith.constant 0 : i32
    %sign3A_174 = arith.cmpi sgt, %sub3A_170, %sign3A_173 : i32
    %sign3A_175 = arith.extui %sign3A_174 : i1 to i32
    %sign3A_176 = arith.constant 0 : i32
    %sign3A_177 = arith.cmpi slt, %sub3A_170, %sign3A_176 : i32
    %sign3A_178 = arith.extui %sign3A_177 : i1 to i32
    %sign3A_179 = arith.subi %sign3A_175, %sign3A_178 : i32
    %sign3A_180 = arith.constant 0 : i32
    %sign3A_181 = arith.cmpi sgt, %jit3A_171, %sign3A_180 : i32
    %sign3A_182 = arith.extui %sign3A_181 : i1 to i32
    %sign3A_183 = arith.constant 0 : i32
    %sign3A_184 = arith.cmpi slt, %jit3A_171, %sign3A_183 : i32
    %sign3A_185 = arith.extui %sign3A_184 : i1 to i32
    %sign3A_186 = arith.subi %sign3A_182, %sign3A_185 : i32
    %ne3A_187 = arith.cmpi ne, %sign3A_179, %sign3A_186 : i32
    %rem3A_188 = arith.remsi %sub3A_170, %jit3A_171 : i32
    %ne3A_189 = arith.constant 0 : i32
    %ne3A_190 = arith.cmpi ne, %rem3A_188, %ne3A_189 : i32
    %and3A_191 = arith.andi %ne3A_187, %ne3A_190 : i1
    %sub3A_192 = arith.constant 1 : i32
    %sub3A_193 = arith.subi %div3A_172, %sub3A_192 : i32
    %select_n3A_194 = arith.select %and3A_191, %sub3A_193, %div3A_172 : i32
    %while3A = arith.constant 0 : i32
    %while3A_195 = arith.constant 0 : i32
    %while3A_196 = arith.subi %select_n3A_194, %while3A : i32
    %while3A_197 = arith.addi %while3A, %while3A_196 : i32
    %while3A_198 = arith.constant 1 : i32
    %while3A_199 = arith.divsi %while3A_196, %while3A_198 : i32
    %while3A_200 = arith.muli %while3A_199, %while3A_198 : i32
    %while3A_201 = arith.addi %while3A, %while3A_200 : i32
    %while3A_202 = arith.constant 1 : i32
    %while3A_203 = scf.for %while3A_206 = %while3A to %while3A_201 step %while3A_202 iter_args(%while3A_207 = %while3A_195) -> (i32)  : i32 {
      "tpu.region"() ({
        %run_scoped3A = tpu.sem_alloc : memref<!tpu.dma_semaphore, #tpu.memory_space<semaphore_mem>>
        %dma_start3A_209 = arith.constant 0 : i32
        %dma_start3A_210 = tpu.memref_slice %arg14[%while3A_206, %dma_start3A_209] : memref<52x64xi32, #tpu.memory_space<vmem>> -> memref<1x64xi32, #tpu.memory_space<vmem>>
        %dma_start3A_211 = tpu.memref_squeeze %dma_start3A_210 : memref<1x64xi32, #tpu.memory_space<vmem>> -> memref<64xi32, #tpu.memory_space<vmem>>
        %dma_start3A_212 = arith.constant 0 : i32
        %dma_start3A_213 = tpu.memref_slice %arg12[%while3A_206, %dma_start3A_212] : memref<52x64xi32, #tpu.memory_space<vmem>> -> memref<1x64xi32, #tpu.memory_space<vmem>>
        %dma_start3A_214 = tpu.memref_squeeze %dma_start3A_213 : memref<1x64xi32, #tpu.memory_space<vmem>> -> memref<64xi32, #tpu.memory_space<vmem>>
        %dma_start3A_215 = arith.constant 0 : i32
        %dma_start3A_216 = tpu.memref_slice %arg7[%dma_start3A_215] : memref<1000001xi32, #tpu.memory_space<hbm>> -> memref<1000001xi32, #tpu.memory_space<hbm>>
        tpu.enqueue_indirect_dma source(%dma_start3A_216 : memref<1000001xi32, #tpu.memory_space<hbm>>) target(%dma_start3A_211 : memref<64xi32, #tpu.memory_space<vmem>>) offsets(%dma_start3A_214 : memref<64xi32, #tpu.memory_space<vmem>>) semaphore(%run_scoped3A : memref<!tpu.dma_semaphore, #tpu.memory_space<semaphore_mem>>)
        %dma_wait3A_217 = arith.constant 0 : i32
        %dma_wait3A_218 = tpu.memref_slice %arg14[%while3A_206, %dma_wait3A_217] : memref<52x64xi32, #tpu.memory_space<vmem>> -> memref<1x64xi32, #tpu.memory_space<vmem>>
        %dma_wait3A_219 = tpu.memref_squeeze %dma_wait3A_218 : memref<1x64xi32, #tpu.memory_space<vmem>> -> memref<64xi32, #tpu.memory_space<vmem>>
        %dma_wait3A_220 = arith.constant 0 : i32
        %dma_wait3A_221 = tpu.memref_slice %arg12[%while3A_206, %dma_wait3A_220] : memref<52x64xi32, #tpu.memory_space<vmem>> -> memref<1x64xi32, #tpu.memory_space<vmem>>
        %dma_wait3A_222 = tpu.memref_squeeze %dma_wait3A_221 : memref<1x64xi32, #tpu.memory_space<vmem>> -> memref<64xi32, #tpu.memory_space<vmem>>
        %dma_wait3A_223 = arith.constant 0 : i32
        %dma_wait3A_224 = tpu.memref_slice %arg7[%dma_wait3A_223] : memref<1000001xi32, #tpu.memory_space<hbm>> -> memref<1000001xi32, #tpu.memory_space<hbm>>
        tpu.wait_indirect_dma semaphore(%run_scoped3A : memref<!tpu.dma_semaphore, #tpu.memory_space<semaphore_mem>>) src(%dma_wait3A_224 : memref<1000001xi32, #tpu.memory_space<hbm>>) dst(%dma_wait3A_219 : memref<64xi32, #tpu.memory_space<vmem>>)
        tpu.yield
      }) : () -> ()
      "tpu.region"() ({
        %run_scoped3A = tpu.sem_alloc : memref<!tpu.dma_semaphore, #tpu.memory_space<semaphore_mem>>
        %dma_start3A_209 = arith.constant 0 : i32
        %dma_start3A_210 = tpu.memref_slice %arg14[%while3A_206, %dma_start3A_209] : memref<52x64xi32, #tpu.memory_space<vmem>> -> memref<1x64xi32, #tpu.memory_space<vmem>>
        %dma_start3A_211 = tpu.memref_squeeze %dma_start3A_210 : memref<1x64xi32, #tpu.memory_space<vmem>> -> memref<64xi32, #tpu.memory_space<vmem>>
        %dma_start3A_212 = arith.constant 0 : i32
        %dma_start3A_213 = arith.constant 0 : i32
        %dma_start3A_214 = tpu.memref_slice %arg4[%dma_start3A_212, %dma_start3A_213] : memref<10001x64xf32, #tpu.memory_space<hbm>> -> memref<10001x64xf32, #tpu.memory_space<hbm>>
        tpu.enqueue_indirect_dma source(%dma_start3A_214 : memref<10001x64xf32, #tpu.memory_space<hbm>>) target(%arg17 : memref<64x64xf32, #tpu.memory_space<vmem>>) offsets(%dma_start3A_211 : memref<64xi32, #tpu.memory_space<vmem>>) semaphore(%run_scoped3A : memref<!tpu.dma_semaphore, #tpu.memory_space<semaphore_mem>>)
        %dma_wait3A_215 = arith.constant 0 : i32
        %dma_wait3A_216 = tpu.memref_slice %arg14[%while3A_206, %dma_wait3A_215] : memref<52x64xi32, #tpu.memory_space<vmem>> -> memref<1x64xi32, #tpu.memory_space<vmem>>
        %dma_wait3A_217 = tpu.memref_squeeze %dma_wait3A_216 : memref<1x64xi32, #tpu.memory_space<vmem>> -> memref<64xi32, #tpu.memory_space<vmem>>
        %dma_wait3A_218 = arith.constant 0 : i32
        %dma_wait3A_219 = arith.constant 0 : i32
        %dma_wait3A_220 = tpu.memref_slice %arg4[%dma_wait3A_218, %dma_wait3A_219] : memref<10001x64xf32, #tpu.memory_space<hbm>> -> memref<10001x64xf32, #tpu.memory_space<hbm>>
        tpu.wait_indirect_dma semaphore(%run_scoped3A : memref<!tpu.dma_semaphore, #tpu.memory_space<semaphore_mem>>) src(%dma_wait3A_220 : memref<10001x64xf32, #tpu.memory_space<hbm>>) dst(%arg17 : memref<64x64xf32, #tpu.memory_space<vmem>>)
        tpu.yield
      }) : () -> ()
      "tpu.region"() ({
        %run_scoped3A = tpu.sem_alloc : memref<!tpu.dma_semaphore, #tpu.memory_space<semaphore_mem>>
        %dma_start3A_209 = arith.constant 0 : i32
        %dma_start3A_210 = tpu.memref_slice %arg13[%while3A_206, %dma_start3A_209] : memref<52x64xi32, #tpu.memory_space<vmem>> -> memref<1x64xi32, #tpu.memory_space<vmem>>
        %dma_start3A_211 = tpu.memref_squeeze %dma_start3A_210 : memref<1x64xi32, #tpu.memory_space<vmem>> -> memref<64xi32, #tpu.memory_space<vmem>>
        %dma_start3A_212 = arith.constant 0 : i32
        %dma_start3A_213 = arith.constant 0 : i32
        %dma_start3A_214 = tpu.memref_slice %arg8[%dma_start3A_212, %dma_start3A_213] : memref<106496x64xf32, #tpu.memory_space<hbm>> -> memref<106496x64xf32, #tpu.memory_space<hbm>>
        tpu.enqueue_indirect_dma source(%arg17 : memref<64x64xf32, #tpu.memory_space<vmem>>) target(%dma_start3A_214 : memref<106496x64xf32, #tpu.memory_space<hbm>>) offsets(%dma_start3A_211 : memref<64xi32, #tpu.memory_space<vmem>>) semaphore(%run_scoped3A : memref<!tpu.dma_semaphore, #tpu.memory_space<semaphore_mem>>)
        %dma_wait3A_215 = arith.constant 0 : i32
        %dma_wait3A_216 = tpu.memref_slice %arg13[%while3A_206, %dma_wait3A_215] : memref<52x64xi32, #tpu.memory_space<vmem>> -> memref<1x64xi32, #tpu.memory_space<vmem>>
        %dma_wait3A_217 = tpu.memref_squeeze %dma_wait3A_216 : memref<1x64xi32, #tpu.memory_space<vmem>> -> memref<64xi32, #tpu.memory_space<vmem>>
        %dma_wait3A_218 = arith.constant 0 : i32
        %dma_wait3A_219 = arith.constant 0 : i32
        %dma_wait3A_220 = tpu.memref_slice %arg8[%dma_wait3A_218, %dma_wait3A_219] : memref<106496x64xf32, #tpu.memory_space<hbm>> -> memref<106496x64xf32, #tpu.memory_space<hbm>>
        tpu.wait_indirect_dma semaphore(%run_scoped3A : memref<!tpu.dma_semaphore, #tpu.memory_space<semaphore_mem>>) src(%arg17 : memref<64x64xf32, #tpu.memory_space<vmem>>) dst(%dma_wait3A_220 : memref<106496x64xf32, #tpu.memory_space<hbm>>)
        tpu.yield
      }) : () -> ()
      %while3A_208 = arith.constant 0 : i32
      scf.yield %while3A_208 : i32
    }
    %while3A_204 = arith.constant 1 : i32
    %while3A_205 = scf.for %while3A_206 = %while3A_201 to %while3A_197 step %while3A_204 iter_args(%while3A_207 = %while3A_203) -> (i32)  : i32 {
      "tpu.region"() ({
        %run_scoped3A = tpu.sem_alloc : memref<!tpu.dma_semaphore, #tpu.memory_space<semaphore_mem>>
        %dma_start3A_209 = arith.constant 0 : i32
        %dma_start3A_210 = tpu.memref_slice %arg14[%while3A_206, %dma_start3A_209] : memref<52x64xi32, #tpu.memory_space<vmem>> -> memref<1x64xi32, #tpu.memory_space<vmem>>
        %dma_start3A_211 = tpu.memref_squeeze %dma_start3A_210 : memref<1x64xi32, #tpu.memory_space<vmem>> -> memref<64xi32, #tpu.memory_space<vmem>>
        %dma_start3A_212 = arith.constant 0 : i32
        %dma_start3A_213 = tpu.memref_slice %arg12[%while3A_206, %dma_start3A_212] : memref<52x64xi32, #tpu.memory_space<vmem>> -> memref<1x64xi32, #tpu.memory_space<vmem>>
        %dma_start3A_214 = tpu.memref_squeeze %dma_start3A_213 : memref<1x64xi32, #tpu.memory_space<vmem>> -> memref<64xi32, #tpu.memory_space<vmem>>
        %dma_start3A_215 = arith.constant 0 : i32
        %dma_start3A_216 = tpu.memref_slice %arg7[%dma_start3A_215] : memref<1000001xi32, #tpu.memory_space<hbm>> -> memref<1000001xi32, #tpu.memory_space<hbm>>
        tpu.enqueue_indirect_dma source(%dma_start3A_216 : memref<1000001xi32, #tpu.memory_space<hbm>>) target(%dma_start3A_211 : memref<64xi32, #tpu.memory_space<vmem>>) offsets(%dma_start3A_214 : memref<64xi32, #tpu.memory_space<vmem>>) semaphore(%run_scoped3A : memref<!tpu.dma_semaphore, #tpu.memory_space<semaphore_mem>>)
        %dma_wait3A_217 = arith.constant 0 : i32
        %dma_wait3A_218 = tpu.memref_slice %arg14[%while3A_206, %dma_wait3A_217] : memref<52x64xi32, #tpu.memory_space<vmem>> -> memref<1x64xi32, #tpu.memory_space<vmem>>
        %dma_wait3A_219 = tpu.memref_squeeze %dma_wait3A_218 : memref<1x64xi32, #tpu.memory_space<vmem>> -> memref<64xi32, #tpu.memory_space<vmem>>
        %dma_wait3A_220 = arith.constant 0 : i32
        %dma_wait3A_221 = tpu.memref_slice %arg12[%while3A_206, %dma_wait3A_220] : memref<52x64xi32, #tpu.memory_space<vmem>> -> memref<1x64xi32, #tpu.memory_space<vmem>>
        %dma_wait3A_222 = tpu.memref_squeeze %dma_wait3A_221 : memref<1x64xi32, #tpu.memory_space<vmem>> -> memref<64xi32, #tpu.memory_space<vmem>>
        %dma_wait3A_223 = arith.constant 0 : i32
        %dma_wait3A_224 = tpu.memref_slice %arg7[%dma_wait3A_223] : memref<1000001xi32, #tpu.memory_space<hbm>> -> memref<1000001xi32, #tpu.memory_space<hbm>>
        tpu.wait_indirect_dma semaphore(%run_scoped3A : memref<!tpu.dma_semaphore, #tpu.memory_space<semaphore_mem>>) src(%dma_wait3A_224 : memref<1000001xi32, #tpu.memory_space<hbm>>) dst(%dma_wait3A_219 : memref<64xi32, #tpu.memory_space<vmem>>)
        tpu.yield
      }) : () -> ()
      "tpu.region"() ({
        %run_scoped3A = tpu.sem_alloc : memref<!tpu.dma_semaphore, #tpu.memory_space<semaphore_mem>>
        %dma_start3A_209 = arith.constant 0 : i32
        %dma_start3A_210 = tpu.memref_slice %arg14[%while3A_206, %dma_start3A_209] : memref<52x64xi32, #tpu.memory_space<vmem>> -> memref<1x64xi32, #tpu.memory_space<vmem>>
        %dma_start3A_211 = tpu.memref_squeeze %dma_start3A_210 : memref<1x64xi32, #tpu.memory_space<vmem>> -> memref<64xi32, #tpu.memory_space<vmem>>
        %dma_start3A_212 = arith.constant 0 : i32
        %dma_start3A_213 = arith.constant 0 : i32
        %dma_start3A_214 = tpu.memref_slice %arg4[%dma_start3A_212, %dma_start3A_213] : memref<10001x64xf32, #tpu.memory_space<hbm>> -> memref<10001x64xf32, #tpu.memory_space<hbm>>
        tpu.enqueue_indirect_dma source(%dma_start3A_214 : memref<10001x64xf32, #tpu.memory_space<hbm>>) target(%arg17 : memref<64x64xf32, #tpu.memory_space<vmem>>) offsets(%dma_start3A_211 : memref<64xi32, #tpu.memory_space<vmem>>) semaphore(%run_scoped3A : memref<!tpu.dma_semaphore, #tpu.memory_space<semaphore_mem>>)
        %dma_wait3A_215 = arith.constant 0 : i32
        %dma_wait3A_216 = tpu.memref_slice %arg14[%while3A_206, %dma_wait3A_215] : memref<52x64xi32, #tpu.memory_space<vmem>> -> memref<1x64xi32, #tpu.memory_space<vmem>>
        %dma_wait3A_217 = tpu.memref_squeeze %dma_wait3A_216 : memref<1x64xi32, #tpu.memory_space<vmem>> -> memref<64xi32, #tpu.memory_space<vmem>>
        %dma_wait3A_218 = arith.constant 0 : i32
        %dma_wait3A_219 = arith.constant 0 : i32
        %dma_wait3A_220 = tpu.memref_slice %arg4[%dma_wait3A_218, %dma_wait3A_219] : memref<10001x64xf32, #tpu.memory_space<hbm>> -> memref<10001x64xf32, #tpu.memory_space<hbm>>
        tpu.wait_indirect_dma semaphore(%run_scoped3A : memref<!tpu.dma_semaphore, #tpu.memory_space<semaphore_mem>>) src(%dma_wait3A_220 : memref<10001x64xf32, #tpu.memory_space<hbm>>) dst(%arg17 : memref<64x64xf32, #tpu.memory_space<vmem>>)
        tpu.yield
      }) : () -> ()
      "tpu.region"() ({
        %run_scoped3A = tpu.sem_alloc : memref<!tpu.dma_semaphore, #tpu.memory_space<semaphore_mem>>
        %dma_start3A_209 = arith.constant 0 : i32
        %dma_start3A_210 = tpu.memref_slice %arg13[%while3A_206, %dma_start3A_209] : memref<52x64xi32, #tpu.memory_space<vmem>> -> memref<1x64xi32, #tpu.memory_space<vmem>>
        %dma_start3A_211 = tpu.memref_squeeze %dma_start3A_210 : memref<1x64xi32, #tpu.memory_space<vmem>> -> memref<64xi32, #tpu.memory_space<vmem>>
        %dma_start3A_212 = arith.constant 0 : i32
        %dma_start3A_213 = arith.constant 0 : i32
        %dma_start3A_214 = tpu.memref_slice %arg8[%dma_start3A_212, %dma_start3A_213] : memref<106496x64xf32, #tpu.memory_space<hbm>> -> memref<106496x64xf32, #tpu.memory_space<hbm>>
        tpu.enqueue_indirect_dma source(%arg17 : memref<64x64xf32, #tpu.memory_space<vmem>>) target(%dma_start3A_214 : memref<106496x64xf32, #tpu.memory_space<hbm>>) offsets(%dma_start3A_211 : memref<64xi32, #tpu.memory_space<vmem>>) semaphore(%run_scoped3A : memref<!tpu.dma_semaphore, #tpu.memory_space<semaphore_mem>>)
        %dma_wait3A_215 = arith.constant 0 : i32
        %dma_wait3A_216 = tpu.memref_slice %arg13[%while3A_206, %dma_wait3A_215] : memref<52x64xi32, #tpu.memory_space<vmem>> -> memref<1x64xi32, #tpu.memory_space<vmem>>
        %dma_wait3A_217 = tpu.memref_squeeze %dma_wait3A_216 : memref<1x64xi32, #tpu.memory_space<vmem>> -> memref<64xi32, #tpu.memory_space<vmem>>
        %dma_wait3A_218 = arith.constant 0 : i32
        %dma_wait3A_219 = arith.constant 0 : i32
        %dma_wait3A_220 = tpu.memref_slice %arg8[%dma_wait3A_218, %dma_wait3A_219] : memref<106496x64xf32, #tpu.memory_space<hbm>> -> memref<106496x64xf32, #tpu.memory_space<hbm>>
        tpu.wait_indirect_dma semaphore(%run_scoped3A : memref<!tpu.dma_semaphore, #tpu.memory_space<semaphore_mem>>) src(%arg17 : memref<64x64xf32, #tpu.memory_space<vmem>>) dst(%dma_wait3A_220 : memref<106496x64xf32, #tpu.memory_space<hbm>>)
        tpu.yield
      }) : () -> ()
      %while3A_208 = arith.constant 0 : i32
      scf.yield %while3A_208 : i32
    }
    return
  }
}

module attributes {stable_mosaic.version = 14 : i64} {
  func.func @_combine_body(%arg0: memref<10001x64xf32, #tpu.memory_space<vmem>>, %arg1: memref<10001x64xf32, #tpu.memory_space<vmem>>, %arg2: memref<10001x64xf32, #tpu.memory_space<vmem>>) attributes {dimension_semantics = [], scalar_prefetch = 0 : i64, scratch_operands = 0 : i64, tpu.core_type = #tpu.core_type<tc>} {
    %get3A = arith.constant 0 : index
    %get3A_0 = arith.constant 0 : index
    %get3A_1 = vector.load %arg0[%get3A, %get3A_0] : memref<10001x64xf32, #tpu.memory_space<vmem>>, vector<10001x64xf32>
    %get3A_2 = arith.constant 0 : index
    %get3A_3 = arith.constant 0 : index
    %get3A_4 = vector.load %arg1[%get3A_2, %get3A_3] : memref<10001x64xf32, #tpu.memory_space<vmem>>, vector<10001x64xf32>
    %add3A = arith.addf %get3A_1, %get3A_4 : vector<10001x64xf32>
    %swap3A = arith.constant 0 : index
    %swap3A_5 = arith.constant 0 : index
    %swap3A_6 = vector.load %arg2[%swap3A, %swap3A_5] : memref<10001x64xf32, #tpu.memory_space<vmem>>, vector<10001x64xf32>
    tpu.vector_store %arg2[%swap3A, %swap3A_5], %add3A {strides = array<i32>} : memref<10001x64xf32, #tpu.memory_space<vmem>>, vector<10001x64xf32>,
    return
  }
}

</mosaic_0001>

<sc_bundles>
// kernel: kernel.4.cloned.1.call-start
scs
__scs_entry_jumppad:
0x0: {  	(pc) =	sbr.rel $0x88, $3  }
0x1: {  	(tag) =	ssettag $0x0;
	lr =	simm.s32 $0x1  }
0x2: {  	[smem:$0x3F9B] =	sst lr;
	_ =	strace $0xD0000000  }
0x3: {  	_ = 	snop  }
0x4: {  	_ = 	snop  }
0x5: {  	_ = 	snop  }
0x6: {  	_ = 	snop  }
0x7: {  	_ = 	snop  }
__scs_overlays_trampoline_lowered:
0x8: {  	[smem:$0x3FAA] =	sst s0  }
0x9: {  	[smem:$0x3FAB] =	sst s1  }
0xa: {  	[smem:$0x3FAC] =	sst s2  }
0xb: {  	[smem:$0x3FAD] =	sst s3  }
0xc: {  	[smem:$0x3FAE] =	sst s4  }
0xd: {  	[smem:$0x3FAF] =	sst s5  }
0xe: {  	[smem:$0x3FB0] =	sst s6  }
0xf: {  	[smem:$0x3FB1] =	sst s7  }
0x10: {  	[smem:$0x3FB2] =	sst s8  }
0x11: {  	[smem:$0x3FB3] =	sst s9;
	s0 =	simm.s32 @!p0 $0x0  }
0x12: {  	s1 =	sld [smem:$0x3F99];
	s0 =	simm.s32 @p0 $0x1  }
0x13: {  	[smem:$0x3FB4] =	sst s0;
	s0 =	simm.s32 @!p1 $0x0  }
0x14: {  	s2 =	sld [smem:$0x3F98];
	s0 =	simm.s32 @p1 $0x1  }
0x15: {  	[smem:$0x3FB5] =	sst s0;
	s0 =	simm.s32 @!p2 $0x0  }
0x16: {  	s3 =	sld [smem:$0x3FDB];
	s0 =	simm.s32 @p2 $0x1  }
0x17: {  	s4 =	simm.s32 $0x1BF5;
	[smem:$0x3FB7] =	sst s0  }
0x18: {  	s0 =	sld [smem:$0x3F9A];
	_ =	swait.ge [sflag:s4], $0x0  }
0x19: {  	s7 =	sld [smem:$0x3F9B]  }
0x1a: {  	s8 =	sadd.s32 $0xFFFFE003, lr  }
0x1b: {  	s9 =	sadd.s32 $0xFFFFFEF7, lr;
	s5 =	simm.s32 $0xFFFFFFFF;
	p2 =	slt.u32 s8, $0xFFFFF086  }
0x1c: {  	p1 =	slt.u32 s9, $0xF7A;
	s5 =	simm.s32 @!p2 $0x0  }
0x1d: {  	s5 =	simm.s32 @p1 $0x1;
	p0 =	seq.s32 s7, s2  }
0x1e: {  	s7 =	smul.u32 @!p0 $0xF7A, s2;
	p2 =	seq.s32 @!p0 s5, $0x0  }
0x1f: {  	s9 =	smul.u32 $0xF7A, s1;
	s8 =	simm.s32 @!p0 $0x1BF5;
	p2 =	por !p2, p0  }
0x20: {  	[sflag:s8] =	ssyncset.s32 @!p0 $0xFFFFF086;
	s6 =	sadd.s32 @!p0 s3, s7;
	s7 =	simm.s32 @!p0 $0x108  }
0x21: {  	s3 =	sadd.s32 s3, s9;
	s6 =	sadd.s32 @!p0 $0x88, s6;
	s7 =	simm.s32 @p2 $0x1082  }
0x22: {  	[simem:s7], [sflag:s8] =	dma.local @!p0 [hbm:s6], $0xF7A  }
0x23: {  	s9 =	sor.u32 $0xD0000000, s2;
	s6 =	simm.s32 $0x108;
	_ =	swait.ge @!p0 [sflag:s8], $0x0  }
0x24: {  	s3 =	sadd.s32 $0x88, s3;
	s6 =	simm.s32 @!p1 $0x1082;
	[sflag:s4] =	ssyncset.s32 $0xFFFFF086  }
0x25: {  	[simem:s6], [sflag:s4] =	dma.local [hbm:s3], $0xF7A  }
0x26: {  	[smem:$0x3F9B] =	sst s1;
	(tag) =	ssettag s2;
	_ =	strace s9  }
0x27: {  	s1 =	sld [smem:$0x3FAB]  }
0x28: {  	s2 =	sld [smem:$0x3FAC]  }
0x29: {  	s4 =	sld [smem:$0x3FAE]  }
0x2a: {  	p0 =	seq.s32 s5, $0x0;
	s5 =	sld [smem:$0x3FAF]  }
0x2b: {  	s6 =	sld [smem:$0x3FB0]  }
0x2c: {  	s7 =	sld [smem:$0x3FB1]  }
0x2d: {  	s3 =	simm.s32 $0x108;
	s8 =	sld [smem:$0x3FB2]  }
0x2e: {  	s3 =	simm.s32 @!p0 $0x1082;
	s9 =	sld [smem:$0x3FB3]  }
0x2f: {  	lr =	sadd.s32 s0, s3;
	s0 =	sld [smem:$0x3FAA]  }
0x30: {  	s3 =	sld [smem:$0x3FAD]  }
0x31: {  	[smem:$0x3FB6] =	sst s10  }
0x32: {  	s10 =	sld [smem:$0x3FB4];
	_ =	sdelay $0x3  }
0x33: {  	p0 =	seq.s32 s10, $0x1;
	s10 =	sld [smem:$0x3FB6];
	_ =	sdelay $0x3  }
0x34: {  	[smem:$0x3FB6] =	sst s10  }
0x35: {  	s10 =	sld [smem:$0x3FB5];
	_ =	sdelay $0x3  }
0x36: {  	p1 =	seq.s32 s10, $0x1;
	s10 =	sld [smem:$0x3FB6];
	_ =	sdelay $0x3  }
0x37: {  	[smem:$0x3FB6] =	sst s10  }
0x38: {  	s10 =	sld [smem:$0x3FB7]  }
0x39: {  	_ = 	snop;
	(pc) =	sbr.ind lr, $3  }
0x3a: {  	_ = 	snop  }
0x3b: {  	_ = 	snop  }
0x3c: {  	p2 =	seq.s32 s10, $0x1;
	s10 =	sld [smem:$0x3FB6]  }
0x3d: {  	_ =	shalt  }
0x3e: {  	_ =	shalt  }
0x3f: {  	_ =	shalt  }
0x40: {  	_ =	shalt  }
0x41: {  	_ =	shalt  }
0x42: {  	_ =	shalt  }
0x43: {  	_ =	shalt  }
0x44: {  	_ =	shalt  }
0x45: {  	_ =	shalt  }
0x46: {  	_ =	shalt  }
0x47: {  	_ =	shalt  }
0x48: {  	_ =	shalt  }
0x49: {  	_ =	shalt  }
0x4a: {  	_ =	shalt  }
0x4b: {  	_ =	shalt  }
0x4c: {  	_ =	shalt  }
0x4d: {  	_ =	shalt  }
0x4e: {  	_ =	shalt  }
0x4f: {  	_ =	shalt  }
0x50: {  	_ =	shalt  }
0x51: {  	_ =	shalt  }
0x52: {  	_ =	shalt  }
0x53: {  	_ =	shalt  }
0x54: {  	_ =	shalt  }
0x55: {  	_ =	shalt  }
0x56: {  	_ =	shalt  }
0x57: {  	_ =	shalt  }
0x58: {  	_ =	shalt  }
0x59: {  	_ =	shalt  }
0x5a: {  	_ =	shalt  }
0x5b: {  	_ =	shalt  }
0x5c: {  	_ =	shalt  }
0x5d: {  	_ =	shalt  }
0x5e: {  	_ =	shalt  }
0x5f: {  	_ =	shalt  }
0x60: {  	_ =	shalt  }
0x61: {  	_ =	shalt  }
0x62: {  	_ =	shalt  }
0x63: {  	_ =	shalt  }
0x64: {  	_ =	shalt  }
0x65: {  	_ =	shalt  }
0x66: {  	_ =	shalt  }
0x67: {  	_ =	shalt  }
0x68: {  	_ =	shalt  }
0x69: {  	_ =	shalt  }
0x6a: {  	_ =	shalt  }
0x6b: {  	_ =	shalt  }
0x6c: {  	_ =	shalt  }
0x6d: {  	_ =	shalt  }
0x6e: {  	_ =	shalt  }
0x6f: {  	_ =	shalt  }
0x70: {  	_ =	shalt  }
0x71: {  	_ =	shalt  }
0x72: {  	_ =	shalt  }
0x73: {  	_ =	shalt  }
0x74: {  	_ =	shalt  }
0x75: {  	_ =	shalt  }
0x76: {  	_ =	shalt  }
0x77: {  	_ =	shalt  }
0x78: {  	_ =	shalt  }
0x79: {  	_ =	shalt  }
0x7a: {  	_ =	shalt  }
0x7b: {  	_ =	shalt  }
0x7c: {  	_ =	shalt  }
0x7d: {  	_ =	shalt  }
0x7e: {  	_ =	shalt  }
0x7f: {  	_ =	shalt  }
0x80: {  	_ =	shalt  }
0x81: {  	_ =	shalt  }
0x82: {  	_ =	shalt  }
0x83: {  	_ =	shalt  }
0x84: {  	_ =	shalt  }
0x85: {  	_ =	shalt  }
0x86: {  	_ =	shalt  }
0x87: {  	_ =	shalt  }
.Lfunc_end0:
.L_simem_size_0:
called_computation_lowered:
.L_overlay_start_0:
0x88: {  	s2 =	sld [smem:$0x3FD9]  }
0x89: {  	s3 =	sld [smem:$0x3FFE];
	_ =	sdelay $0x1  }
0x8a: {  	s1 =	srdreg.scid  }
0x8b: {  	s0 =	sand.u32 $0x1, s1  }
0x8c: {  	s17 =	sshll.u32 s0, $0xA;
	s2 =	sadd.s32 s3, s2  }
0x8d: {  	s2 =	sadd.s32 s2, s17  }
0x8e: {  	[smem:$0x3FC2] =	sst s2  }
0x8f: {  	_ = 	snop  }
0x90: {  	s2 =	sld [smem:$0x3FC4]  }
0x91: {  	s18 =	sld [smem:$0x3FD0];
	(tm) =	ssettm $0x1  }
0x92: {  	s4 =	sld [smem:$0x3FFB];
	_ =	sdelay $0x3  }
0x93: {  	_ =	strace s4  }
0x94: {  	s4 =	sld [smem:$0x3FFC];
	_ =	sdelay $0x3  }
0x95: {  	_ =	strace s4  }
0x96: {  	s4 =	sld [smem:$0x3FFD];
	_ =	sdelay $0x3  }
0x97: {  	_ =	strace s4  }
0x98: {  	_ =	strace $0x8FFFFFFF  }
0x99: {  	s19 =	sld [smem:$0x3FDB];
	_ =	sdelay $0x1  }
0x9a: {  	s5 =	simm.s32 $_scs_section_size  }
0x9b: {  	s6 =	simm.s32 $_size__tile_overlayer_lowered;
	s7 =	simm.s32 $_tile_overlayer_lowered  }
0x9c: {  	s22 =	simm.s32 $0x1BFF;
	s21 =	sshll.u32 s7, $0x1;
	s4 =	sadd.s32 s5, s19  }
0x9d: {  	s8 =	simm.s32 $0x0;
	s20 =	sshll.u32 s6, $0x1;
	s6 =	sadd.s32 s21, s4  }
0x9e: {  	[timem:s8], [sflag:s22] =	dma.local [hbm:s6], s20  }
0x9f: {  	_ =	swait.ge [sflag:s22], s20  }
0xa0: {  	s5 =	ssub.s32 $0x0, s20;
	[sflag:s22] =	ssyncset.done $0x0  }
0xa1: {  	[sflag:s22] =	ssyncadd.s32 s5;
	_ =	sdelay $0x1  }
0xa2: {  	s23 =	simm.s32 $0x1B8B  }
0xa3: {  	_ =	swait.ge [sflag:s23], $0x1  }
0xa4: {  	[sflag:s23] =	ssyncset.done $0x0  }
0xa5: {  	s25 =	simm.s32 $0x1B8E;
	s24 =	sld [smem:$0x3FFE];
	[sflag:s23] =	ssyncadd.s32 $0xFFFFFFFF  }
0xa6: {  	s26 =	simm.s32 $execute0_lowered;
	[smem:$0x3FD2] =	sst s25  }
0xa7: {  	s6 =	sshll.u32 s26, $0x1;
	_ =	strace $0x80000046;
	[dreg:$0x1] =	wrdreg $0xFFFFFFFF  }
0xa8: {  	s28 =	simm.s32 $_size_execute0_lowered;
	s4 =	sadd.s32 s4, s6;
	[dreg:$0x0] =	wrdreg $0x0  }
0xa9: {  	s6 =	sshll.u32 s28, $0x1;
	[dreg:$0x2] =	wrdreg s4  }
0xaa: {  	[dreg:$0x3] =	wrdreg s6  }
0xab: {  	[dreg:$0x4] =	wrdreg $0xC0  }
0xac: {  	_ =	task [dreg:s8], $0x5FFFF  }
0xad: {  	[dreg:$0x1] =	wrdreg $0xFFFFFFFF  }
0xae: {  	[dreg:$0x0] =	wrdreg $0x60  }
0xaf: {  	[dreg:$0x2] =	wrdreg s24  }
0xb0: {  	[dreg:$0x3] =	wrdreg s2  }
0xb1: {  	[dreg:$0x4] =	wrdreg s18  }
0xb2: {  	[dreg:$0x5] =	wrdreg $0x9  }
0xb3: {  	_ =	task.clear_ibuf [dreg:s8], $0x6FFFF;
	_ =	strace $0x90000046  }
0xb4: {  	s29 =	simm.s32 $0x9;
	_ =	strace $0x80000048  }
0xb5: {  	_ =	swait.ge [sflag:s29], $0x1  }
0xb6: {  	[sflag:s29] =	ssyncadd.s32 $0xFFFFFFFF  }
0xb7: {  	_ =	strace $0x90000048  }
0xb8: {  	_ =	sfence  }
0xb9: {  	s30 =	sld [smem:$0x0];
	_ =	sdelay $0x2  }
0xba: {  	s31 =	sshll.u32 s1, $0xD;
	s1 =	sshrl.u32 s1, $0x2  }
0xbb: {  	s3 =	sand.u32 $0x4000, s31;
	s1 =	sadd.s32 s1, s30  }
0xbc: {  	s0 =	sor.u32 s3, s0;
	s1 =	sshll.u32 s1, $0x11  }
0xbd: {  	s0 =	sor.u32 s1, s0  }
0xbe: {  	s0 =	sadd.s32 $0x8F2B, s0  }
0xbf: {  	[sflag:s0] =	ssyncadd.remote.s32 $0x1  }
0xc0: {  	_ =	sfence.sel $0xFFFF  }
0xc1: {  	[dreg:$0x0] =	wrdreg $0xFFFFFFFF;
	(pc) =	sbr.abs _section_cstart, $3  }
0xc2: {  	[dreg:$0x1] =	wrdreg $0xFFFFFFFF  }
0xc3: {  	_ =	task.clear_ibuf [dreg:s8], $0x2FFFF;
	_ =	strace $0x9FFFFFFF  }
0xc4: {  	(tm) =	ssettm $0x7FFFFFFF  }
0xc5: {  	_ =	shalt  }
tec
execute0_lowered:
.L_overlay_start_1:
0x0: {  	(tag) =	ssettag $0x1  }
0x1: {  	s0 =	rddreg [dreg:$0x0];
	s1 =	srdreg.scid  }
0x2: {  	s3 =	stileid.u32;
	s2 =	rddreg [dreg:$0x1]  }
0x3: {  	s12 =	simm.s32 $0x1A00;
	s13 =	simm.s32 $0x5;
	s14 =	simm.s32 $0x9A00  }
0x4: {  	s15 =	simm.s32 $0xA700;
	s16 =	simm.s32 $0x1;
	s21 =	simm.s32 $0xD100  }
0x5: {  	s22 =	simm.s32 $0xD500;
	s1 =	sand.u32 $0x1, s1;
	s4 =	sshll.u32 s3, $0x1  }
0x6: {  	s23 =	simm.s32 $0xD900;
	s24 =	simm.s32 $0xDD00;
	s5 =	sor.u32 s1, s4  }
0x7: {  	s25 =	simm.s32 $0xE100;
	s28 =	simm.s32 $0xF100;
	s5 =	smul.u32 $0xD00, s5  }
0x8: {  	s31 =	simm.s32 $0x40;
	s3 =	rddreg [dreg:$0x2];
	s7 =	sadd.s32 $0xF43000, s0  }
0x9: {  	s4 =	simm.s32 $0x0;
	s1 =	ssub.s32 $0x2, s1;
	s6 =	sshrl.u32 s5, $0x3  }
0xa: {  	[smem:$0x7FF] =	sst s4;
	s9 =	sshrl.u32 s1, $0x1;
	s8 =	sadd.s32 s6, s0  }
.Ltmp0:
0xb: {  	s6 =	sadd.s32 $0xA00, s0;
	s0 =	sadd.s32 $0x1AC00, s0;
	(pc) =	sbr.rel .LBB2_1-.Ltmp0, $4  }
0xc: {  	_ =	strace $0x80000047;
	[dreg:$0x4] =	wrdreg s0;
	s29 =	sadd.s32 $0x17800, s8  }
0xd: {  	s26 =	ssub.s32 s1, s9;
	s30 =	sadd.s32 $0x14400, s8;
	[dreg:$0x5] =	wrdreg s29  }
0xe: {  	v0 =	vlaneseq.u32;
	s1 =	simm.s32 $0x10100;
	s0 =	smax.u32 s26, $0x1;
	[dreg:$0x6] =	wrdreg s30  }
0xf: {  	vm0 =	vmmov $0xffff;
	v0 =	vor.u32 s5, v0;
	s26 =	simm.s32 $0x2;
	[dreg:$0x7] =	wrdreg s0;
	s0 =	simm.s32 $0x0  }
.LBB2_13:
0x10: {  	[sflag:s13] =	ssyncadd.s32 $0xFFFFF000  }
.LBB2_14:
0x11: {  	s0 =	sadd.s32 $0x1, s0;
	s8 =	rddreg [dreg:$0x7]  }
0x12: {  	p0 =	sne.s32 s0, s8  }
.Ltmp1:
0x13: {  	_ = 	snop;
	(pc) =	sbr.rel @!p0 .LBB2_15-.Ltmp1, $1  }
0x14: {  	_ =	sdelay $0x3  }
.LBB2_1:
0x15: {  	s8 =	rddreg [dreg:$0x4]  }
0x16: {  	[tilespmem:s12], [sflag:$0x5] =	stream.linear.gather [hbm4b:s8+s4], $0x8000, $0x38;
	[tilespmem:$0x11100] =	vst v63  }
0x17: {  	_ =	swait.ge [sflag:s13], $0x8000  }
0x18: {  	[sflag:s13] =	ssyncset.done $0x0  }
0x19: {  	s30 =	rddreg [dreg:$0x5];
	[sflag:s13] =	ssyncadd.s32 $0xFFFF8000  }
0x1a: {  	[tilespmem:s4], [sflag:$0x5] =	stream.linear.gather [hbm4b:s30+s4], $0xD00, $0x38;
	[tilespmem:$0x11100] =	vst v63  }
0x1b: {  	_ =	swait.ge [sflag:s13], $0xD00  }
0x1c: {  	[sflag:s13] =	ssyncset.done $0x0  }
0x1d: {  	s8 =	simm.s32 $0xD00;
	s9 =	rddreg [dreg:$0x6];
	[sflag:s13] =	ssyncadd.s32 $0xFFFFF300  }
0x1e: {  	[tilespmem:s8], [sflag:$0x5] =	stream.linear.gather [hbm4b:s9+s4], $0xD00, $0x38;
	[tilespmem:$0x11100] =	vst v63  }
0x1f: {  	_ =	swait.ge [sflag:s13], $0xD00  }
0x20: {  	[sflag:s13] =	ssyncset.done $0x0  }
0x21: {  	[sflag:s13] =	ssyncadd.s32 $0xFFFFF300  }
0x22: {  	v1 =	vld [tilespmem:s4+$0x0];
	_ =	sdelay $0x4  }
0x23: {  	v2 =	vshra.s32 v1, $0x5;
	_ =	sdelay $0x4  }
0x24: {  	v2 =	vld.idx.msk [tilespmem:v2+s12+$0x0], $0xffff;
	_ =	sdelay $0x3  }
0x25: {  	v3 =	vand.u32 $0x1F, v1  }
0x26: {  	v2 =	vshrl.u32 v2, v3  }
0x27: {  	v2 =	vand.u32 $0x1, v2  }
0x28: {  	vm1 =	veq.s32 v2, $0x1;
	(xrf0) =	vadd.scan.msk.s32 $0xffff, v2  }
0x29: {  	v3 =	vmpcnt.ones.xlane vm1;
	_ =	sdelay $0x1  }
0x2a: {  	v2 =	vmov s4;
	(v2sf) =	vpush v3, $0x0;
	v3 =	vsel vm1, $0x0, v1  }
0x2b: {  	v2 =	vadd.s32 $0xFFFFFFFF, v2;
	[tilespmem:s4+$0x0] =	vst v3  }
0x2c: {  	v2 =	vbroadcast v2, $0x0;
	v3 =	vld [tilespmem:s8+$0x0]  }
0x2d: {  	v4, _, _ =	vpop (xrf0)  }
0x2e: {  	v2 =	vadd.s32 v4, v2;
	_ =	sdelay $0x2  }
0x2f: {  	v3 =	vsel vm1, $0x0, v3  }
0x30: {  	[tilespmem:s8+$0x0] =	vst v3  }
0x31: {  	[tilespmem:v2+s14+$0x0] =	vst.idx.msk vm1, v1;
	v1 =	vadd.s32 s4, v0  }
0x32: {  	s10 =	simm.s32 $0x10;
	[tilespmem:v2+s15+$0x0] =	vst.idx.msk vm1, v1  }
0x33: {  	v1 =	vld [tilespmem:s10+$0x0];
	_ =	sdelay $0x2  }
0x34: {  	s17 =	simm.s32 $0x20  }
0x35: {  	s11 =	simm.s32 $0x0;
	s9 =	simm.s32 $0x10;
	s18 =	spop (v2sf)  }
.LBB2_2:
0x36: {  	p0 =	sne.s32 s17, $0xCF0;
	v2 =	vshra.s32 v1, $0x5;
	s11 =	sadd.s32 s11, s18;
	s8 =	sadd.s32 $0x10, s8  }
0x37: {  	s18 =	smov.u32 s17;
	s17 =	sadd.s32 $0x10, s17;
	v3 =	vmov s11  }
0x38: {  	v3 =	vadd.s32 $0xFFFFFFFF, v3;
	_ =	sdelay $0x2  }
0x39: {  	v2 =	vld.idx.msk [tilespmem:v2+s12+$0x0], $0xffff;
	_ =	sdelay $0x4  }
0x3a: {  	v4 =	vand.u32 $0x1F, v1  }
0x3b: {  	v2 =	vshrl.u32 v2, v4  }
0x3c: {  	v2 =	vand.u32 $0x1, v2  }
0x3d: {  	vm1 =	veq.s32 v2, $0x1;
	(xrf0) =	vadd.scan.msk.s32 $0xffff, v2  }
0x3e: {  	v2 =	vsel vm1, $0x0, v1;
	v4 =	vmpcnt.ones.xlane vm1  }
0x3f: {  	[tilespmem:s10+$0x0] =	vst v2  }
0x40: {  	(v2sf) =	vpush v4, $0x0;
	_ =	sdelay $0x1  }
0x41: {  	v3 =	vbroadcast v3, $0x0;
	v2 =	vld [tilespmem:s8+$0x0]  }
0x42: {  	v4, _, _ =	vpop (xrf0)  }
0x43: {  	v3 =	vadd.s32 v4, v3;
	_ =	sdelay $0x2  }
0x44: {  	v2 =	vsel vm1, $0x0, v2  }
0x45: {  	[tilespmem:s8+$0x0] =	vst v2  }
0x46: {  	[tilespmem:v3+s14+$0x0] =	vst.idx.msk vm1, v1;
	v1 =	vadd.s32 s9, v0;
	s9 =	smov.u32 s18  }
0x47: {  	s10 =	sadd.s32 $0x10, s10;
	[tilespmem:v3+s15+$0x0] =	vst.idx.msk vm1, v1  }
.Ltmp2:
0x48: {  	v1 =	vld [tilespmem:s10+$0x0];
	(pc) =	sbr.rel @p0 .LBB2_2-.Ltmp2, $2  }
0x49: {  	_ =	sdelay $0x2  }
0x4a: {  	s18 =	spop (v2sf)  }
0x4b: {  	v2 =	vshra.s32 v1, $0x5;
	_ =	sdelay $0x4  }
0x4c: {  	v2 =	vld.idx.msk [tilespmem:v2+s12+$0x0], $0xffff;
	_ =	sdelay $0x3  }
0x4d: {  	v3 =	vand.u32 $0x1F, v1  }
0x4e: {  	v2 =	vshrl.u32 v2, v3  }
0x4f: {  	v2 =	vand.u32 $0x1, v2  }
0x50: {  	vm1 =	veq.s32 v2, $0x1  }
0x51: {  	v3 =	vmpcnt.ones.xlane vm1;
	_ =	sdelay $0x1  }
0x52: {  	(v2sf) =	vpush v3, $0x0;
	_ =	sdelay $0x5  }
0x53: {  	(xrf0) =	vadd.scan.msk.s32 $0xffff, v2;
	_ =	sdelay $0x1  }
0x54: {  	s11 =	sadd.s32 s11, s18  }
0x55: {  	v2 =	vmov s11;
	v3 =	vsel vm1, $0x0, v1  }
0x56: {  	s8 =	sadd.s32 $0x10, s8;
	v2 =	vadd.s32 $0xFFFFFFFF, v2;
	[tilespmem:s10+$0x0] =	vst v3  }
0x57: {  	v2 =	vbroadcast v2, $0x0;
	v3 =	vld [tilespmem:s8+$0x0]  }
0x58: {  	v4, _, _ =	vpop (xrf0)  }
0x59: {  	v2 =	vadd.s32 v4, v2;
	_ =	sdelay $0x1  }
0x5a: {  	s17 =	spop (v2sf)  }
0x5b: {  	v3 =	vsel vm1, $0x0, v3;
	s10 =	sadd.s32 s11, s17  }
0x5c: {  	[tilespmem:s8+$0x0] =	vst v3;
	p0 =	slt.s32 s10, $0x1  }
0x5d: {  	[tilespmem:v2+s14+$0x0] =	vst.idx.msk vm1, v1;
	v1 =	vadd.s32 s9, v0;
	s8 =	sadd.s32 @!p0 $0xFFFFFFFF, s10  }
0x5e: {  	[tilespmem:v2+s15+$0x0] =	vst.idx.msk vm1, v1;
	s9 =	sand.u32 @!p0 $0xFFFFFFF0, s8  }
0x5f: {  	v1 =	vld @!p0 [tilespmem:s9+$0x9A00]  }
0x60: {  	v2 =	vld @!p0 [tilespmem:s9+$0xA700];
	_ =	sdelay $0x1  }
0x61: {  	s8 =	sand.u32 @!p0 $0xF, s8  }
0x62: {  	v4 =	vlaneseq.u32 @!p0;
	v3 =	vmov @!p0 s8  }
0x63: {  	vm1 =	veq.s32 @!p0 v3, v4;
	v1 =	vxor.u32 @!p0 $0x80000000, v1  }
0x64: {  	v2 =	vxor.u32 @!p0 $0x80000000, v2;
	v1 =	vnsel @!p0 vm1, $0x7FFFFFFF, v1  }
0x65: {  	(xrf0) =	vmax.scan.msk.u32 @!p0 $0xffff, v1;
	v1 =	vnsel @!p0 vm1, $0x7FFFFFFF, v2  }
0x66: {  	(xrf0) =	vmax.scan.msk.u32 @!p0 $0xffff, v1;
	_ =	sdelay $0x4  }
0x67: {  	v1, _, _ =	vpop @!p0 (xrf0)  }
0x68: {  	(v2sf) =	vpush @!p0 v1, $0xF;
	v1, _, _ =	vpop @!p0 (xrf0)  }
0x69: {  	(v2sf) =	vpush @!p0 v1, $0xF;
	_ =	sdelay $0x2  }
0x6a: {  	s18 =	sadd.s32 $0x3F, s10  }
0x6b: {  	s19 =	sand.u32 $0x3F, s18  }
0x6c: {  	s20 =	sshra.s32 s18, $0x1F;
	p1 =	slt.s32 s18, $0x1;
	p2 =	sne.s32 s19, $0x0  }
0x6d: {  	s30 =	sshrl.u32 s20, $0x1A;
	p1 =	por !p1, !p2  }
0x6e: {  	s8 =	sadd.s32 s30, s18;
	s9 =	simm.s32 $0x1;
	p1 =	por !p1, !p1  }
0x6f: {  	s8 =	sshra.s32 s8, $0x6;
	s9 =	simm.s32 @!p1 $0x0  }
0x70: {  	s17 =	ssub.s32 s8, s9  }
0x71: {  	s8 =	sshll.u32 @!p0 s17, $0x6;
	v1 =	vadd.s32 @!p0 s10, v4  }
0x72: {  	s9 =	sadd.s32 @!p0 $0x10, s10;
	vm1 =	vlt.s32 @!p0 v1, s8  }
0x73: {  	v2 =	vadd.s32 @!p0 s9, v4  }
0x74: {  	s9 =	sadd.s32 @!p0 $0x20, s10;
	vm2 =	vlt.s32 @!p0 v2, s8  }
0x75: {  	v3 =	vadd.s32 @!p0 s9, v4;
	s11 =	spop @!p0 (v2sf)  }
0x76: {  	vm3 =	vlt.s32 @!p0 v3, s8;
	s10 =	sadd.s32 @!p0 $0x30, s10;
	s9 =	sxor.u32 @!p0 $0x80000000, s11;
	s11 =	spop @!p0 (v2sf)  }
0x77: {  	v4 =	vadd.s32 @!p0 s10, v4;
	v5 =	vmov @!p0 s9;
	s9 =	sxor.u32 @!p0 $0x80000000, s11;
	s11 =	simm.s32 @!p0 $0x9A00  }
0x78: {  	vm4 =	vlt.s32 @!p0 v4, s8;
	v6 =	vmov @!p0 s9;
	[tilespmem:v1+s11+$0x0] =	vst.idx.msk @!p0 vm1, v5;
	s9 =	simm.s32 @!p0 $0xA700  }
0x79: {  	[tilespmem:v1+s9+$0x0] =	vst.idx.msk @!p0 vm1, v6  }
0x7a: {  	[tilespmem:v2+s11+$0x0] =	vst.idx.msk @!p0 vm2, v5  }
0x7b: {  	[tilespmem:v2+s9+$0x0] =	vst.idx.msk @!p0 vm2, v6  }
0x7c: {  	[tilespmem:v3+s11+$0x0] =	vst.idx.msk @!p0 vm3, v5  }
0x7d: {  	[tilespmem:v3+s9+$0x0] =	vst.idx.msk @!p0 vm3, v6  }
0x7e: {  	[tilespmem:v4+s11+$0x0] =	vst.idx.msk @!p0 vm4, v5  }
0x7f: {  	[tilespmem:v4+s9+$0x0] =	vst.idx.msk @!p0 vm4, v6  }
0x80: {  	v1 =	vld [tilespmem:$0x0];
	_ =	sdelay $0x6  }
0x81: {  	s18 =	simm.s32 $0x0;
	s11 =	simm.s32 $0xC100  }
0x82: {  	[tilespmem:s11], [sflag:$0x1] =	stream.indirect_vreg.gather [hbm4b:s7+s18], $0x40, v1, vm0, $0xb8;
	[tilespmem:$0x11100] =	vst v63  }
0x83: {  	v1 =	vld [tilespmem:$0x10];
	_ =	sdelay $0x6  }
0x84: {  	s19 =	simm.s32 $0xC500  }
0x85: {  	[tilespmem:s19], [sflag:$0x1] =	stream.indirect_vreg.gather [hbm4b:s7+s18], $0x40, v1, vm0, $0xb8;
	[tilespmem:$0x11100] =	vst v63  }
0x86: {  	v1 =	vld [tilespmem:$0x20];
	_ =	sdelay $0x6  }
0x87: {  	s20 =	simm.s32 $0xC900  }
0x88: {  	[tilespmem:s20], [sflag:$0x1] =	stream.indirect_vreg.gather [hbm4b:s7+s18], $0x40, v1, vm0, $0xb8;
	[tilespmem:$0x11100] =	vst v63  }
0x89: {  	v1 =	vld [tilespmem:$0x30];
	_ =	sdelay $0x6  }
0x8a: {  	s30 =	simm.s32 $0xCD00  }
0x8b: {  	[tilespmem:s30], [sflag:$0x1] =	stream.indirect_vreg.gather [hbm4b:s7+s18], $0x40, v1, vm0, $0xb8;
	[tilespmem:$0x11100] =	vst v63  }
0x8c: {  	v1 =	vld [tilespmem:$0x40];
	_ =	sdelay $0x7  }
0x8d: {  	[tilespmem:s21], [sflag:$0x2] =	stream.indirect_vreg.gather [hbm4b:s7+s18], $0x40, v1, vm0, $0xb8;
	[tilespmem:$0x11100] =	vst v63  }
0x8e: {  	v1 =	vld [tilespmem:$0x50];
	_ =	sdelay $0x7  }
0x8f: {  	[tilespmem:s22], [sflag:$0x2] =	stream.indirect_vreg.gather [hbm4b:s7+s18], $0x40, v1, vm0, $0xb8;
	[tilespmem:$0x11100] =	vst v63  }
0x90: {  	v1 =	vld [tilespmem:$0x60];
	_ =	sdelay $0x7  }
0x91: {  	[tilespmem:s23], [sflag:$0x2] =	stream.indirect_vreg.gather [hbm4b:s7+s18], $0x40, v1, vm0, $0xb8;
	[tilespmem:$0x11100] =	vst v63  }
0x92: {  	v1 =	vld [tilespmem:$0x70];
	_ =	sdelay $0x6  }
0x93: {  	s29 =	simm.s32 $0xD40;
	s19 =	simm.s32 $0xD00  }
0x94: {  	[tilespmem:s24], [sflag:$0x2] =	stream.indirect_vreg.gather [hbm4b:s7+s18], $0x40, v1, vm0, $0xb8;
	[tilespmem:$0x11100] =	vst v63  }
.LBB2_4:
0x95: {  	_ =	swait.ge [sflag:s16], $0x400  }
0x96: {  	[sflag:s16] =	ssyncset.done $0x0  }
0x97: {  	[sflag:s16] =	ssyncadd.s32 $0xFFFFFC00  }
0x98: {  	_ =	swait.ge [sflag:s16], $0x400  }
0x99: {  	[sflag:s16] =	ssyncset.done $0x0  }
0x9a: {  	[sflag:s16] =	ssyncadd.s32 $0xFFFFFC00  }
0x9b: {  	_ =	swait.ge [sflag:s16], $0x400  }
0x9c: {  	[sflag:s16] =	ssyncset.done $0x0  }
0x9d: {  	[sflag:s16] =	ssyncadd.s32 $0xFFFFFC00  }
0x9e: {  	_ =	swait.ge [sflag:s16], $0x400  }
0x9f: {  	p0 =	seq.s32 s18, $0x0;
	[sflag:s16] =	ssyncset.done $0x0  }
0xa0: {  	s8 =	simm.s32 @!p0 $0x3;
	[sflag:s16] =	ssyncadd.s32 $0xFFFFFC00  }
0xa1: {  	_ =	swait.ge @!p0 [sflag:s8], $0x1000  }
0xa2: {  	[sflag:s8] =	ssyncset.done @!p0 $0x0  }
0xa3: {  	s9 =	simm.s32 $0x0;
	[sflag:s8] =	ssyncadd.s32 @!p0 $0xFFFFF000  }
0xa4: {  	v25 =	vld [tilespmem:s9+$0xC100]  }
0xa5: {  	v26 =	vld [tilespmem:s9+$0xC110]  }
0xa6: {  	v24 =	vld [tilespmem:s9+$0xC120]  }
0xa7: {  	v23 =	vld [tilespmem:s9+$0xC130]  }
0xa8: {  	v21 =	vld [tilespmem:s9+$0xC140]  }
0xa9: {  	v22 =	vld [tilespmem:s9+$0xC150]  }
0xaa: {  	v20 =	vld [tilespmem:s9+$0xC160]  }
0xab: {  	v19 =	vld [tilespmem:s9+$0xC170]  }
0xac: {  	v17 =	vld [tilespmem:s9+$0xC180]  }
0xad: {  	v18 =	vld [tilespmem:s9+$0xC190]  }
0xae: {  	v16 =	vld [tilespmem:s9+$0xC1A0]  }
0xaf: {  	v15 =	vld [tilespmem:s9+$0xC1B0]  }
0xb0: {  	v13 =	vld [tilespmem:s9+$0xC1C0]  }
0xb1: {  	v14 =	vld [tilespmem:s9+$0xC1D0]  }
0xb2: {  	v11 =	vld [tilespmem:s9+$0xC1E0]  }
0xb3: {  	v12 =	vld [tilespmem:s9+$0xC1F0]  }
0xb4: {  	v9 =	vld [tilespmem:s9+$0xC200]  }
0xb5: {  	v10 =	vld [tilespmem:s9+$0xC210]  }
0xb6: {  	v8 =	vld [tilespmem:s9+$0xC220]  }
0xb7: {  	v7 =	vld [tilespmem:s9+$0xC230]  }
0xb8: {  	v5 =	vld [tilespmem:s9+$0xC240]  }
0xb9: {  	v6 =	vld [tilespmem:s9+$0xC250]  }
0xba: {  	v4 =	vld [tilespmem:s9+$0xC260]  }
0xbb: {  	v3 =	vld [tilespmem:s9+$0xC270]  }
0xbc: {  	v2 =	vld [tilespmem:s9+$0xC280]  }
0xbd: {  	s10 =	simm.s32 $0x1000;
	s11 =	smov.u32 s19;
	s8 =	sshll.u32 s18, $0x7;
	v1 =	vld [tilespmem:s19+$0x0]  }
.LBB2_5:
0xbe: {  	p1 =	sne.s32 s10, $0x3000;
	v27 =	vld [tilespmem:s9+$0xC290]  }
0xbf: {  	v28 =	vld [tilespmem:s9+$0xC2A0]  }
0xc0: {  	v29 =	vld [tilespmem:s9+$0xC2B0]  }
0xc1: {  	v30 =	vld [tilespmem:s9+$0xC2C0]  }
0xc2: {  	v31 =	vbroadcast v1, $0x0;
	v32 =	vbroadcast v1, $0x1;
	v33 =	vld [tilespmem:s9+$0xC2D0]  }
0xc3: {  	v34 =	vbroadcast v1, $0x2;
	v35 =	vbroadcast v1, $0x3;
	v36 =	vld [tilespmem:s9+$0xC2E0]  }
0xc4: {  	v25 =	vmul.f32 v31, v25;
	v26 =	vmul.f32 v26, v31;
	v37 =	vld [tilespmem:s9+$0xC2F0]  }
0xc5: {  	v24 =	vmul.f32 v24, v31;
	v23 =	vmul.f32 v23, v31;
	v31 =	vld [tilespmem:s9+$0xC300]  }
0xc6: {  	v21 =	vmul.f32 v21, v32;
	v22 =	vmul.f32 v22, v32;
	[tilespmem:s9+$0xE100] =	vst v25;
	v25 =	vld [tilespmem:s9+$0xC310]  }
0xc7: {  	v20 =	vmul.f32 v20, v32;
	v19 =	vmul.f32 v19, v32;
	[tilespmem:s9+$0xE110] =	vst v26;
	v26 =	vld [tilespmem:s9+$0xC320]  }
0xc8: {  	v17 =	vmul.f32 v17, v34;
	v18 =	vmul.f32 v18, v34;
	[tilespmem:s9+$0xE120] =	vst v24;
	v24 =	vld [tilespmem:s9+$0xC330]  }
0xc9: {  	v16 =	vmul.f32 v16, v34;
	v15 =	vmul.f32 v15, v34;
	[tilespmem:s9+$0xE130] =	vst v23;
	v23 =	vld [tilespmem:s9+$0xC340]  }
0xca: {  	v13 =	vmul.f32 v13, v35;
	v14 =	vmul.f32 v14, v35;
	[tilespmem:s9+$0xE140] =	vst v21;
	v21 =	vld [tilespmem:s9+$0xC350]  }
0xcb: {  	v11 =	vmul.f32 v11, v35;
	v12 =	vmul.f32 v12, v35;
	[tilespmem:s9+$0xE150] =	vst v22;
	v22 =	vld [tilespmem:s9+$0xC360]  }
0xcc: {  	v32 =	vbroadcast v1, $0x5;
	[tilespmem:s9+$0xE160] =	vst v20;
	v20 =	vbroadcast v1, $0x4;
	v34 =	vld [tilespmem:s9+$0xC370]  }
0xcd: {  	v35 =	vbroadcast v1, $0x7;
	[tilespmem:s9+$0xE170] =	vst v19;
	v19 =	vbroadcast v1, $0x6;
	v38 =	vld [tilespmem:s9+$0xC380]  }
0xce: {  	[tilespmem:s9+$0xE180] =	vst v17;
	v9 =	vmul.f32 v9, v20;
	v10 =	vmul.f32 v10, v20;
	v17 =	vld [tilespmem:s9+$0xC390]  }
0xcf: {  	v8 =	vmul.f32 v8, v20;
	v7 =	vmul.f32 v7, v20;
	[tilespmem:s9+$0xE190] =	vst v18;
	v18 =	vld [tilespmem:s9+$0xC3A0]  }
0xd0: {  	v5 =	vmul.f32 v5, v32;
	v6 =	vmul.f32 v6, v32;
	[tilespmem:s9+$0xE1A0] =	vst v16;
	v16 =	vld [tilespmem:s9+$0xC3B0]  }
0xd1: {  	v4 =	vmul.f32 v4, v32;
	v3 =	vmul.f32 v3, v32;
	[tilespmem:s9+$0xE1B0] =	vst v15;
	v15 =	vld [tilespmem:s9+$0xC3C0]  }
0xd2: {  	v2 =	vmul.f32 v2, v19;
	[tilespmem:s9+$0xE1C0] =	vst v13;
	v13 =	vmul.f32 v27, v19;
	v20 =	vld [tilespmem:s9+$0xC3D0]  }
0xd3: {  	[tilespmem:s9+$0xE1D0] =	vst v14;
	v14 =	vmul.f32 v28, v19;
	v19 =	vmul.f32 v29, v19;
	v27 =	vld [tilespmem:s9+$0xC3E0]  }
0xd4: {  	v28 =	vmul.f32 v33, v35;
	[tilespmem:s9+$0xE1E0] =	vst v11;
	v11 =	vmul.f32 v30, v35;
	v29 =	vld [tilespmem:s9+$0xC3F0]  }
0xd5: {  	v30 =	vmul.f32 v37, v35;
	[tilespmem:s9+$0xE1F0] =	vst v12;
	v12 =	vmul.f32 v36, v35;
	v32 =	vld [tilespmem:s9+$0xC400]  }
0xd6: {  	v33 =	vbroadcast v1, $0x9;
	[tilespmem:s9+$0xE200] =	vst v9;
	v9 =	vbroadcast v1, $0x8;
	v35 =	vld [tilespmem:s9+$0xC410]  }
0xd7: {  	v36 =	vbroadcast v1, $0xB;
	[tilespmem:s9+$0xE210] =	vst v10;
	v10 =	vbroadcast v1, $0xA;
	v37 =	vld [tilespmem:s9+$0xC420]  }
0xd8: {  	[tilespmem:s9+$0xE220] =	vst v8;
	v8 =	vmul.f32 v31, v9;
	v25 =	vmul.f32 v25, v9;
	v31 =	vld [tilespmem:s9+$0xC430]  }
0xd9: {  	[tilespmem:s9+$0xE230] =	vst v7;
	v7 =	vmul.f32 v26, v9;
	v9 =	vmul.f32 v24, v9;
	v24 =	vld [tilespmem:s9+$0xC440]  }
0xda: {  	v21 =	vmul.f32 v21, v33;
	[tilespmem:s9+$0xE240] =	vst v5;
	v5 =	vmul.f32 v23, v33;
	v23 =	vld [tilespmem:s9+$0xC450]  }
0xdb: {  	[tilespmem:s9+$0xE250] =	vst v6;
	v6 =	vmul.f32 v22, v33;
	v22 =	vmul.f32 v34, v33;
	v26 =	vld [tilespmem:s9+$0xC460]  }
0xdc: {  	v17 =	vmul.f32 v17, v10;
	[tilespmem:s9+$0xE260] =	vst v4;
	v4 =	vmul.f32 v38, v10;
	v33 =	vld [tilespmem:s9+$0xC470]  }
0xdd: {  	[tilespmem:s9+$0xE270] =	vst v3;
	v3 =	vmul.f32 v18, v10;
	v10 =	vmul.f32 v16, v10;
	v16 =	vld [tilespmem:s9+$0xC480]  }
0xde: {  	[tilespmem:s9+$0xE280] =	vst v2;
	v2 =	vmul.f32 v15, v36;
	v15 =	vmul.f32 v20, v36;
	v18 =	vld [tilespmem:s9+$0xC490]  }
0xdf: {  	[tilespmem:s9+$0xE290] =	vst v13;
	v13 =	vmul.f32 v27, v36;
	v27 =	vmul.f32 v29, v36;
	v20 =	vld [tilespmem:s9+$0xC4A0]  }
0xe0: {  	v29 =	vbroadcast v1, $0xD;
	[tilespmem:s9+$0xE2A0] =	vst v14;
	v14 =	vbroadcast v1, $0xC;
	v34 =	vld [tilespmem:s9+$0xC4B0]  }
0xe1: {  	[tilespmem:s9+$0xE2B0] =	vst v19;
	v19 =	vbroadcast v1, $0xE;
	v1 =	vbroadcast v1, $0xF;
	v36 =	vld [tilespmem:s9+$0xC4C0]  }
0xe2: {  	[tilespmem:s9+$0xE2C0] =	vst v11;
	v11 =	vmul.f32 v32, v14;
	v32 =	vmul.f32 v35, v14;
	v35 =	vld [tilespmem:s9+$0xC4D0]  }
0xe3: {  	[tilespmem:s9+$0xE2D0] =	vst v28;
	v28 =	vmul.f32 v37, v14;
	v14 =	vmul.f32 v31, v14;
	v31 =	vld [tilespmem:s9+$0xC4E0]  }
0xe4: {  	v37 =	vmul.f32 v23, v29;
	[tilespmem:s9+$0xE2E0] =	vst v12;
	v12 =	vmul.f32 v24, v29;
	v23 =	vld [tilespmem:s9+$0xC4F0]  }
0xe5: {  	[tilespmem:s9+$0xE2F0] =	vst v30;
	v30 =	vmul.f32 v26, v29;
	v29 =	vmul.f32 v33, v29  }
0xe6: {  	v33 =	vmul.f32 v18, v19;
	[tilespmem:s9+$0xE300] =	vst v8;
	v8 =	vmul.f32 v16, v19  }
0xe7: {  	v38 =	vmul.f32 v20, v19;
	v34 =	vmul.f32 v34, v19;
	[tilespmem:s9+$0xE310] =	vst v25  }
0xe8: {  	v36 =	vmul.f32 v36, v1;
	v35 =	vmul.f32 v35, v1;
	[tilespmem:s9+$0xE320] =	vst v7  }
0xe9: {  	v31 =	vmul.f32 v31, v1;
	[tilespmem:s9+$0xE330] =	vst v9;
	v1 =	vmul.f32 v23, v1  }
0xea: {  	[tilespmem:s9+$0xE340] =	vst v5  }
0xeb: {  	[tilespmem:s9+$0xE350] =	vst v21  }
0xec: {  	s20 =	sshra.s32 s10, $0x2;
	[tilespmem:s9+$0xE360] =	vst v6  }
0xed: {  	v25 =	vld [tilespmem:s20+$0xC100];
	[tilespmem:s9+$0xE370] =	vst v22  }
0xee: {  	v26 =	vld [tilespmem:s20+$0xC110];
	[tilespmem:s9+$0xE380] =	vst v4  }
0xef: {  	v24 =	vld [tilespmem:s20+$0xC120];
	[tilespmem:s9+$0xE390] =	vst v17  }
0xf0: {  	v23 =	vld [tilespmem:s20+$0xC130];
	[tilespmem:s9+$0xE3A0] =	vst v3  }
0xf1: {  	v21 =	vld [tilespmem:s20+$0xC140];
	[tilespmem:s9+$0xE3B0] =	vst v10  }
0xf2: {  	v22 =	vld [tilespmem:s20+$0xC150];
	[tilespmem:s9+$0xE3C0] =	vst v2  }
0xf3: {  	v20 =	vld [tilespmem:s20+$0xC160];
	[tilespmem:s9+$0xE3D0] =	vst v15  }
0xf4: {  	v19 =	vld [tilespmem:s20+$0xC170];
	[tilespmem:s9+$0xE3E0] =	vst v13  }
0xf5: {  	v17 =	vld [tilespmem:s20+$0xC180];
	[tilespmem:s9+$0xE3F0] =	vst v27  }
0xf6: {  	v18 =	vld [tilespmem:s20+$0xC190];
	[tilespmem:s9+$0xE400] =	vst v11  }
0xf7: {  	v16 =	vld [tilespmem:s20+$0xC1A0];
	[tilespmem:s9+$0xE410] =	vst v32  }
0xf8: {  	v15 =	vld [tilespmem:s20+$0xC1B0];
	[tilespmem:s9+$0xE420] =	vst v28  }
0xf9: {  	v13 =	vld [tilespmem:s20+$0xC1C0];
	[tilespmem:s9+$0xE430] =	vst v14  }
0xfa: {  	v14 =	vld [tilespmem:s20+$0xC1D0];
	[tilespmem:s9+$0xE440] =	vst v12  }
0xfb: {  	v11 =	vld [tilespmem:s20+$0xC1E0];
	[tilespmem:s9+$0xE450] =	vst v37  }
0xfc: {  	v12 =	vld [tilespmem:s20+$0xC1F0];
	[tilespmem:s9+$0xE460] =	vst v30  }
0xfd: {  	v9 =	vld [tilespmem:s20+$0xC200];
	[tilespmem:s9+$0xE470] =	vst v29  }
0xfe: {  	v10 =	vld [tilespmem:s20+$0xC210];
	[tilespmem:s9+$0xE480] =	vst v8  }
0xff: {  	v8 =	vld [tilespmem:s20+$0xC220];
	[tilespmem:s9+$0xE490] =	vst v33  }
0x100: {  	v7 =	vld [tilespmem:s20+$0xC230];
	[tilespmem:s9+$0xE4A0] =	vst v38  }
0x101: {  	v5 =	vld [tilespmem:s20+$0xC240];
	[tilespmem:s9+$0xE4B0] =	vst v34  }
.Ltmp3:
0x102: {  	v6 =	vld [tilespmem:s20+$0xC250];
	[tilespmem:s9+$0xE4C0] =	vst v36;
	(pc) =	sbr.rel @p1 .LBB2_5-.Ltmp3, $4  }
0x103: {  	v4 =	vld [tilespmem:s20+$0xC260];
	[tilespmem:s9+$0xE4D0] =	vst v35  }
0x104: {  	v3 =	vld [tilespmem:s20+$0xC270];
	[tilespmem:s9+$0xE4E0] =	vst v31  }
0x105: {  	s11 =	sadd.s32 $0x10, s11;
	v2 =	vld [tilespmem:s20+$0xC280];
	[tilespmem:s9+$0xE4F0] =	vst v1;
	s9 =	smov.u32 s20  }
0x106: {  	s10 =	sadd.s32 $0x1000, s10;
	v1 =	vld [tilespmem:s11+$0x0]  }
0x107: {  	_ =	sdelay $0x3  }
0x108: {  	v31 =	vbroadcast v1, $0x0;
	_ =	sdelay $0x1  }
0x109: {  	v25 =	vmul.f32 v31, v25  }
0x10a: {  	v26 =	vmul.f32 v26, v31  }
0x10b: {  	v36 =	vbroadcast v1, $0x1;
	v24 =	vmul.f32 v24, v31;
	[tilespmem:s9+$0xE100] =	vst v25  }
0x10c: {  	v23 =	vmul.f32 v23, v31;
	[tilespmem:s9+$0xE110] =	vst v26  }
0x10d: {  	v21 =	vmul.f32 v21, v36;
	[tilespmem:s9+$0xE120] =	vst v24  }
0x10e: {  	v22 =	vmul.f32 v22, v36;
	[tilespmem:s9+$0xE130] =	vst v23  }
0x10f: {  	v48 =	vbroadcast v1, $0x2;
	v20 =	vmul.f32 v20, v36;
	[tilespmem:s9+$0xE140] =	vst v21  }
0x110: {  	v19 =	vmul.f32 v19, v36;
	[tilespmem:s9+$0xE150] =	vst v22  }
0x111: {  	v17 =	vmul.f32 v17, v48;
	[tilespmem:s9+$0xE160] =	vst v20  }
0x112: {  	v18 =	vmul.f32 v18, v48;
	[tilespmem:s9+$0xE170] =	vst v19  }
0x113: {  	v49 =	vbroadcast v1, $0x3;
	v16 =	vmul.f32 v16, v48;
	[tilespmem:s9+$0xE180] =	vst v17  }
0x114: {  	v15 =	vmul.f32 v15, v48;
	[tilespmem:s9+$0xE190] =	vst v18  }
0x115: {  	v13 =	vmul.f32 v13, v49;
	[tilespmem:s9+$0xE1A0] =	vst v16  }
0x116: {  	v14 =	vmul.f32 v14, v49;
	[tilespmem:s9+$0xE1B0] =	vst v15  }
0x117: {  	v50 =	vbroadcast v1, $0x4;
	v11 =	vmul.f32 v11, v49;
	[tilespmem:s9+$0xE1C0] =	vst v13  }
0x118: {  	v12 =	vmul.f32 v12, v49;
	[tilespmem:s9+$0xE1D0] =	vst v14  }
0x119: {  	v9 =	vmul.f32 v9, v50;
	[tilespmem:s9+$0xE1E0] =	vst v11  }
0x11a: {  	v10 =	vmul.f32 v10, v50;
	[tilespmem:s9+$0xE1F0] =	vst v12  }
0x11b: {  	v51 =	vbroadcast v1, $0x5;
	v8 =	vmul.f32 v8, v50;
	[tilespmem:s9+$0xE200] =	vst v9  }
0x11c: {  	v7 =	vmul.f32 v7, v50;
	[tilespmem:s9+$0xE210] =	vst v10  }
0x11d: {  	v27 =	vld [tilespmem:s9+$0xC290];
	v5 =	vmul.f32 v5, v51;
	[tilespmem:s9+$0xE220] =	vst v8  }
0x11e: {  	v28 =	vld [tilespmem:s9+$0xC2A0];
	v6 =	vmul.f32 v6, v51;
	[tilespmem:s9+$0xE230] =	vst v7  }
0x11f: {  	v29 =	vld [tilespmem:s9+$0xC2B0];
	v52 =	vbroadcast v1, $0x6;
	v4 =	vmul.f32 v4, v51;
	[tilespmem:s9+$0xE240] =	vst v5  }
0x120: {  	v30 =	vld [tilespmem:s9+$0xC2C0];
	v3 =	vmul.f32 v3, v51;
	[tilespmem:s9+$0xE250] =	vst v6  }
0x121: {  	v32 =	vld [tilespmem:s9+$0xC2D0];
	v2 =	vmul.f32 v2, v52;
	[tilespmem:s9+$0xE260] =	vst v4  }
0x122: {  	v33 =	vld [tilespmem:s9+$0xC2E0];
	v27 =	vmul.f32 v27, v52;
	[tilespmem:s9+$0xE270] =	vst v3  }
0x123: {  	v34 =	vld [tilespmem:s9+$0xC2F0];
	v53 =	vbroadcast v1, $0x7;
	v28 =	vmul.f32 v28, v52;
	[tilespmem:s9+$0xE280] =	vst v2  }
0x124: {  	v35 =	vld [tilespmem:s9+$0xC300];
	v29 =	vmul.f32 v29, v52;
	[tilespmem:s9+$0xE290] =	vst v27  }
0x125: {  	v30 =	vmul.f32 v30, v53;
	v25 =	vld [tilespmem:s9+$0xC310];
	[tilespmem:s9+$0xE2A0] =	vst v28  }
0x126: {  	v56 =	vmul.f32 v32, v53;
	v26 =	vld [tilespmem:s9+$0xC320];
	[tilespmem:s9+$0xE2B0] =	vst v29  }
0x127: {  	v59 =	vbroadcast v1, $0x8;
	v58 =	vmul.f32 v33, v53;
	v24 =	vld [tilespmem:s9+$0xC330];
	[tilespmem:s9+$0xE2C0] =	vst v30  }
0x128: {  	v34 =	vmul.f32 v34, v53;
	v23 =	vld [tilespmem:s9+$0xC340];
	[tilespmem:s9+$0xE2D0] =	vst v56  }
0x129: {  	v61 =	vmul.f32 v35, v59;
	v21 =	vld [tilespmem:s9+$0xC350];
	[tilespmem:s9+$0xE2E0] =	vst v58  }
0x12a: {  	v22 =	vld [tilespmem:s9+$0xC360];
	[tilespmem:s9+$0xE2F0] =	vst v34;
	v25 =	vmul.f32 v25, v59  }
0x12b: {  	v63 =	vbroadcast v1, $0x9;
	v20 =	vld [tilespmem:s9+$0xC370];
	[tilespmem:s9+$0xE300] =	vst v61;
	v26 =	vmul.f32 v26, v59  }
0x12c: {  	v19 =	vld [tilespmem:s9+$0xC380];
	v24 =	vmul.f32 v24, v59;
	[tilespmem:s9+$0xE310] =	vst v25  }
0x12d: {  	v17 =	vld [tilespmem:s9+$0xC390];
	v23 =	vmul.f32 v23, v63;
	[tilespmem:s9+$0xE320] =	vst v26  }
0x12e: {  	v18 =	vld [tilespmem:s9+$0xC3A0];
	v21 =	vmul.f32 v21, v63;
	[tilespmem:s9+$0xE330] =	vst v24  }
0x12f: {  	v16 =	vld [tilespmem:s9+$0xC3B0];
	v22 =	vmul.f32 v22, v63;
	v24 =	vbroadcast v1, $0xA;
	[tilespmem:s9+$0xE340] =	vst v23  }
0x130: {  	v15 =	vld [tilespmem:s9+$0xC3C0];
	v20 =	vmul.f32 v20, v63;
	[tilespmem:s9+$0xE350] =	vst v21  }
0x131: {  	v13 =	vld [tilespmem:s9+$0xC3D0];
	[tilespmem:s9+$0xE360] =	vst v22;
	v19 =	vmul.f32 v19, v24  }
0x132: {  	v14 =	vld [tilespmem:s9+$0xC3E0];
	[tilespmem:s9+$0xE370] =	vst v20;
	v17 =	vmul.f32 v17, v24  }
0x133: {  	v11 =	vld [tilespmem:s9+$0xC3F0];
	v20 =	vbroadcast v1, $0xB;
	v18 =	vmul.f32 v18, v24;
	[tilespmem:s9+$0xE380] =	vst v19  }
0x134: {  	v12 =	vld [tilespmem:s9+$0xC400];
	v16 =	vmul.f32 v16, v24;
	[tilespmem:s9+$0xE390] =	vst v17  }
0x135: {  	v9 =	vld [tilespmem:s9+$0xC410];
	v15 =	vmul.f32 v15, v20;
	[tilespmem:s9+$0xE3A0] =	vst v18  }
0x136: {  	v10 =	vld [tilespmem:s9+$0xC420];
	v13 =	vmul.f32 v13, v20;
	[tilespmem:s9+$0xE3B0] =	vst v16  }
0x137: {  	v8 =	vld [tilespmem:s9+$0xC430];
	v14 =	vmul.f32 v14, v20;
	v16 =	vbroadcast v1, $0xC;
	[tilespmem:s9+$0xE3C0] =	vst v15  }
0x138: {  	v7 =	vld [tilespmem:s9+$0xC440];
	v11 =	vmul.f32 v11, v20;
	[tilespmem:s9+$0xE3D0] =	vst v13  }
0x139: {  	v5 =	vld [tilespmem:s9+$0xC450];
	[tilespmem:s9+$0xE3E0] =	vst v14;
	v12 =	vmul.f32 v12, v16  }
0x13a: {  	v6 =	vld [tilespmem:s9+$0xC460];
	[tilespmem:s9+$0xE3F0] =	vst v11;
	v9 =	vmul.f32 v9, v16  }
0x13b: {  	v4 =	vld [tilespmem:s9+$0xC470];
	v11 =	vbroadcast v1, $0xD;
	v10 =	vmul.f32 v10, v16;
	[tilespmem:s9+$0xE400] =	vst v12  }
0x13c: {  	v3 =	vld [tilespmem:s9+$0xC480];
	v8 =	vmul.f32 v8, v16;
	[tilespmem:s9+$0xE410] =	vst v9  }
0x13d: {  	v2 =	vld [tilespmem:s9+$0xC490];
	v7 =	vmul.f32 v7, v11;
	[tilespmem:s9+$0xE420] =	vst v10  }
0x13e: {  	v27 =	vld [tilespmem:s9+$0xC4A0];
	v5 =	vmul.f32 v5, v11;
	[tilespmem:s9+$0xE430] =	vst v8  }
0x13f: {  	v54 =	vld [tilespmem:s9+$0xC4B0];
	v6 =	vmul.f32 v6, v11;
	v8 =	vbroadcast v1, $0xE;
	[tilespmem:s9+$0xE440] =	vst v7  }
0x140: {  	v55 =	vld [tilespmem:s9+$0xC4C0];
	v4 =	vmul.f32 v4, v11;
	[tilespmem:s9+$0xE450] =	vst v5  }
0x141: {  	v57 =	vld [tilespmem:s9+$0xC4D0];
	[tilespmem:s9+$0xE460] =	vst v6;
	v3 =	vmul.f32 v3, v8  }
0x142: {  	v60 =	vld [tilespmem:s9+$0xC4E0];
	[tilespmem:s9+$0xE470] =	vst v4;
	v2 =	vmul.f32 v2, v8  }
0x143: {  	v62 =	vld [tilespmem:s9+$0xC4F0];
	v1 =	vbroadcast v1, $0xF;
	v4 =	vmul.f32 v27, v8;
	[tilespmem:s9+$0xE480] =	vst v3  }
0x144: {  	v3 =	vmul.f32 v54, v8;
	[tilespmem:s9+$0xE490] =	vst v2  }
0x145: {  	v2 =	vmul.f32 v55, v1;
	[tilespmem:s9+$0xE4A0] =	vst v4  }
0x146: {  	v4 =	vmul.f32 v57, v1;
	[tilespmem:s9+$0xE4B0] =	vst v3  }
0x147: {  	v3 =	vmul.f32 v60, v1;
	[tilespmem:s9+$0xE4C0] =	vst v2  }
0x148: {  	s10 =	sadd.s32 s5, s8;
	v1 =	vmul.f32 v62, v1;
	[tilespmem:s9+$0xE4D0] =	vst v4  }
0x149: {  	s10 =	sshll.u32 s10, $0x3;
	[tilespmem:s9+$0xE4E0] =	vst v3  }
0x14a: {  	p1 =	seq.s32 s18, $0x19;
	s30 =	sadd.s32 s3, s10;
	[tilespmem:s9+$0xE4F0] =	vst v1  }
0x14b: {  	[hbm4b:s30+s4] =	stream.linear.scatter [tilespmem:s25], [sflag:$0x3], $0x1000, $0x38;
	[tilespmem:$0x11100] =	vst v63  }
0x14c: {  	v1 =	vld @!p1 [tilespmem:s8+$0x80];
	_ =	sdelay $0x6  }
0x14d: {  	vm1 =	vmmov @!p1 $0xffff;
	s10 =	simm.s32 @!p1 $0xC100;
	s9 =	simm.s32 @!p1 $0x0  }
0x14e: {  	[tilespmem:s10], [sflag:$0x1] =	stream.indirect_vreg.gather @!p1 [hbm4b:s7+s9], $0x40, v1, vm1, $0xb8;
	[tilespmem:$0x11100] =	vst v63  }
0x14f: {  	v1 =	vld @!p1 [tilespmem:s8+$0x90];
	_ =	sdelay $0x6  }
0x150: {  	s10 =	simm.s32 @!p1 $0xC500  }
0x151: {  	[tilespmem:s10], [sflag:$0x1] =	stream.indirect_vreg.gather @!p1 [hbm4b:s7+s9], $0x40, v1, vm1, $0xb8;
	[tilespmem:$0x11100] =	vst v63  }
0x152: {  	v1 =	vld @!p1 [tilespmem:s8+$0xA0];
	_ =	sdelay $0x6  }
0x153: {  	s10 =	simm.s32 @!p1 $0xC900  }
0x154: {  	[tilespmem:s10], [sflag:$0x1] =	stream.indirect_vreg.gather @!p1 [hbm4b:s7+s9], $0x40, v1, vm1, $0xb8;
	[tilespmem:$0x11100] =	vst v63  }
0x155: {  	v1 =	vld @!p1 [tilespmem:s8+$0xB0];
	_ =	sdelay $0x6  }
0x156: {  	s10 =	simm.s32 @!p1 $0xCD00  }
0x157: {  	[tilespmem:s10], [sflag:$0x1] =	stream.indirect_vreg.gather @!p1 [hbm4b:s7+s9], $0x40, v1, vm1, $0xb8;
	[tilespmem:$0x11100] =	vst v63  }
0x158: {  	_ =	swait.ge [sflag:s26], $0x400  }
0x159: {  	[sflag:s26] =	ssyncset.done $0x0  }
0x15a: {  	[sflag:s26] =	ssyncadd.s32 $0xFFFFFC00  }
0x15b: {  	_ =	swait.ge [sflag:s26], $0x400  }
0x15c: {  	[sflag:s26] =	ssyncset.done $0x0  }
0x15d: {  	[sflag:s26] =	ssyncadd.s32 $0xFFFFFC00  }
0x15e: {  	_ =	swait.ge [sflag:s26], $0x400  }
0x15f: {  	[sflag:s26] =	ssyncset.done $0x0  }
0x160: {  	[sflag:s26] =	ssyncadd.s32 $0xFFFFFC00  }
0x161: {  	_ =	swait.ge [sflag:s26], $0x400  }
0x162: {  	[sflag:s26] =	ssyncset.done $0x0  }
0x163: {  	s9 =	simm.s32 @!p0 $0x4;
	[sflag:s26] =	ssyncadd.s32 $0xFFFFFC00  }
0x164: {  	_ =	swait.ge @!p0 [sflag:s9], $0x1000  }
0x165: {  	[sflag:s9] =	ssyncset.done @!p0 $0x0  }
0x166: {  	[sflag:s9] =	ssyncadd.s32 @!p0 $0xFFFFF000;
	s9 =	simm.s32 $0x0  }
0x167: {  	v25 =	vld [tilespmem:s9+$0xD100]  }
0x168: {  	v26 =	vld [tilespmem:s9+$0xD110]  }
0x169: {  	v24 =	vld [tilespmem:s9+$0xD120]  }
0x16a: {  	v23 =	vld [tilespmem:s9+$0xD130]  }
0x16b: {  	v21 =	vld [tilespmem:s9+$0xD140]  }
0x16c: {  	v22 =	vld [tilespmem:s9+$0xD150]  }
0x16d: {  	v20 =	vld [tilespmem:s9+$0xD160]  }
0x16e: {  	v19 =	vld [tilespmem:s9+$0xD170]  }
0x16f: {  	v17 =	vld [tilespmem:s9+$0xD180]  }
0x170: {  	v18 =	vld [tilespmem:s9+$0xD190]  }
0x171: {  	v16 =	vld [tilespmem:s9+$0xD1A0]  }
0x172: {  	v15 =	vld [tilespmem:s9+$0xD1B0]  }
0x173: {  	v13 =	vld [tilespmem:s9+$0xD1C0]  }
0x174: {  	v14 =	vld [tilespmem:s9+$0xD1D0]  }
0x175: {  	v11 =	vld [tilespmem:s9+$0xD1E0]  }
0x176: {  	v12 =	vld [tilespmem:s9+$0xD1F0]  }
0x177: {  	v9 =	vld [tilespmem:s9+$0xD200]  }
0x178: {  	v10 =	vld [tilespmem:s9+$0xD210]  }
0x179: {  	v8 =	vld [tilespmem:s9+$0xD220]  }
0x17a: {  	v7 =	vld [tilespmem:s9+$0xD230]  }
0x17b: {  	v5 =	vld [tilespmem:s9+$0xD240]  }
0x17c: {  	v6 =	vld [tilespmem:s9+$0xD250]  }
0x17d: {  	v4 =	vld [tilespmem:s9+$0xD260]  }
0x17e: {  	v3 =	vld [tilespmem:s9+$0xD270]  }
0x17f: {  	v2 =	vld [tilespmem:s9+$0xD280]  }
0x180: {  	s11 =	simm.s32 $0x1000;
	s20 =	smov.u32 s29;
	s10 =	sor.u32 $0x40, s8;
	v1 =	vld [tilespmem:s29+$0x0]  }
.LBB2_7:
0x181: {  	p0 =	sne.s32 s11, $0x3000;
	v27 =	vld [tilespmem:s9+$0xD290]  }
0x182: {  	v28 =	vld [tilespmem:s9+$0xD2A0]  }
0x183: {  	v29 =	vld [tilespmem:s9+$0xD2B0]  }
0x184: {  	v30 =	vld [tilespmem:s9+$0xD2C0]  }
0x185: {  	v31 =	vbroadcast v1, $0x0;
	v32 =	vbroadcast v1, $0x1;
	v33 =	vld [tilespmem:s9+$0xD2D0]  }
0x186: {  	v34 =	vbroadcast v1, $0x2;
	v35 =	vbroadcast v1, $0x3;
	v36 =	vld [tilespmem:s9+$0xD2E0]  }
0x187: {  	v25 =	vmul.f32 v31, v25;
	v26 =	vmul.f32 v26, v31;
	v37 =	vld [tilespmem:s9+$0xD2F0]  }
0x188: {  	v24 =	vmul.f32 v24, v31;
	v23 =	vmul.f32 v23, v31;
	v31 =	vld [tilespmem:s9+$0xD300]  }
0x189: {  	v21 =	vmul.f32 v21, v32;
	v22 =	vmul.f32 v22, v32;
	[tilespmem:s9+$0xF100] =	vst v25;
	v25 =	vld [tilespmem:s9+$0xD310]  }
0x18a: {  	v20 =	vmul.f32 v20, v32;
	v19 =	vmul.f32 v19, v32;
	[tilespmem:s9+$0xF110] =	vst v26;
	v26 =	vld [tilespmem:s9+$0xD320]  }
0x18b: {  	v17 =	vmul.f32 v17, v34;
	v18 =	vmul.f32 v18, v34;
	[tilespmem:s9+$0xF120] =	vst v24;
	v24 =	vld [tilespmem:s9+$0xD330]  }
0x18c: {  	v16 =	vmul.f32 v16, v34;
	v15 =	vmul.f32 v15, v34;
	[tilespmem:s9+$0xF130] =	vst v23;
	v23 =	vld [tilespmem:s9+$0xD340]  }
0x18d: {  	v13 =	vmul.f32 v13, v35;
	v14 =	vmul.f32 v14, v35;
	[tilespmem:s9+$0xF140] =	vst v21;
	v21 =	vld [tilespmem:s9+$0xD350]  }
0x18e: {  	v11 =	vmul.f32 v11, v35;
	v12 =	vmul.f32 v12, v35;
	[tilespmem:s9+$0xF150] =	vst v22;
	v22 =	vld [tilespmem:s9+$0xD360]  }
0x18f: {  	v32 =	vbroadcast v1, $0x5;
	[tilespmem:s9+$0xF160] =	vst v20;
	v20 =	vbroadcast v1, $0x4;
	v34 =	vld [tilespmem:s9+$0xD370]  }
0x190: {  	v35 =	vbroadcast v1, $0x7;
	[tilespmem:s9+$0xF170] =	vst v19;
	v19 =	vbroadcast v1, $0x6;
	v38 =	vld [tilespmem:s9+$0xD380]  }
0x191: {  	[tilespmem:s9+$0xF180] =	vst v17;
	v9 =	vmul.f32 v9, v20;
	v10 =	vmul.f32 v10, v20;
	v17 =	vld [tilespmem:s9+$0xD390]  }
0x192: {  	v8 =	vmul.f32 v8, v20;
	v7 =	vmul.f32 v7, v20;
	[tilespmem:s9+$0xF190] =	vst v18;
	v18 =	vld [tilespmem:s9+$0xD3A0]  }
0x193: {  	v5 =	vmul.f32 v5, v32;
	v6 =	vmul.f32 v6, v32;
	[tilespmem:s9+$0xF1A0] =	vst v16;
	v16 =	vld [tilespmem:s9+$0xD3B0]  }
0x194: {  	v4 =	vmul.f32 v4, v32;
	v3 =	vmul.f32 v3, v32;
	[tilespmem:s9+$0xF1B0] =	vst v15;
	v15 =	vld [tilespmem:s9+$0xD3C0]  }
0x195: {  	v2 =	vmul.f32 v2, v19;
	[tilespmem:s9+$0xF1C0] =	vst v13;
	v13 =	vmul.f32 v27, v19;
	v20 =	vld [tilespmem:s9+$0xD3D0]  }
0x196: {  	[tilespmem:s9+$0xF1D0] =	vst v14;
	v14 =	vmul.f32 v28, v19;
	v19 =	vmul.f32 v29, v19;
	v27 =	vld [tilespmem:s9+$0xD3E0]  }
0x197: {  	v28 =	vmul.f32 v33, v35;
	[tilespmem:s9+$0xF1E0] =	vst v11;
	v11 =	vmul.f32 v30, v35;
	v29 =	vld [tilespmem:s9+$0xD3F0]  }
0x198: {  	v30 =	vmul.f32 v37, v35;
	[tilespmem:s9+$0xF1F0] =	vst v12;
	v12 =	vmul.f32 v36, v35;
	v32 =	vld [tilespmem:s9+$0xD400]  }
0x199: {  	v33 =	vbroadcast v1, $0x9;
	[tilespmem:s9+$0xF200] =	vst v9;
	v9 =	vbroadcast v1, $0x8;
	v35 =	vld [tilespmem:s9+$0xD410]  }
0x19a: {  	v36 =	vbroadcast v1, $0xB;
	[tilespmem:s9+$0xF210] =	vst v10;
	v10 =	vbroadcast v1, $0xA;
	v37 =	vld [tilespmem:s9+$0xD420]  }
0x19b: {  	[tilespmem:s9+$0xF220] =	vst v8;
	v8 =	vmul.f32 v31, v9;
	v25 =	vmul.f32 v25, v9;
	v31 =	vld [tilespmem:s9+$0xD430]  }
0x19c: {  	[tilespmem:s9+$0xF230] =	vst v7;
	v7 =	vmul.f32 v26, v9;
	v9 =	vmul.f32 v24, v9;
	v24 =	vld [tilespmem:s9+$0xD440]  }
0x19d: {  	v21 =	vmul.f32 v21, v33;
	[tilespmem:s9+$0xF240] =	vst v5;
	v5 =	vmul.f32 v23, v33;
	v23 =	vld [tilespmem:s9+$0xD450]  }
0x19e: {  	[tilespmem:s9+$0xF250] =	vst v6;
	v6 =	vmul.f32 v22, v33;
	v22 =	vmul.f32 v34, v33;
	v26 =	vld [tilespmem:s9+$0xD460]  }
0x19f: {  	v17 =	vmul.f32 v17, v10;
	[tilespmem:s9+$0xF260] =	vst v4;
	v4 =	vmul.f32 v38, v10;
	v33 =	vld [tilespmem:s9+$0xD470]  }
0x1a0: {  	[tilespmem:s9+$0xF270] =	vst v3;
	v3 =	vmul.f32 v18, v10;
	v10 =	vmul.f32 v16, v10;
	v16 =	vld [tilespmem:s9+$0xD480]  }
0x1a1: {  	[tilespmem:s9+$0xF280] =	vst v2;
	v2 =	vmul.f32 v15, v36;
	v15 =	vmul.f32 v20, v36;
	v18 =	vld [tilespmem:s9+$0xD490]  }
0x1a2: {  	[tilespmem:s9+$0xF290] =	vst v13;
	v13 =	vmul.f32 v27, v36;
	v27 =	vmul.f32 v29, v36;
	v20 =	vld [tilespmem:s9+$0xD4A0]  }
0x1a3: {  	v29 =	vbroadcast v1, $0xD;
	[tilespmem:s9+$0xF2A0] =	vst v14;
	v14 =	vbroadcast v1, $0xC;
	v34 =	vld [tilespmem:s9+$0xD4B0]  }
0x1a4: {  	[tilespmem:s9+$0xF2B0] =	vst v19;
	v19 =	vbroadcast v1, $0xE;
	v1 =	vbroadcast v1, $0xF;
	v36 =	vld [tilespmem:s9+$0xD4C0]  }
0x1a5: {  	[tilespmem:s9+$0xF2C0] =	vst v11;
	v11 =	vmul.f32 v32, v14;
	v32 =	vmul.f32 v35, v14;
	v35 =	vld [tilespmem:s9+$0xD4D0]  }
0x1a6: {  	[tilespmem:s9+$0xF2D0] =	vst v28;
	v28 =	vmul.f32 v37, v14;
	v14 =	vmul.f32 v31, v14;
	v31 =	vld [tilespmem:s9+$0xD4E0]  }
0x1a7: {  	v37 =	vmul.f32 v23, v29;
	[tilespmem:s9+$0xF2E0] =	vst v12;
	v12 =	vmul.f32 v24, v29;
	v23 =	vld [tilespmem:s9+$0xD4F0]  }
0x1a8: {  	[tilespmem:s9+$0xF2F0] =	vst v30;
	v30 =	vmul.f32 v26, v29;
	v29 =	vmul.f32 v33, v29  }
0x1a9: {  	v33 =	vmul.f32 v18, v19;
	[tilespmem:s9+$0xF300] =	vst v8;
	v8 =	vmul.f32 v16, v19  }
0x1aa: {  	v38 =	vmul.f32 v20, v19;
	v34 =	vmul.f32 v34, v19;
	[tilespmem:s9+$0xF310] =	vst v25  }
0x1ab: {  	v36 =	vmul.f32 v36, v1;
	v35 =	vmul.f32 v35, v1;
	[tilespmem:s9+$0xF320] =	vst v7  }
0x1ac: {  	v31 =	vmul.f32 v31, v1;
	[tilespmem:s9+$0xF330] =	vst v9;
	v1 =	vmul.f32 v23, v1  }
0x1ad: {  	[tilespmem:s9+$0xF340] =	vst v5  }
0x1ae: {  	[tilespmem:s9+$0xF350] =	vst v21  }
0x1af: {  	s30 =	sshra.s32 s11, $0x2;
	[tilespmem:s9+$0xF360] =	vst v6  }
0x1b0: {  	v25 =	vld [tilespmem:s30+$0xD100];
	[tilespmem:s9+$0xF370] =	vst v22  }
0x1b1: {  	v26 =	vld [tilespmem:s30+$0xD110];
	[tilespmem:s9+$0xF380] =	vst v4  }
0x1b2: {  	v24 =	vld [tilespmem:s30+$0xD120];
	[tilespmem:s9+$0xF390] =	vst v17  }
0x1b3: {  	v23 =	vld [tilespmem:s30+$0xD130];
	[tilespmem:s9+$0xF3A0] =	vst v3  }
0x1b4: {  	v21 =	vld [tilespmem:s30+$0xD140];
	[tilespmem:s9+$0xF3B0] =	vst v10  }
0x1b5: {  	v22 =	vld [tilespmem:s30+$0xD150];
	[tilespmem:s9+$0xF3C0] =	vst v2  }
0x1b6: {  	v20 =	vld [tilespmem:s30+$0xD160];
	[tilespmem:s9+$0xF3D0] =	vst v15  }
0x1b7: {  	v19 =	vld [tilespmem:s30+$0xD170];
	[tilespmem:s9+$0xF3E0] =	vst v13  }
0x1b8: {  	v17 =	vld [tilespmem:s30+$0xD180];
	[tilespmem:s9+$0xF3F0] =	vst v27  }
0x1b9: {  	v18 =	vld [tilespmem:s30+$0xD190];
	[tilespmem:s9+$0xF400] =	vst v11  }
0x1ba: {  	v16 =	vld [tilespmem:s30+$0xD1A0];
	[tilespmem:s9+$0xF410] =	vst v32  }
0x1bb: {  	v15 =	vld [tilespmem:s30+$0xD1B0];
	[tilespmem:s9+$0xF420] =	vst v28  }
0x1bc: {  	v13 =	vld [tilespmem:s30+$0xD1C0];
	[tilespmem:s9+$0xF430] =	vst v14  }
0x1bd: {  	v14 =	vld [tilespmem:s30+$0xD1D0];
	[tilespmem:s9+$0xF440] =	vst v12  }
0x1be: {  	v11 =	vld [tilespmem:s30+$0xD1E0];
	[tilespmem:s9+$0xF450] =	vst v37  }
0x1bf: {  	v12 =	vld [tilespmem:s30+$0xD1F0];
	[tilespmem:s9+$0xF460] =	vst v30  }
0x1c0: {  	v9 =	vld [tilespmem:s30+$0xD200];
	[tilespmem:s9+$0xF470] =	vst v29  }
0x1c1: {  	v10 =	vld [tilespmem:s30+$0xD210];
	[tilespmem:s9+$0xF480] =	vst v8  }
0x1c2: {  	v8 =	vld [tilespmem:s30+$0xD220];
	[tilespmem:s9+$0xF490] =	vst v33  }
0x1c3: {  	v7 =	vld [tilespmem:s30+$0xD230];
	[tilespmem:s9+$0xF4A0] =	vst v38  }
0x1c4: {  	v5 =	vld [tilespmem:s30+$0xD240];
	[tilespmem:s9+$0xF4B0] =	vst v34  }
.Ltmp4:
0x1c5: {  	v6 =	vld [tilespmem:s30+$0xD250];
	[tilespmem:s9+$0xF4C0] =	vst v36;
	(pc) =	sbr.rel @p0 .LBB2_7-.Ltmp4, $4  }
0x1c6: {  	v4 =	vld [tilespmem:s30+$0xD260];
	[tilespmem:s9+$0xF4D0] =	vst v35  }
0x1c7: {  	v3 =	vld [tilespmem:s30+$0xD270];
	[tilespmem:s9+$0xF4E0] =	vst v31  }
0x1c8: {  	s20 =	sadd.s32 $0x10, s20;
	v2 =	vld [tilespmem:s30+$0xD280];
	[tilespmem:s9+$0xF4F0] =	vst v1;
	s9 =	smov.u32 s30  }
0x1c9: {  	s11 =	sadd.s32 $0x1000, s11;
	v1 =	vld [tilespmem:s20+$0x0]  }
0x1ca: {  	_ =	sdelay $0x3  }
0x1cb: {  	v31 =	vbroadcast v1, $0x0;
	_ =	sdelay $0x1  }
0x1cc: {  	v25 =	vmul.f32 v31, v25  }
0x1cd: {  	v26 =	vmul.f32 v26, v31  }
0x1ce: {  	v36 =	vbroadcast v1, $0x1;
	v24 =	vmul.f32 v24, v31;
	[tilespmem:s9+$0xF100] =	vst v25  }
0x1cf: {  	v23 =	vmul.f32 v23, v31;
	[tilespmem:s9+$0xF110] =	vst v26  }
0x1d0: {  	v21 =	vmul.f32 v21, v36;
	[tilespmem:s9+$0xF120] =	vst v24  }
0x1d1: {  	v22 =	vmul.f32 v22, v36;
	[tilespmem:s9+$0xF130] =	vst v23  }
0x1d2: {  	v57 =	vbroadcast v1, $0x2;
	v20 =	vmul.f32 v20, v36;
	[tilespmem:s9+$0xF140] =	vst v21  }
0x1d3: {  	v19 =	vmul.f32 v19, v36;
	[tilespmem:s9+$0xF150] =	vst v22  }
0x1d4: {  	v17 =	vmul.f32 v17, v57;
	[tilespmem:s9+$0xF160] =	vst v20  }
0x1d5: {  	v18 =	vmul.f32 v18, v57;
	[tilespmem:s9+$0xF170] =	vst v19  }
0x1d6: {  	v58 =	vbroadcast v1, $0x3;
	v16 =	vmul.f32 v16, v57;
	[tilespmem:s9+$0xF180] =	vst v17  }
0x1d7: {  	v15 =	vmul.f32 v15, v57;
	[tilespmem:s9+$0xF190] =	vst v18  }
0x1d8: {  	v13 =	vmul.f32 v13, v58;
	[tilespmem:s9+$0xF1A0] =	vst v16  }
0x1d9: {  	v14 =	vmul.f32 v14, v58;
	[tilespmem:s9+$0xF1B0] =	vst v15  }
0x1da: {  	v59 =	vbroadcast v1, $0x4;
	v11 =	vmul.f32 v11, v58;
	[tilespmem:s9+$0xF1C0] =	vst v13  }
0x1db: {  	v12 =	vmul.f32 v12, v58;
	[tilespmem:s9+$0xF1D0] =	vst v14  }
0x1dc: {  	v9 =	vmul.f32 v9, v59;
	[tilespmem:s9+$0xF1E0] =	vst v11  }
0x1dd: {  	v10 =	vmul.f32 v10, v59;
	[tilespmem:s9+$0xF1F0] =	vst v12  }
0x1de: {  	v62 =	vbroadcast v1, $0x5;
	v8 =	vmul.f32 v8, v59;
	[tilespmem:s9+$0xF200] =	vst v9  }
0x1df: {  	v7 =	vmul.f32 v7, v59;
	[tilespmem:s9+$0xF210] =	vst v10  }
0x1e0: {  	v27 =	vld [tilespmem:s9+$0xD290];
	v5 =	vmul.f32 v5, v62;
	[tilespmem:s9+$0xF220] =	vst v8  }
0x1e1: {  	v28 =	vld [tilespmem:s9+$0xD2A0];
	v6 =	vmul.f32 v6, v62;
	[tilespmem:s9+$0xF230] =	vst v7  }
0x1e2: {  	v29 =	vld [tilespmem:s9+$0xD2B0];
	v43 =	vbroadcast v1, $0x6;
	v4 =	vmul.f32 v4, v62;
	[tilespmem:s9+$0xF240] =	vst v5  }
0x1e3: {  	v30 =	vld [tilespmem:s9+$0xD2C0];
	v3 =	vmul.f32 v3, v62;
	[tilespmem:s9+$0xF250] =	vst v6  }
0x1e4: {  	v32 =	vld [tilespmem:s9+$0xD2D0];
	v2 =	vmul.f32 v2, v43;
	[tilespmem:s9+$0xF260] =	vst v4  }
0x1e5: {  	v33 =	vld [tilespmem:s9+$0xD2E0];
	v27 =	vmul.f32 v27, v43;
	[tilespmem:s9+$0xF270] =	vst v3  }
0x1e6: {  	v34 =	vld [tilespmem:s9+$0xD2F0];
	v46 =	vbroadcast v1, $0x7;
	v28 =	vmul.f32 v28, v43;
	[tilespmem:s9+$0xF280] =	vst v2  }
0x1e7: {  	v35 =	vld [tilespmem:s9+$0xD300];
	v29 =	vmul.f32 v29, v43;
	[tilespmem:s9+$0xF290] =	vst v27  }
0x1e8: {  	v56 =	vld [tilespmem:s9+$0xD310];
	v30 =	vmul.f32 v30, v46;
	[tilespmem:s9+$0xF2A0] =	vst v28  }
0x1e9: {  	v60 =	vld [tilespmem:s9+$0xD410];
	v49 =	vmul.f32 v32, v46;
	[tilespmem:s9+$0xF2B0] =	vst v29  }
0x1ea: {  	v61 =	vld [tilespmem:s9+$0xD420];
	v52 =	vbroadcast v1, $0x8;
	v51 =	vmul.f32 v33, v46;
	[tilespmem:s9+$0xF2C0] =	vst v30  }
0x1eb: {  	v63 =	vld [tilespmem:s9+$0xD430];
	v34 =	vmul.f32 v34, v46;
	[tilespmem:s9+$0xF2D0] =	vst v49  }
0x1ec: {  	v40 =	vld [tilespmem:s9+$0xD440];
	v54 =	vmul.f32 v35, v52;
	v59 =	vbroadcast v1, $0xC;
	[tilespmem:s9+$0xF2E0] =	vst v51  }
0x1ed: {  	v41 =	vld [tilespmem:s9+$0xD450];
	v25 =	vmul.f32 v56, v52;
	[tilespmem:s9+$0xF2F0] =	vst v34  }
0x1ee: {  	v42 =	vld [tilespmem:s9+$0xD460];
	[tilespmem:s9+$0xF300] =	vst v54;
	v9 =	vmul.f32 v60, v59  }
0x1ef: {  	v44 =	vld [tilespmem:s9+$0xD470];
	v60 =	vbroadcast v1, $0xD;
	v10 =	vmul.f32 v61, v59;
	[tilespmem:s9+$0xF310] =	vst v25  }
0x1f0: {  	v45 =	vld [tilespmem:s9+$0xD4A0];
	v57 =	vbroadcast v1, $0xA;
	v8 =	vmul.f32 v63, v59;
	[tilespmem:s9+$0xF410] =	vst v9  }
0x1f1: {  	v50 =	vld [tilespmem:s9+$0xD4D0];
	v58 =	vbroadcast v1, $0xB;
	v7 =	vmul.f32 v40, v60;
	[tilespmem:s9+$0xF420] =	vst v10  }
0x1f2: {  	v26 =	vld [tilespmem:s9+$0xD320];
	v56 =	vbroadcast v1, $0x9;
	v5 =	vmul.f32 v41, v60;
	[tilespmem:s9+$0xF430] =	vst v8  }
0x1f3: {  	v24 =	vld [tilespmem:s9+$0xD330];
	v61 =	vbroadcast v1, $0xE;
	v6 =	vmul.f32 v42, v60;
	[tilespmem:s9+$0xF440] =	vst v7  }
0x1f4: {  	v23 =	vld [tilespmem:s9+$0xD340];
	v1 =	vbroadcast v1, $0xF;
	v4 =	vmul.f32 v44, v60;
	[tilespmem:s9+$0xF450] =	vst v5  }
0x1f5: {  	v21 =	vld [tilespmem:s9+$0xD350];
	v62 =	vmul.f32 v45, v61;
	[tilespmem:s9+$0xF460] =	vst v6  }
0x1f6: {  	v22 =	vld [tilespmem:s9+$0xD360];
	v63 =	vmul.f32 v50, v1;
	[tilespmem:s9+$0xF470] =	vst v4  }
0x1f7: {  	v20 =	vld [tilespmem:s9+$0xD370];
	[tilespmem:s9+$0xF4A0] =	vst v62;
	v26 =	vmul.f32 v26, v52  }
0x1f8: {  	v19 =	vld [tilespmem:s9+$0xD380];
	[tilespmem:s9+$0xF4D0] =	vst v63;
	v24 =	vmul.f32 v24, v52  }
0x1f9: {  	v17 =	vld [tilespmem:s9+$0xD390];
	v23 =	vmul.f32 v23, v56;
	[tilespmem:s9+$0xF320] =	vst v26  }
0x1fa: {  	v18 =	vld [tilespmem:s9+$0xD3A0];
	v21 =	vmul.f32 v21, v56;
	[tilespmem:s9+$0xF330] =	vst v24  }
0x1fb: {  	v16 =	vld [tilespmem:s9+$0xD3B0];
	v22 =	vmul.f32 v22, v56;
	[tilespmem:s9+$0xF340] =	vst v23  }
0x1fc: {  	v15 =	vld [tilespmem:s9+$0xD3C0];
	v20 =	vmul.f32 v20, v56;
	[tilespmem:s9+$0xF350] =	vst v21  }
0x1fd: {  	v13 =	vld [tilespmem:s9+$0xD3D0];
	v19 =	vmul.f32 v19, v57;
	[tilespmem:s9+$0xF360] =	vst v22  }
0x1fe: {  	v14 =	vld [tilespmem:s9+$0xD3E0];
	v17 =	vmul.f32 v17, v57;
	[tilespmem:s9+$0xF370] =	vst v20  }
0x1ff: {  	v11 =	vld [tilespmem:s9+$0xD3F0];
	v18 =	vmul.f32 v18, v57;
	[tilespmem:s9+$0xF380] =	vst v19  }
0x200: {  	v12 =	vld [tilespmem:s9+$0xD400];
	v16 =	vmul.f32 v16, v57;
	[tilespmem:s9+$0xF390] =	vst v17  }
0x201: {  	v3 =	vld [tilespmem:s9+$0xD480];
	v15 =	vmul.f32 v15, v58;
	[tilespmem:s9+$0xF3A0] =	vst v18  }
0x202: {  	v2 =	vld [tilespmem:s9+$0xD490];
	v13 =	vmul.f32 v13, v58;
	[tilespmem:s9+$0xF3B0] =	vst v16  }
0x203: {  	v47 =	vld [tilespmem:s9+$0xD4B0];
	v14 =	vmul.f32 v14, v58;
	[tilespmem:s9+$0xF3C0] =	vst v15  }
0x204: {  	v48 =	vld [tilespmem:s9+$0xD4C0];
	v11 =	vmul.f32 v11, v58;
	[tilespmem:s9+$0xF3D0] =	vst v13  }
0x205: {  	v53 =	vld [tilespmem:s9+$0xD4E0];
	v12 =	vmul.f32 v12, v59;
	[tilespmem:s9+$0xF3E0] =	vst v14  }
0x206: {  	v55 =	vld [tilespmem:s9+$0xD4F0];
	v3 =	vmul.f32 v3, v61;
	[tilespmem:s9+$0xF3F0] =	vst v11  }
0x207: {  	v2 =	vmul.f32 v2, v61;
	[tilespmem:s9+$0xF400] =	vst v12  }
0x208: {  	[tilespmem:s9+$0xF480] =	vst v3;
	v3 =	vmul.f32 v47, v61  }
0x209: {  	[tilespmem:s9+$0xF490] =	vst v2;
	v2 =	vmul.f32 v48, v1  }
.Ltmp5:
0x20a: {  	s10 =	sadd.s32 s5, s10;
	[tilespmem:s9+$0xF4B0] =	vst v3;
	v3 =	vmul.f32 v53, v1;
	(pc) =	sbr.rel @p1 .LBB2_10-.Ltmp5, $4  }
0x20b: {  	s10 =	sshll.u32 s10, $0x3;
	[tilespmem:s9+$0xF4C0] =	vst v2;
	v1 =	vmul.f32 v55, v1  }
0x20c: {  	s10 =	sand.u32 $0x1FFFFE00, s10;
	[tilespmem:s9+$0xF4E0] =	vst v3  }
0x20d: {  	s30 =	sadd.s32 s3, s10;
	[tilespmem:s9+$0xF4F0] =	vst v1  }
0x20e: {  	[hbm4b:s30+s4] =	stream.linear.scatter [tilespmem:s28], [sflag:$0x4], $0x1000, $0x38;
	[tilespmem:$0x11100] =	vst v63  }
0x20f: {  	v1 =	vld [tilespmem:s8+$0xC0];
	_ =	sdelay $0x7  }
0x210: {  	[tilespmem:s21], [sflag:$0x2] =	stream.indirect_vreg.gather [hbm4b:s7+s4], $0x40, v1, vm0, $0xb8;
	[tilespmem:$0x11100] =	vst v63  }
0x211: {  	v1 =	vld [tilespmem:s8+$0xD0];
	_ =	sdelay $0x7  }
0x212: {  	[tilespmem:s22], [sflag:$0x2] =	stream.indirect_vreg.gather [hbm4b:s7+s4], $0x40, v1, vm0, $0xb8;
	[tilespmem:$0x11100] =	vst v63  }
0x213: {  	v1 =	vld [tilespmem:s8+$0xE0];
	_ =	sdelay $0x7  }
0x214: {  	[tilespmem:s23], [sflag:$0x2] =	stream.indirect_vreg.gather [hbm4b:s7+s4], $0x40, v1, vm0, $0xb8;
	[tilespmem:$0x11100] =	vst v63  }
0x215: {  	v1 =	vld [tilespmem:s8+$0xF0];
	_ =	sdelay $0x3  }
.Ltmp6:
0x216: {  	_ = 	snop;
	(pc) =	sbr.rel .LBB2_4-.Ltmp6, $3  }
0x217: {  	_ =	sdelay $0x1  }
0x218: {  	s18 =	sadd.s32 $0x1, s18;
	s19 =	sadd.s32 $0x80, s19;
	s29 =	sadd.s32 $0x80, s29  }
0x219: {  	[tilespmem:s24], [sflag:$0x2] =	stream.indirect_vreg.gather [hbm4b:s7+s4], $0x40, v1, vm0, $0xb8;
	[tilespmem:$0x11100] =	vst v63  }
.LBB2_10:
0x21a: {  	s8 =	simm.s32 $0x3  }
0x21b: {  	p0 =	slt.s32 s17, $0x1;
	_ =	swait.ge [sflag:s8], $0x1000  }
.Ltmp7:
0x21c: {  	[sflag:s8] =	ssyncset.done $0x0;
	(pc) =	sbr.rel @p0 .LBB2_14-.Ltmp7, $4  }
0x21d: {  	s30 =	simm.s32 $0x4;
	[sflag:s8] =	ssyncadd.s32 $0xFFFFF000  }
0x21e: {  	_ =	swait.ge [sflag:s30], $0x1000  }
0x21f: {  	[sflag:s30] =	ssyncset.done $0x0  }
0x220: {  	[sflag:s30] =	ssyncadd.s32 $0xFFFFF000  }
0x221: {  	s8 =	simm.s32 $0xB400;
	s9 =	simm.s32 $0x9A00  }
0x222: {  	[tilespmem:s8], [sflag:$0x5] =	stream.indirect.gather [hbm4b:s2+s31], $0x1, s9, s31, $0xb8;
	[tilespmem:$0x11100] =	vst v63  }
0x223: {  	_ =	swait.ge [sflag:s13], $0x40  }
0x224: {  	[sflag:s13] =	ssyncset.done $0x0  }
0x225: {  	[sflag:s13] =	ssyncadd.s32 $0xFFFFFFC0  }
0x226: {  	[tilespmem:s1], [sflag:$0x5] =	stream.indirect.gather [hbm4b:s6+s31], $0x40, s8, s31, $0xb8;
	[tilespmem:$0x11100] =	vst v63  }
0x227: {  	p0 =	sne.s32 s17, $0x1;
	_ =	swait.ge [sflag:s13], $0x1000  }
.Ltmp8:
0x228: {  	[sflag:s13] =	ssyncset.done $0x0;
	(pc) =	sbr.rel @!p0 .LBB2_13-.Ltmp8, $4  }
0x229: {  	s10 =	simm.s32 $0xA700;
	[sflag:s13] =	ssyncadd.s32 $0xFFFFF000  }
0x22a: {  	[hbm4b:s3+s31] =	stream.indirect.scatter [tilespmem:s1], [sflag:$0x5], $0x40, s10, s31, $0xb8;
	[tilespmem:$0x11100] =	vst v63  }
0x22b: {  	_ =	swait.ge [sflag:s13], $0x1000  }
0x22c: {  	s11 =	simm.s32 $0xA740;
	s10 =	sadd.s32 $0xFFFFFFFF, s17;
	[sflag:s13] =	ssyncset.done $0x0  }
.LBB2_12:
0x22d: {  	[sflag:s13] =	ssyncadd.s32 $0xFFFFF000;
	s8 =	sadd.s32 $0x40, s8;
	s9 =	sadd.s32 $0x40, s9  }
0x22e: {  	[tilespmem:s8], [sflag:$0x5] =	stream.indirect.gather [hbm4b:s2+s31], $0x1, s9, s31, $0xb8;
	[tilespmem:$0x11100] =	vst v63  }
0x22f: {  	p0 =	sne.s32 s10, $0x1;
	s10 =	sadd.s32 $0xFFFFFFFF, s10;
	_ =	swait.ge [sflag:s13], $0x40  }
0x230: {  	[sflag:s13] =	ssyncset.done $0x0  }
0x231: {  	[sflag:s13] =	ssyncadd.s32 $0xFFFFFFC0  }
0x232: {  	[tilespmem:s1], [sflag:$0x5] =	stream.indirect.gather [hbm4b:s6+s31], $0x40, s8, s31, $0xb8;
	[tilespmem:$0x11100] =	vst v63  }
0x233: {  	_ =	swait.ge [sflag:s13], $0x1000  }
.Ltmp9:
0x234: {  	[sflag:s13] =	ssyncset.done $0x0;
	(pc) =	sbr.rel @p0 .LBB2_12-.Ltmp9, $4  }
0x235: {  	[sflag:s13] =	ssyncadd.s32 $0xFFFFF000  }
0x236: {  	[hbm4b:s3+s31] =	stream.indirect.scatter [tilespmem:s1], [sflag:$0x5], $0x40, s11, s31, $0xb8;
	[tilespmem:$0x11100] =	vst v63  }
0x237: {  	_ =	swait.ge [sflag:s13], $0x1000  }
0x238: {  	s11 =	sadd.s32 $0x40, s11;
	[sflag:s13] =	ssyncset.done $0x0  }
.Ltmp10:
0x239: {  	_ = 	snop;
	(pc) =	sbr.rel .LBB2_13-.Ltmp10, $1  }
0x23a: {  	_ =	sdelay $0x3  }
.LBB2_15:
0x23b: {  	_ =	sfence.sel $0x180000  }
0x23c: {  	[bflag:$0x0] =	sbarrier.arrive $0xFFFF  }
0x23d: {  	_ =	strace $0x90000047  }
0x23e: {  	s0 =	stileid.u32;
	[bflag:$0x2] =	sbarrier.arrive $0xFFFF  }
0x23f: {  	p0 =	sne.s32 s0, $0x0;
	s0 =	rddreg [dreg:$0x3]  }
0x240: {  	s0 =	sadd.s32 @!p0 $0x100000, s0  }
0x241: {  	[sflag:s0] =	ssyncadd.tile.s32 @!p0 $0x1;
	_ =	shalt  }
.Lfunc_end2:
_tile_overlayer_lowered:
.L_overlay_start_2:
0x242: {  	(tag) =	ssettag $0x2  }
0x243: {  	s0 =	rddreg [dreg:$0x0];
	s2 =	stileid.u32  }
0x244: {  	s1 =	rddreg [dreg:$0x1];
	p0 =	sne.s32 s2, $0x0  }
0x245: {  	s3 =	rddreg [dreg:$0x2];
	[bflag:$0x3] =	sbarrier.arrive $0xFFFF;
	s2 =	simm.s32 @!p0 $0x1C05  }
0x246: {  	[timem:s3], [sflag:s2] =	dma.local @!p0 [hbm:s0], s1  }
0x247: {  	s0 =	simm.s32 @!p0 $0x5  }
0x248: {  	_ =	swait.ge @!p0 [sflag:s0], s1  }
0x249: {  	s1 =	ssub.s32 @!p0 $0x0, s1;
	[sflag:s0] =	ssyncset.done @!p0 $0x0  }
0x24a: {  	[sflag:s0] =	ssyncadd.s32 @!p0 s1  }
0x24b: {  	[bflag:$0x3] =	sbarrier.arrive $0xFFFF  }
0x24c: {  	_ =	shalt  }

</sc_bundles>
